<compile_context>
chip_gen: v7x
topology: tpu7x:2x2x1
jax: 0.10.2.dev20260603
libtpu: 0.0.44.dev20260713+nightly
codegen_flags: <defaults>
</compile_context>

<pallas_src>
import functools

import jax
import jax.numpy as jnp
from jax import lax
from jax.experimental import pallas as pl
from jax.experimental.pallas import tpu as pltpu
from jax.experimental.pallas import tpu_sc as plsc

_N = 10000
_D = 128
_E = 320000

_NC = 2
_NS = 16
_LANES = 16

_HALF = _N // _NC
_NDUM = 8
_EPT = (2 * _E) // _NS
_CH = 400
_NCH = _EPT // _CH
_ZROWS = (_HALF + _NDUM) // _NS



def _mm_body(x_ref, w_ref, y_ref):
    xb = x_ref[...]
    y_ref[0] = jnp.dot(xb, w_ref[0], preferred_element_type=jnp.float32)
    y_ref[1] = jnp.dot(xb, w_ref[1], preferred_element_type=jnp.float32)


def _project(x, w2):
    blk = 1000
    return pl.pallas_call(
        _mm_body,
        grid=(_N // blk,),
        in_specs=[
            pl.BlockSpec((blk, _D), lambda i: (i, 0)),
            pl.BlockSpec((2, _D, _D), lambda i: (0, 0, 0)),
        ],
        out_specs=pl.BlockSpec((2, blk, _D), lambda i: (0, i, 0)),
        out_shape=jax.ShapeDtypeStruct((2, _N, _D), jnp.float32),
    )(x, w2)



def _spmm_sc(ycat, dstcat, srccat, ewcat):
    mesh = plsc.VectorSubcoreMesh(core_axis_name="c", subcore_axis_name="s")

    @functools.partial(
        pl.kernel,
        out_type=jax.ShapeDtypeStruct((_NC, _HALF, _D), jnp.float32),
        mesh=mesh,
        scratch_types=[
            [pltpu.VMEM((_CH,), jnp.int32)] * 1,
            [pltpu.VMEM((_CH,), jnp.int32)] * 1,
            [pltpu.VMEM((_CH,), jnp.float32)] * 1,
            [pltpu.VMEM((_CH,), jnp.int32)] * 1,
            pltpu.VMEM((1, _CH, _D), jnp.float32),
            pltpu.VMEM_SHARED((_HALF + _NDUM, _D), jnp.float32),
            [pltpu.SemaphoreType.DMA] * 1,
            [pltpu.SemaphoreType.DMA] * 1,
        ],
    )
    def spmm(y_hbm, dst_hbm, src_hbm, ew_hbm, out_hbm, dst_v, src_v, w_v,
             sdst_v, rows_v, acc_sh, se, sg):
        c = lax.axis_index("c")
        s = lax.axis_index("s")
        lo = c * _HALF
        lane = lax.iota(jnp.int32, _LANES)

        @pl.loop(0, _ZROWS)
        def _zero_rows(e):
            for j in range(_D // _LANES):
                rows_v[0, e, pl.ds(j * _LANES, _LANES)] = jnp.zeros(
                    (_LANES,), jnp.float32)

        pltpu.sync_copy(
            rows_v.at[0, pl.ds(0, _ZROWS)],
            acc_sh.at[pl.ds(s * _ZROWS, _ZROWS)])

        plsc.subcore_barrier()

        rel_off = jnp.where(s >= _NS // 2, _N, 0)
        ebase = s * _EPT

        @pl.loop(0, _NCH)
        def _chunk(k):
            base = ebase + k * _CH
            pltpu.sync_copy(dst_hbm.at[pl.ds(base, _CH)], dst_v[0])
            pltpu.sync_copy(src_hbm.at[pl.ds(base, _CH)], src_v[0])
            pltpu.sync_copy(ew_hbm.at[pl.ds(base, _CH)], w_v[0])

            @pl.loop(0, _CH // _LANES)
            def _fix(i):
                sl = pl.ds(i * _LANES, _LANES)
                src_v[0][sl] = src_v[0][sl] + rel_off
                d = dst_v[0][sl] - lo
                mine = (d >= 0) & (d < _HALF)
                sdst_v[0][sl] = jnp.where(
                    mine, d, _HALF + (lane & (_NDUM - 1)))

            pltpu.async_copy(y_hbm.at[src_v[0]], rows_v.at[0], sg[0]).wait()

            @pl.loop(0, _CH // _LANES)
            def _scale(g):
                w16 = w_v[0][pl.ds(g * _LANES, _LANES)]
                for l in range(_LANES):
                    e = g * _LANES + l
                    wv = jnp.full((_LANES,), w16[l], jnp.float32)
                    for j in range(_D // _LANES):
                        sl = pl.ds(j * _LANES, _LANES)
                        rows_v[0, e, sl] = rows_v[0, e, sl] * wv

            pltpu.sync_copy(rows_v.at[0], acc_sh.at[sdst_v[0]], add=True)

        plsc.subcore_barrier()

        eblk = 312

        @pl.when(s < _NS - 1)
        def _copy_main():
            pltpu.sync_copy(
                acc_sh.at[pl.ds(s * eblk, eblk)],
                out_hbm.at[c, pl.ds(s * eblk, eblk)])

        @pl.when(s == _NS - 1)
        def _copy_tail():
            tail = _HALF - (_NS - 1) * eblk
            pltpu.sync_copy(
                acc_sh.at[pl.ds((_NS - 1) * eblk, tail)],
                out_hbm.at[c, pl.ds((_NS - 1) * eblk, tail)])

    return spmm(ycat, dstcat, srccat, ewcat)



def _combine_body(p_ref, o_ref):
    o_ref[...] = jnp.maximum(p_ref[0], 0.0)


def _combine(partials):
    blk = 1000
    return pl.pallas_call(
        _combine_body,
        grid=(_N // blk,),
        in_specs=[pl.BlockSpec(
            (1, blk, _D), lambda i: (i // (_HALF // 1000), i % (_HALF // 1000), 0))],
        out_specs=pl.BlockSpec((blk, _D), lambda i: (i, 0)),
        out_shape=jax.ShapeDtypeStruct((_N, _D), jnp.float32),
    )(partials)



def kernel(x, edge_index_r0, edge_weight_r0, edge_index_r1, edge_weight_r1, W):
    y = _project(x, W.reshape(2, _D, _D))
    ycat = y.reshape(2 * _N, _D)
    dstcat = jnp.concatenate([edge_index_r0[0], edge_index_r1[0]])
    srccat = jnp.concatenate([edge_index_r0[1], edge_index_r1[1]])
    ewcat = jnp.concatenate([edge_weight_r0, edge_weight_r1])
    partials = _spmm_sc(ycat, dstcat, srccat, ewcat)
    return _combine(partials)

# --- scband reference (transcript-rebuilt; emitter-appended) ---
"""Pipeline reference for scband-rgcnconv-39487929319722 (READ-ONLY COPY).

The authoritative reference and input builder live on the scoring server;
editing this copy changes nothing except your own understanding.
"""

import jax, jax.numpy as jnp
import numpy as np

N = 10000
D_IN = 128
D_OUT = 128
SUPPORT = 2
E = 320000


def setup_inputs(seed: int = 0) -> dict:
    key = jax.random.key(seed)
    ks = jax.random.split(key, 6)
    x = jax.random.normal(ks[0], (N, D_IN), dtype=jnp.float32)
    edge_index_r0 = jax.random.randint(ks[1], (2, E), 0, N, dtype=jnp.int32)
    edge_weight_r0 = jax.random.uniform(ks[2], (E,), dtype=jnp.float32)
    edge_index_r1 = jax.random.randint(ks[3], (2, E), 0, N, dtype=jnp.int32)
    edge_weight_r1 = jax.random.uniform(ks[4], (E,), dtype=jnp.float32)
    # Learned weight W: [support * input_dim, output_dim], xavier uniform
    fan_in = SUPPORT * D_IN
    limit = float(np.sqrt(6.0 / (fan_in + D_OUT)))
    W = jax.random.uniform(ks[5], (SUPPORT * D_IN, D_OUT), dtype=jnp.float32, minval=-limit, maxval=limit)
    return {
        "x": x,
        "edge_index_r0": edge_index_r0,
        "edge_weight_r0": edge_weight_r0,
        "edge_index_r1": edge_index_r1,
        "edge_weight_r1": edge_weight_r1,
        "W": W,
    }


def _spmm(edge_index, edge_weight, feats):
    # sparse A[dst, src] @ feats : out[dst] += w * feats[src]
    dst = edge_index[0]
    src = edge_index[1]
    msgs = jnp.take(feats, src, axis=0) * edge_weight[:, None]
    return jax.ops.segment_sum(msgs, dst, num_segments=N)


def reference(x, edge_index_r0, edge_weight_r0, edge_index_r1, edge_weight_r1, W):
    # RGCNConv forward, featureless=False, support=2, num_bases=-1, bias=False
    s0 = _spmm(edge_index_r0, edge_weight_r0, x)
    s1 = _spmm(edge_index_r1, edge_weight_r1, x)
    supports = jnp.concatenate([s0, s1], axis=1)  # [N, support * input_dim]
    output = supports @ W  # [N, output_dim]
    return jax.nn.relu(output)

if __name__ == "__main__":
    import jax
    _d = setup_inputs()
    print(jax.jit(kernel)(*tuple(_d.values())))

</pallas_src>

<mosaic_0001>
#map = affine_map<(d0, d1) -> (0, 0)>
#map1 = affine_map<(d0, d1) -> (0)>
#map2 = affine_map<(d0, d1) -> (0, 0, 0)>
module attributes {stable_mosaic.version = 14 : i64} {
  func.func @spmm(%arg0: i32, %arg1: i32, %arg2: memref<20000x128xf32, #tpu.memory_space<hbm>>, %arg3: memref<640000xi32, #tpu.memory_space<hbm>>, %arg4: memref<640000xi32, #tpu.memory_space<hbm>>, %arg5: memref<640000xf32, #tpu.memory_space<hbm>>, %arg6: memref<2x5000x128xf32, #tpu.memory_space<hbm>>, %arg7: memref<400xi32, #tpu.memory_space<vmem>>, %arg8: memref<400xi32, #tpu.memory_space<vmem>>, %arg9: memref<400xf32, #tpu.memory_space<vmem>>, %arg10: memref<400xi32, #tpu.memory_space<vmem>>, %arg11: memref<1x400x128xf32, #tpu.memory_space<vmem>>, %arg12: memref<5008x128xf32, #tpu.memory_space<vmem_shared>>, %arg13: memref<!tpu.dma_semaphore, #tpu.memory_space<semaphore_mem>>, %arg14: memref<!tpu.dma_semaphore, #tpu.memory_space<semaphore_mem>>) attributes {dimension_semantics = [#tpu.dimension_semantics<core_parallel>, #tpu.dimension_semantics<subcore_parallel>], iteration_bounds = array<i64: 2, 16>, scalar_prefetch = 0 : i64, scratch_operands = 8 : i64, tpu.core_type = #tpu.core_type<sc_vector_subcore>, window_params = [{transform_indices = #map}, {transform_indices = #map1}, {transform_indices = #map1}, {transform_indices = #map1}, {transform_indices = #map2}]} {
    %mul3A = arith.constant 5000 : i32
    %mul3A_0 = arith.muli %arg0, %mul3A : i32
    %iota3A = tpu.iota {dimensions = array<i32: 0>} : vector<16xi32>
    %scan3A = arith.constant 0 : i32
    %scan3A_1 = arith.constant 313 : i32
    %scan3A_2 = arith.addi %scan3A, %scan3A_1 : i32
    %scan3A_3 = arith.constant 1 : i32
    scf.for %scan3A_23 = %scan3A to %scan3A_2 step %scan3A_3  : i32 {
      %mul3A_24 = arith.constant 1 : i32
      %mul3A_25 = arith.muli %scan3A_23, %mul3A_24 : i32
      %add3A = arith.constant 0 : i32
      %add3A_26 = arith.addi %add3A, %mul3A_25 : i32
      %broadcast_in_dim3A = arith.constant 0.000000e+00 : f32
      %broadcast_in_dim3A_27 = vector.broadcast %broadcast_in_dim3A : f32 to vector<16xf32>
      %swap3A = arith.constant 0 : i32
      %swap3A_28 = arith.index_cast %swap3A : i32 to index
      %swap3A_29 = arith.index_cast %add3A_26 : i32 to index
      %swap3A_30 = arith.constant 0 : index
      %swap3A_31 = tpu.vector_load %arg11[%swap3A_28, %swap3A_29, %swap3A_30] {strides = array<i32>} : memref<1x400x128xf32, #tpu.memory_space<vmem>>, vector<1x1x16xf32>,
      %swap3A_32 = vector.shape_cast %swap3A_31 : vector<1x1x16xf32> to vector<16xf32>
      %swap3A_33 = vector.shape_cast %broadcast_in_dim3A_27 : vector<16xf32> to vector<1x1x16xf32>
      tpu.vector_store %arg11[%swap3A_28, %swap3A_29, %swap3A_30], %swap3A_33 {strides = array<i32>} : memref<1x400x128xf32, #tpu.memory_space<vmem>>, vector<1x1x16xf32>,
      %broadcast_in_dim3A_34 = arith.constant 0.000000e+00 : f32
      %broadcast_in_dim3A_35 = vector.broadcast %broadcast_in_dim3A_34 : f32 to vector<16xf32>
      %swap3A_36 = arith.constant 0 : i32
      %swap3A_37 = arith.index_cast %swap3A_36 : i32 to index
      %swap3A_38 = arith.index_cast %add3A_26 : i32 to index
      %swap3A_39 = arith.constant 16 : index
      %swap3A_40 = tpu.vector_load %arg11[%swap3A_37, %swap3A_38, %swap3A_39] {strides = array<i32>} : memref<1x400x128xf32, #tpu.memory_space<vmem>>, vector<1x1x16xf32>,
      %swap3A_41 = vector.shape_cast %swap3A_40 : vector<1x1x16xf32> to vector<16xf32>
      %swap3A_42 = vector.shape_cast %broadcast_in_dim3A_35 : vector<16xf32> to vector<1x1x16xf32>
      tpu.vector_store %arg11[%swap3A_37, %swap3A_38, %swap3A_39], %swap3A_42 {strides = array<i32>} : memref<1x400x128xf32, #tpu.memory_space<vmem>>, vector<1x1x16xf32>,
      %broadcast_in_dim3A_43 = arith.constant 0.000000e+00 : f32
      %broadcast_in_dim3A_44 = vector.broadcast %broadcast_in_dim3A_43 : f32 to vector<16xf32>
      %swap3A_45 = arith.constant 0 : i32
      %swap3A_46 = arith.index_cast %swap3A_45 : i32 to index
      %swap3A_47 = arith.index_cast %add3A_26 : i32 to index
      %swap3A_48 = arith.constant 32 : index
      %swap3A_49 = tpu.vector_load %arg11[%swap3A_46, %swap3A_47, %swap3A_48] {strides = array<i32>} : memref<1x400x128xf32, #tpu.memory_space<vmem>>, vector<1x1x16xf32>,
      %swap3A_50 = vector.shape_cast %swap3A_49 : vector<1x1x16xf32> to vector<16xf32>
      %swap3A_51 = vector.shape_cast %broadcast_in_dim3A_44 : vector<16xf32> to vector<1x1x16xf32>
      tpu.vector_store %arg11[%swap3A_46, %swap3A_47, %swap3A_48], %swap3A_51 {strides = array<i32>} : memref<1x400x128xf32, #tpu.memory_space<vmem>>, vector<1x1x16xf32>,
      %broadcast_in_dim3A_52 = arith.constant 0.000000e+00 : f32
      %broadcast_in_dim3A_53 = vector.broadcast %broadcast_in_dim3A_52 : f32 to vector<16xf32>
      %swap3A_54 = arith.constant 0 : i32
      %swap3A_55 = arith.index_cast %swap3A_54 : i32 to index
      %swap3A_56 = arith.index_cast %add3A_26 : i32 to index
      %swap3A_57 = arith.constant 48 : index
      %swap3A_58 = tpu.vector_load %arg11[%swap3A_55, %swap3A_56, %swap3A_57] {strides = array<i32>} : memref<1x400x128xf32, #tpu.memory_space<vmem>>, vector<1x1x16xf32>,
      %swap3A_59 = vector.shape_cast %swap3A_58 : vector<1x1x16xf32> to vector<16xf32>
      %swap3A_60 = vector.shape_cast %broadcast_in_dim3A_53 : vector<16xf32> to vector<1x1x16xf32>
      tpu.vector_store %arg11[%swap3A_55, %swap3A_56, %swap3A_57], %swap3A_60 {strides = array<i32>} : memref<1x400x128xf32, #tpu.memory_space<vmem>>, vector<1x1x16xf32>,
      %broadcast_in_dim3A_61 = arith.constant 0.000000e+00 : f32
      %broadcast_in_dim3A_62 = vector.broadcast %broadcast_in_dim3A_61 : f32 to vector<16xf32>
      %swap3A_63 = arith.constant 0 : i32
      %swap3A_64 = arith.index_cast %swap3A_63 : i32 to index
      %swap3A_65 = arith.index_cast %add3A_26 : i32 to index
      %swap3A_66 = arith.constant 64 : index
      %swap3A_67 = tpu.vector_load %arg11[%swap3A_64, %swap3A_65, %swap3A_66] {strides = array<i32>} : memref<1x400x128xf32, #tpu.memory_space<vmem>>, vector<1x1x16xf32>,
      %swap3A_68 = vector.shape_cast %swap3A_67 : vector<1x1x16xf32> to vector<16xf32>
      %swap3A_69 = vector.shape_cast %broadcast_in_dim3A_62 : vector<16xf32> to vector<1x1x16xf32>
      tpu.vector_store %arg11[%swap3A_64, %swap3A_65, %swap3A_66], %swap3A_69 {strides = array<i32>} : memref<1x400x128xf32, #tpu.memory_space<vmem>>, vector<1x1x16xf32>,
      %broadcast_in_dim3A_70 = arith.constant 0.000000e+00 : f32
      %broadcast_in_dim3A_71 = vector.broadcast %broadcast_in_dim3A_70 : f32 to vector<16xf32>
      %swap3A_72 = arith.constant 0 : i32
      %swap3A_73 = arith.index_cast %swap3A_72 : i32 to index
      %swap3A_74 = arith.index_cast %add3A_26 : i32 to index
      %swap3A_75 = arith.constant 80 : index
      %swap3A_76 = tpu.vector_load %arg11[%swap3A_73, %swap3A_74, %swap3A_75] {strides = array<i32>} : memref<1x400x128xf32, #tpu.memory_space<vmem>>, vector<1x1x16xf32>,
      %swap3A_77 = vector.shape_cast %swap3A_76 : vector<1x1x16xf32> to vector<16xf32>
      %swap3A_78 = vector.shape_cast %broadcast_in_dim3A_71 : vector<16xf32> to vector<1x1x16xf32>
      tpu.vector_store %arg11[%swap3A_73, %swap3A_74, %swap3A_75], %swap3A_78 {strides = array<i32>} : memref<1x400x128xf32, #tpu.memory_space<vmem>>, vector<1x1x16xf32>,
      %broadcast_in_dim3A_79 = arith.constant 0.000000e+00 : f32
      %broadcast_in_dim3A_80 = vector.broadcast %broadcast_in_dim3A_79 : f32 to vector<16xf32>
      %swap3A_81 = arith.constant 0 : i32
      %swap3A_82 = arith.index_cast %swap3A_81 : i32 to index
      %swap3A_83 = arith.index_cast %add3A_26 : i32 to index
      %swap3A_84 = arith.constant 96 : index
      %swap3A_85 = tpu.vector_load %arg11[%swap3A_82, %swap3A_83, %swap3A_84] {strides = array<i32>} : memref<1x400x128xf32, #tpu.memory_space<vmem>>, vector<1x1x16xf32>,
      %swap3A_86 = vector.shape_cast %swap3A_85 : vector<1x1x16xf32> to vector<16xf32>
      %swap3A_87 = vector.shape_cast %broadcast_in_dim3A_80 : vector<16xf32> to vector<1x1x16xf32>
      tpu.vector_store %arg11[%swap3A_82, %swap3A_83, %swap3A_84], %swap3A_87 {strides = array<i32>} : memref<1x400x128xf32, #tpu.memory_space<vmem>>, vector<1x1x16xf32>,
      %broadcast_in_dim3A_88 = arith.constant 0.000000e+00 : f32
      %broadcast_in_dim3A_89 = vector.broadcast %broadcast_in_dim3A_88 : f32 to vector<16xf32>
      %swap3A_90 = arith.constant 0 : i32
      %swap3A_91 = arith.index_cast %swap3A_90 : i32 to index
      %swap3A_92 = arith.index_cast %add3A_26 : i32 to index
      %swap3A_93 = arith.constant 112 : index
      %swap3A_94 = tpu.vector_load %arg11[%swap3A_91, %swap3A_92, %swap3A_93] {strides = array<i32>} : memref<1x400x128xf32, #tpu.memory_space<vmem>>, vector<1x1x16xf32>,
      %swap3A_95 = vector.shape_cast %swap3A_94 : vector<1x1x16xf32> to vector<16xf32>
      %swap3A_96 = vector.shape_cast %broadcast_in_dim3A_89 : vector<16xf32> to vector<1x1x16xf32>
      tpu.vector_store %arg11[%swap3A_91, %swap3A_92, %swap3A_93], %swap3A_96 {strides = array<i32>} : memref<1x400x128xf32, #tpu.memory_space<vmem>>, vector<1x1x16xf32>,
    }
    %scan3A_4 = arith.constant 313 : i32
    %mul3A_5 = arith.constant 313 : i32
    %mul3A_6 = arith.muli %arg1, %mul3A_5 : i32
    %run_scoped3A = arith.constant 0 : i32
    "tpu.region"() ({
      %run_scoped3A_23 = tpu.sem_alloc : memref<!tpu.dma_semaphore, #tpu.memory_space<semaphore_mem>>
      %dma_start3A = arith.constant 0 : i32
      %dma_start3A_24 = arith.constant 0 : i32
      %dma_start3A_25 = tpu.memref_slice %arg11[%run_scoped3A, %dma_start3A, %dma_start3A_24] : memref<1x400x128xf32, #tpu.memory_space<vmem>> -> memref<1x313x128xf32, #tpu.memory_space<vmem>>
      %dma_start3A_26 = tpu.memref_squeeze %dma_start3A_25 : memref<1x313x128xf32, #tpu.memory_space<vmem>> -> memref<313x128xf32, #tpu.memory_space<vmem>>
      %dma_start3A_27 = arith.constant 0 : i32
      %dma_start3A_28 = tpu.memref_slice %arg12[%mul3A_6, %dma_start3A_27] : memref<5008x128xf32, #tpu.memory_space<vmem_shared>> -> memref<313x128xf32, #tpu.memory_space<vmem_shared>>
      %dma_start3A_29 = arith.constant 0 : i32
      %dma_start3A_30 = tpu.memref_slice %arg12[%mul3A_6, %dma_start3A_29] : memref<5008x128xf32, #tpu.memory_space<vmem_shared>> -> memref<313x128xf32, #tpu.memory_space<vmem_shared>>
      %dma_start3A_31 = arith.constant 0 : i32
      %dma_start3A_32 = arith.constant 0 : i32
      %dma_start3A_33 = tpu.memref_slice %arg11[%run_scoped3A, %dma_start3A_31, %dma_start3A_32] : memref<1x400x128xf32, #tpu.memory_space<vmem>> -> memref<1x313x128xf32, #tpu.memory_space<vmem>>
      %dma_start3A_34 = tpu.memref_squeeze %dma_start3A_33 : memref<1x313x128xf32, #tpu.memory_space<vmem>> -> memref<313x128xf32, #tpu.memory_space<vmem>>
      tpu.enqueue_dma source(%dma_start3A_34 : memref<313x128xf32, #tpu.memory_space<vmem>>) target(%dma_start3A_30 : memref<313x128xf32, #tpu.memory_space<vmem_shared>>) target_semaphore(%run_scoped3A_23 : memref<!tpu.dma_semaphore, #tpu.memory_space<semaphore_mem>>)
      %dma_wait3A = arith.constant 0 : i32
      %dma_wait3A_35 = arith.constant 0 : i32
      %dma_wait3A_36 = tpu.memref_slice %arg11[%run_scoped3A, %dma_wait3A, %dma_wait3A_35] : memref<1x400x128xf32, #tpu.memory_space<vmem>> -> memref<1x313x128xf32, #tpu.memory_space<vmem>>
      %dma_wait3A_37 = tpu.memref_squeeze %dma_wait3A_36 : memref<1x313x128xf32, #tpu.memory_space<vmem>> -> memref<313x128xf32, #tpu.memory_space<vmem>>
      %dma_wait3A_38 = arith.constant 0 : i32
      %dma_wait3A_39 = tpu.memref_slice %arg12[%mul3A_6, %dma_wait3A_38] : memref<5008x128xf32, #tpu.memory_space<vmem_shared>> -> memref<313x128xf32, #tpu.memory_space<vmem_shared>>
      %dma_wait3A_40 = arith.constant 0 : i32
      %dma_wait3A_41 = tpu.memref_slice %arg12[%mul3A_6, %dma_wait3A_40] : memref<5008x128xf32, #tpu.memory_space<vmem_shared>> -> memref<313x128xf32, #tpu.memory_space<vmem_shared>>
      %dma_wait3A_42 = arith.constant 0 : i32
      %dma_wait3A_43 = arith.constant 0 : i32
      %dma_wait3A_44 = tpu.memref_slice %arg11[%run_scoped3A, %dma_wait3A_42, %dma_wait3A_43] : memref<1x400x128xf32, #tpu.memory_space<vmem>> -> memref<1x313x128xf32, #tpu.memory_space<vmem>>
      %dma_wait3A_45 = tpu.memref_squeeze %dma_wait3A_44 : memref<1x313x128xf32, #tpu.memory_space<vmem>> -> memref<313x128xf32, #tpu.memory_space<vmem>>
      tpu.wait_dma2 semaphore(%run_scoped3A_23 : memref<!tpu.dma_semaphore, #tpu.memory_space<semaphore_mem>>) src(%dma_wait3A_45 : memref<313x128xf32, #tpu.memory_space<vmem>>) dst(%dma_wait3A_41 : memref<313x128xf32, #tpu.memory_space<vmem_shared>>)
      tpu.yield
    }) : () -> ()
    %barrier3A = arith.constant 0 : index
    tpu.barrier barrier_id(%barrier3A)
    %ge3A = arith.constant 8 : i32
    %ge3A_7 = arith.cmpi sge, %arg1, %ge3A : i32
    %jit3A = arith.constant 10000 : i32
    %jit3A_8 = arith.constant 0 : i32
    %select_n3A = arith.select %ge3A_7, %jit3A, %jit3A_8 : i32
    %mul3A_9 = arith.constant 40000 : i32
    %mul3A_10 = arith.muli %arg1, %mul3A_9 : i32
    %scan3A_11 = arith.constant 0 : i32
    %scan3A_12 = arith.constant 100 : i32
    %scan3A_13 = arith.addi %scan3A_11, %scan3A_12 : i32
    %scan3A_14 = arith.constant 1 : i32
    scf.for %scan3A_23 = %scan3A_11 to %scan3A_13 step %scan3A_14  : i32 {
      %mul3A_24 = arith.constant 1 : i32
      %mul3A_25 = arith.muli %scan3A_23, %mul3A_24 : i32
      %add3A = arith.constant 0 : i32
      %add3A_26 = arith.addi %add3A, %mul3A_25 : i32
      %mul3A_27 = arith.constant 400 : i32
      %mul3A_28 = arith.muli %add3A_26, %mul3A_27 : i32
      %add3A_29 = arith.addi %mul3A_10, %mul3A_28 : i32
      "tpu.region"() ({
        %run_scoped3A_55 = tpu.sem_alloc : memref<!tpu.dma_semaphore, #tpu.memory_space<semaphore_mem>>
        %dma_start3A_56 = tpu.memref_slice %arg3[%add3A_29] : memref<640000xi32, #tpu.memory_space<hbm>> -> memref<400xi32, #tpu.memory_space<hbm>>
        %dma_start3A_57 = tpu.memref_slice %arg3[%add3A_29] : memref<640000xi32, #tpu.memory_space<hbm>> -> memref<400xi32, #tpu.memory_space<hbm>>
        tpu.enqueue_dma source(%dma_start3A_57 : memref<400xi32, #tpu.memory_space<hbm>>) target(%arg7 : memref<400xi32, #tpu.memory_space<vmem>>) target_semaphore(%run_scoped3A_55 : memref<!tpu.dma_semaphore, #tpu.memory_space<semaphore_mem>>)
        %dma_wait3A_58 = tpu.memref_slice %arg3[%add3A_29] : memref<640000xi32, #tpu.memory_space<hbm>> -> memref<400xi32, #tpu.memory_space<hbm>>
        %dma_wait3A_59 = tpu.memref_slice %arg3[%add3A_29] : memref<640000xi32, #tpu.memory_space<hbm>> -> memref<400xi32, #tpu.memory_space<hbm>>
        tpu.wait_dma2 semaphore(%run_scoped3A_55 : memref<!tpu.dma_semaphore, #tpu.memory_space<semaphore_mem>>) src(%dma_wait3A_59 : memref<400xi32, #tpu.memory_space<hbm>>) dst(%arg7 : memref<400xi32, #tpu.memory_space<vmem>>)
        tpu.yield
      }) : () -> ()
      "tpu.region"() ({
        %run_scoped3A_55 = tpu.sem_alloc : memref<!tpu.dma_semaphore, #tpu.memory_space<semaphore_mem>>
        %dma_start3A_56 = tpu.memref_slice %arg4[%add3A_29] : memref<640000xi32, #tpu.memory_space<hbm>> -> memref<400xi32, #tpu.memory_space<hbm>>
        %dma_start3A_57 = tpu.memref_slice %arg4[%add3A_29] : memref<640000xi32, #tpu.memory_space<hbm>> -> memref<400xi32, #tpu.memory_space<hbm>>
        tpu.enqueue_dma source(%dma_start3A_57 : memref<400xi32, #tpu.memory_space<hbm>>) target(%arg8 : memref<400xi32, #tpu.memory_space<vmem>>) target_semaphore(%run_scoped3A_55 : memref<!tpu.dma_semaphore, #tpu.memory_space<semaphore_mem>>)
        %dma_wait3A_58 = tpu.memref_slice %arg4[%add3A_29] : memref<640000xi32, #tpu.memory_space<hbm>> -> memref<400xi32, #tpu.memory_space<hbm>>
        %dma_wait3A_59 = tpu.memref_slice %arg4[%add3A_29] : memref<640000xi32, #tpu.memory_space<hbm>> -> memref<400xi32, #tpu.memory_space<hbm>>
        tpu.wait_dma2 semaphore(%run_scoped3A_55 : memref<!tpu.dma_semaphore, #tpu.memory_space<semaphore_mem>>) src(%dma_wait3A_59 : memref<400xi32, #tpu.memory_space<hbm>>) dst(%arg8 : memref<400xi32, #tpu.memory_space<vmem>>)
        tpu.yield
      }) : () -> ()
      "tpu.region"() ({
        %run_scoped3A_55 = tpu.sem_alloc : memref<!tpu.dma_semaphore, #tpu.memory_space<semaphore_mem>>
        %dma_start3A_56 = tpu.memref_slice %arg5[%add3A_29] : memref<640000xf32, #tpu.memory_space<hbm>> -> memref<400xf32, #tpu.memory_space<hbm>>
        %dma_start3A_57 = tpu.memref_slice %arg5[%add3A_29] : memref<640000xf32, #tpu.memory_space<hbm>> -> memref<400xf32, #tpu.memory_space<hbm>>
        tpu.enqueue_dma source(%dma_start3A_57 : memref<400xf32, #tpu.memory_space<hbm>>) target(%arg9 : memref<400xf32, #tpu.memory_space<vmem>>) target_semaphore(%run_scoped3A_55 : memref<!tpu.dma_semaphore, #tpu.memory_space<semaphore_mem>>)
        %dma_wait3A_58 = tpu.memref_slice %arg5[%add3A_29] : memref<640000xf32, #tpu.memory_space<hbm>> -> memref<400xf32, #tpu.memory_space<hbm>>
        %dma_wait3A_59 = tpu.memref_slice %arg5[%add3A_29] : memref<640000xf32, #tpu.memory_space<hbm>> -> memref<400xf32, #tpu.memory_space<hbm>>
        tpu.wait_dma2 semaphore(%run_scoped3A_55 : memref<!tpu.dma_semaphore, #tpu.memory_space<semaphore_mem>>) src(%dma_wait3A_59 : memref<400xf32, #tpu.memory_space<hbm>>) dst(%arg9 : memref<400xf32, #tpu.memory_space<vmem>>)
        tpu.yield
      }) : () -> ()
      %scan3A_30 = arith.constant 0 : i32
      %scan3A_31 = arith.constant 25 : i32
      %scan3A_32 = arith.addi %scan3A_30, %scan3A_31 : i32
      %scan3A_33 = arith.constant 1 : i32
      scf.for %scan3A_55 = %scan3A_30 to %scan3A_32 step %scan3A_33  : i32 {
        %mul3A_56 = arith.constant 1 : i32
        %mul3A_57 = arith.muli %scan3A_55, %mul3A_56 : i32
        %add3A_58 = arith.constant 0 : i32
        %add3A_59 = arith.addi %add3A_58, %mul3A_57 : i32
        %mul3A_60 = arith.constant 16 : i32
        %mul3A_61 = arith.muli %add3A_59, %mul3A_60 : i32
        %get3A = arith.index_cast %mul3A_61 : i32 to index
        %get3A_62 = tpu.vector_load %arg8[%get3A] {strides = array<i32>} : memref<400xi32, #tpu.memory_space<vmem>>, vector<16xi32>,
        %get3A_63 = vector.shape_cast %get3A_62 : vector<16xi32> to vector<16xi32>
        %add3A_64 = vector.broadcast %select_n3A : i32 to vector<16xi32>
        %add3A_65 = arith.addi %get3A_63, %add3A_64 : vector<16xi32>
        %swap3A = arith.index_cast %mul3A_61 : i32 to index
        %swap3A_66 = tpu.vector_load %arg8[%swap3A] {strides = array<i32>} : memref<400xi32, #tpu.memory_space<vmem>>, vector<16xi32>,
        %swap3A_67 = vector.shape_cast %swap3A_66 : vector<16xi32> to vector<16xi32>
        %swap3A_68 = vector.shape_cast %add3A_65 : vector<16xi32> to vector<16xi32>
        tpu.vector_store %arg8[%swap3A], %swap3A_68 {strides = array<i32>} : memref<400xi32, #tpu.memory_space<vmem>>, vector<16xi32>,
        %get3A_69 = arith.index_cast %mul3A_61 : i32 to index
        %get3A_70 = tpu.vector_load %arg7[%get3A_69] {strides = array<i32>} : memref<400xi32, #tpu.memory_space<vmem>>, vector<16xi32>,
        %get3A_71 = vector.shape_cast %get3A_70 : vector<16xi32> to vector<16xi32>
        %sub3A = vector.broadcast %mul3A_0 : i32 to vector<16xi32>
        %sub3A_72 = arith.subi %get3A_71, %sub3A : vector<16xi32>
        %ge3A_73 = arith.constant 0 : i32
        %ge3A_74 = vector.broadcast %ge3A_73 : i32 to vector<16xi32>
        %ge3A_75 = arith.cmpi sge, %sub3A_72, %ge3A_74 : vector<16xi32>
        %lt3A_76 = arith.constant 5000 : i32
        %lt3A_77 = vector.broadcast %lt3A_76 : i32 to vector<16xi32>
        %lt3A_78 = arith.cmpi slt, %sub3A_72, %lt3A_77 : vector<16xi32>
        %and3A = arith.andi %ge3A_75, %lt3A_78 : vector<16xi1>
        %and3A_79 = arith.constant 7 : i32
        %and3A_80 = vector.broadcast %and3A_79 : i32 to vector<16xi32>
        %and3A_81 = arith.andi %iota3A, %and3A_80 : vector<16xi32>
        %add3A_82 = arith.constant 5000 : i32
        %add3A_83 = vector.broadcast %add3A_82 : i32 to vector<16xi32>
        %add3A_84 = arith.addi %add3A_83, %and3A_81 : vector<16xi32>
        %select_n3A_85 = arith.select %and3A, %sub3A_72, %add3A_84 : vector<16xi1>, vector<16xi32>
        %swap3A_86 = arith.index_cast %mul3A_61 : i32 to index
        %swap3A_87 = tpu.vector_load %arg10[%swap3A_86] {strides = array<i32>} : memref<400xi32, #tpu.memory_space<vmem>>, vector<16xi32>,
        %swap3A_88 = vector.shape_cast %swap3A_87 : vector<16xi32> to vector<16xi32>
        %swap3A_89 = vector.shape_cast %select_n3A_85 : vector<16xi32> to vector<16xi32>
        tpu.vector_store %arg10[%swap3A_86], %swap3A_89 {strides = array<i32>} : memref<400xi32, #tpu.memory_space<vmem>>, vector<16xi32>,
      }
      %scan3A_34 = arith.constant 25 : i32
      %dma_start3A = arith.constant 0 : i32
      %dma_start3A_35 = arith.constant 0 : i32
      %dma_start3A_36 = arith.constant 0 : i32
      %dma_start3A_37 = tpu.memref_slice %arg11[%dma_start3A, %dma_start3A_35, %dma_start3A_36] : memref<1x400x128xf32, #tpu.memory_space<vmem>> -> memref<1x400x128xf32, #tpu.memory_space<vmem>>
      %dma_start3A_38 = tpu.memref_squeeze %dma_start3A_37 : memref<1x400x128xf32, #tpu.memory_space<vmem>> -> memref<400x128xf32, #tpu.memory_space<vmem>>
      %dma_start3A_39 = arith.constant 0 : i32
      %dma_start3A_40 = arith.constant 0 : i32
      %dma_start3A_41 = tpu.memref_slice %arg2[%dma_start3A_39, %dma_start3A_40] : memref<20000x128xf32, #tpu.memory_space<hbm>> -> memref<20000x128xf32, #tpu.memory_space<hbm>>
      tpu.enqueue_indirect_dma source(%dma_start3A_41 : memref<20000x128xf32, #tpu.memory_space<hbm>>) target(%dma_start3A_38 : memref<400x128xf32, #tpu.memory_space<vmem>>) offsets(%arg8 : memref<400xi32, #tpu.memory_space<vmem>>) semaphore(%arg14 : memref<!tpu.dma_semaphore, #tpu.memory_space<semaphore_mem>>)
      %dma_wait3A = arith.constant 0 : i32
      %dma_wait3A_42 = arith.constant 0 : i32
      %dma_wait3A_43 = arith.constant 0 : i32
      %dma_wait3A_44 = tpu.memref_slice %arg11[%dma_wait3A, %dma_wait3A_42, %dma_wait3A_43] : memref<1x400x128xf32, #tpu.memory_space<vmem>> -> memref<1x400x128xf32, #tpu.memory_space<vmem>>
      %dma_wait3A_45 = tpu.memref_squeeze %dma_wait3A_44 : memref<1x400x128xf32, #tpu.memory_space<vmem>> -> memref<400x128xf32, #tpu.memory_space<vmem>>
      %dma_wait3A_46 = arith.constant 0 : i32
      %dma_wait3A_47 = arith.constant 0 : i32
      %dma_wait3A_48 = tpu.memref_slice %arg2[%dma_wait3A_46, %dma_wait3A_47] : memref<20000x128xf32, #tpu.memory_space<hbm>> -> memref<20000x128xf32, #tpu.memory_space<hbm>>
      tpu.wait_indirect_dma semaphore(%arg14 : memref<!tpu.dma_semaphore, #tpu.memory_space<semaphore_mem>>) src(%dma_wait3A_48 : memref<20000x128xf32, #tpu.memory_space<hbm>>) dst(%dma_wait3A_45 : memref<400x128xf32, #tpu.memory_space<vmem>>)
      %scan3A_49 = arith.constant 0 : i32
      %scan3A_50 = arith.constant 25 : i32
      %scan3A_51 = arith.addi %scan3A_49, %scan3A_50 : i32
      %scan3A_52 = arith.constant 1 : i32
      scf.for %scan3A_55 = %scan3A_49 to %scan3A_51 step %scan3A_52  : i32 {
        %mul3A_56 = arith.constant 1 : i32
        %mul3A_57 = arith.muli %scan3A_55, %mul3A_56 : i32
        %add3A_58 = arith.constant 0 : i32
        %add3A_59 = arith.addi %add3A_58, %mul3A_57 : i32
        %mul3A_60 = arith.constant 16 : i32
        %mul3A_61 = arith.muli %add3A_59, %mul3A_60 : i32
        %get3A = arith.index_cast %mul3A_61 : i32 to index
        %get3A_62 = tpu.vector_load %arg9[%get3A] {strides = array<i32>} : memref<400xf32, #tpu.memory_space<vmem>>, vector<16xf32>,
        %get3A_63 = vector.shape_cast %get3A_62 : vector<16xf32> to vector<16xf32>
        %mul3A_64 = arith.constant 16 : i32
        %mul3A_65 = arith.muli %add3A_59, %mul3A_64 : i32
        %add3A_66 = arith.constant 0 : i32
        %add3A_67 = arith.addi %mul3A_65, %add3A_66 : i32
        %slice3A = vector.extract_strided_slice %get3A_63 {offsets = [0], sizes = [1], strides = [1]} : vector<16xf32> to vector<1xf32>
        %squeeze3A = vector.extract %slice3A[0] : f32 from vector<1xf32>
        %broadcast_in_dim3A = vector.broadcast %squeeze3A : f32 to vector<16xf32>
        %get3A_68 = arith.constant 0 : i32
        %get3A_69 = arith.index_cast %get3A_68 : i32 to index
        %get3A_70 = arith.index_cast %add3A_67 : i32 to index
        %get3A_71 = arith.constant 0 : index
        %get3A_72 = tpu.vector_load %arg11[%get3A_69, %get3A_70, %get3A_71] {strides = array<i32>} : memref<1x400x128xf32, #tpu.memory_space<vmem>>, vector<1x1x16xf32>,
        %get3A_73 = vector.shape_cast %get3A_72 : vector<1x1x16xf32> to vector<16xf32>
        %mul3A_74 = arith.mulf %get3A_73, %broadcast_in_dim3A : vector<16xf32>
        %swap3A = arith.constant 0 : i32
        %swap3A_75 = arith.index_cast %swap3A : i32 to index
        %swap3A_76 = arith.index_cast %add3A_67 : i32 to index
        %swap3A_77 = arith.constant 0 : index
        %swap3A_78 = tpu.vector_load %arg11[%swap3A_75, %swap3A_76, %swap3A_77] {strides = array<i32>} : memref<1x400x128xf32, #tpu.memory_space<vmem>>, vector<1x1x16xf32>,
        %swap3A_79 = vector.shape_cast %swap3A_78 : vector<1x1x16xf32> to vector<16xf32>
        %swap3A_80 = vector.shape_cast %mul3A_74 : vector<16xf32> to vector<1x1x16xf32>
        tpu.vector_store %arg11[%swap3A_75, %swap3A_76, %swap3A_77], %swap3A_80 {strides = array<i32>} : memref<1x400x128xf32, #tpu.memory_space<vmem>>, vector<1x1x16xf32>,
        %get3A_81 = arith.constant 0 : i32
        %get3A_82 = arith.index_cast %get3A_81 : i32 to index
        %get3A_83 = arith.index_cast %add3A_67 : i32 to index
        %get3A_84 = arith.constant 16 : index
        %get3A_85 = tpu.vector_load %arg11[%get3A_82, %get3A_83, %get3A_84] {strides = array<i32>} : memref<1x400x128xf32, #tpu.memory_space<vmem>>, vector<1x1x16xf32>,
        %get3A_86 = vector.shape_cast %get3A_85 : vector<1x1x16xf32> to vector<16xf32>
        %mul3A_87 = arith.mulf %get3A_86, %broadcast_in_dim3A : vector<16xf32>
        %swap3A_88 = arith.constant 0 : i32
        %swap3A_89 = arith.index_cast %swap3A_88 : i32 to index
        %swap3A_90 = arith.index_cast %add3A_67 : i32 to index
        %swap3A_91 = arith.constant 16 : index
        %swap3A_92 = tpu.vector_load %arg11[%swap3A_89, %swap3A_90, %swap3A_91] {strides = array<i32>} : memref<1x400x128xf32, #tpu.memory_space<vmem>>, vector<1x1x16xf32>,
        %swap3A_93 = vector.shape_cast %swap3A_92 : vector<1x1x16xf32> to vector<16xf32>
        %swap3A_94 = vector.shape_cast %mul3A_87 : vector<16xf32> to vector<1x1x16xf32>
        tpu.vector_store %arg11[%swap3A_89, %swap3A_90, %swap3A_91], %swap3A_94 {strides = array<i32>} : memref<1x400x128xf32, #tpu.memory_space<vmem>>, vector<1x1x16xf32>,
        %get3A_95 = arith.constant 0 : i32
        %get3A_96 = arith.index_cast %get3A_95 : i32 to index
        %get3A_97 = arith.index_cast %add3A_67 : i32 to index
        %get3A_98 = arith.constant 32 : index
        %get3A_99 = tpu.vector_load %arg11[%get3A_96, %get3A_97, %get3A_98] {strides = array<i32>} : memref<1x400x128xf32, #tpu.memory_space<vmem>>, vector<1x1x16xf32>,
        %get3A_100 = vector.shape_cast %get3A_99 : vector<1x1x16xf32> to vector<16xf32>
        %mul3A_101 = arith.mulf %get3A_100, %broadcast_in_dim3A : vector<16xf32>
        %swap3A_102 = arith.constant 0 : i32
        %swap3A_103 = arith.index_cast %swap3A_102 : i32 to index
        %swap3A_104 = arith.index_cast %add3A_67 : i32 to index
        %swap3A_105 = arith.constant 32 : index
        %swap3A_106 = tpu.vector_load %arg11[%swap3A_103, %swap3A_104, %swap3A_105] {strides = array<i32>} : memref<1x400x128xf32, #tpu.memory_space<vmem>>, vector<1x1x16xf32>,
        %swap3A_107 = vector.shape_cast %swap3A_106 : vector<1x1x16xf32> to vector<16xf32>
        %swap3A_108 = vector.shape_cast %mul3A_101 : vector<16xf32> to vector<1x1x16xf32>
        tpu.vector_store %arg11[%swap3A_103, %swap3A_104, %swap3A_105], %swap3A_108 {strides = array<i32>} : memref<1x400x128xf32, #tpu.memory_space<vmem>>, vector<1x1x16xf32>,
        %get3A_109 = arith.constant 0 : i32
        %get3A_110 = arith.index_cast %get3A_109 : i32 to index
        %get3A_111 = arith.index_cast %add3A_67 : i32 to index
        %get3A_112 = arith.constant 48 : index
        %get3A_113 = tpu.vector_load %arg11[%get3A_110, %get3A_111, %get3A_112] {strides = array<i32>} : memref<1x400x128xf32, #tpu.memory_space<vmem>>, vector<1x1x16xf32>,
        %get3A_114 = vector.shape_cast %get3A_113 : vector<1x1x16xf32> to vector<16xf32>
        %mul3A_115 = arith.mulf %get3A_114, %broadcast_in_dim3A : vector<16xf32>
        %swap3A_116 = arith.constant 0 : i32
        %swap3A_117 = arith.index_cast %swap3A_116 : i32 to index
        %swap3A_118 = arith.index_cast %add3A_67 : i32 to index
        %swap3A_119 = arith.constant 48 : index
        %swap3A_120 = tpu.vector_load %arg11[%swap3A_117, %swap3A_118, %swap3A_119] {strides = array<i32>} : memref<1x400x128xf32, #tpu.memory_space<vmem>>, vector<1x1x16xf32>,
        %swap3A_121 = vector.shape_cast %swap3A_120 : vector<1x1x16xf32> to vector<16xf32>
        %swap3A_122 = vector.shape_cast %mul3A_115 : vector<16xf32> to vector<1x1x16xf32>
        tpu.vector_store %arg11[%swap3A_117, %swap3A_118, %swap3A_119], %swap3A_122 {strides = array<i32>} : memref<1x400x128xf32, #tpu.memory_space<vmem>>, vector<1x1x16xf32>,
        %get3A_123 = arith.constant 0 : i32
        %get3A_124 = arith.index_cast %get3A_123 : i32 to index
        %get3A_125 = arith.index_cast %add3A_67 : i32 to index
        %get3A_126 = arith.constant 64 : index
        %get3A_127 = tpu.vector_load %arg11[%get3A_124, %get3A_125, %get3A_126] {strides = array<i32>} : memref<1x400x128xf32, #tpu.memory_space<vmem>>, vector<1x1x16xf32>,
        %get3A_128 = vector.shape_cast %get3A_127 : vector<1x1x16xf32> to vector<16xf32>
        %mul3A_129 = arith.mulf %get3A_128, %broadcast_in_dim3A : vector<16xf32>
        %swap3A_130 = arith.constant 0 : i32
        %swap3A_131 = arith.index_cast %swap3A_130 : i32 to index
        %swap3A_132 = arith.index_cast %add3A_67 : i32 to index
        %swap3A_133 = arith.constant 64 : index
        %swap3A_134 = tpu.vector_load %arg11[%swap3A_131, %swap3A_132, %swap3A_133] {strides = array<i32>} : memref<1x400x128xf32, #tpu.memory_space<vmem>>, vector<1x1x16xf32>,
        %swap3A_135 = vector.shape_cast %swap3A_134 : vector<1x1x16xf32> to vector<16xf32>
        %swap3A_136 = vector.shape_cast %mul3A_129 : vector<16xf32> to vector<1x1x16xf32>
        tpu.vector_store %arg11[%swap3A_131, %swap3A_132, %swap3A_133], %swap3A_136 {strides = array<i32>} : memref<1x400x128xf32, #tpu.memory_space<vmem>>, vector<1x1x16xf32>,
        %get3A_137 = arith.constant 0 : i32
        %get3A_138 = arith.index_cast %get3A_137 : i32 to index
        %get3A_139 = arith.index_cast %add3A_67 : i32 to index
        %get3A_140 = arith.constant 80 : index
        %get3A_141 = tpu.vector_load %arg11[%get3A_138, %get3A_139, %get3A_140] {strides = array<i32>} : memref<1x400x128xf32, #tpu.memory_space<vmem>>, vector<1x1x16xf32>,
        %get3A_142 = vector.shape_cast %get3A_141 : vector<1x1x16xf32> to vector<16xf32>
        %mul3A_143 = arith.mulf %get3A_142, %broadcast_in_dim3A : vector<16xf32>
        %swap3A_144 = arith.constant 0 : i32
        %swap3A_145 = arith.index_cast %swap3A_144 : i32 to index
        %swap3A_146 = arith.index_cast %add3A_67 : i32 to index
        %swap3A_147 = arith.constant 80 : index
        %swap3A_148 = tpu.vector_load %arg11[%swap3A_145, %swap3A_146, %swap3A_147] {strides = array<i32>} : memref<1x400x128xf32, #tpu.memory_space<vmem>>, vector<1x1x16xf32>,
        %swap3A_149 = vector.shape_cast %swap3A_148 : vector<1x1x16xf32> to vector<16xf32>
        %swap3A_150 = vector.shape_cast %mul3A_143 : vector<16xf32> to vector<1x1x16xf32>
        tpu.vector_store %arg11[%swap3A_145, %swap3A_146, %swap3A_147], %swap3A_150 {strides = array<i32>} : memref<1x400x128xf32, #tpu.memory_space<vmem>>, vector<1x1x16xf32>,
        %get3A_151 = arith.constant 0 : i32
        %get3A_152 = arith.index_cast %get3A_151 : i32 to index
        %get3A_153 = arith.index_cast %add3A_67 : i32 to index
        %get3A_154 = arith.constant 96 : index
        %get3A_155 = tpu.vector_load %arg11[%get3A_152, %get3A_153, %get3A_154] {strides = array<i32>} : memref<1x400x128xf32, #tpu.memory_space<vmem>>, vector<1x1x16xf32>,
        %get3A_156 = vector.shape_cast %get3A_155 : vector<1x1x16xf32> to vector<16xf32>
        %mul3A_157 = arith.mulf %get3A_156, %broadcast_in_dim3A : vector<16xf32>
        %swap3A_158 = arith.constant 0 : i32
        %swap3A_159 = arith.index_cast %swap3A_158 : i32 to index
        %swap3A_160 = arith.index_cast %add3A_67 : i32 to index
        %swap3A_161 = arith.constant 96 : index
        %swap3A_162 = tpu.vector_load %arg11[%swap3A_159, %swap3A_160, %swap3A_161] {strides = array<i32>} : memref<1x400x128xf32, #tpu.memory_space<vmem>>, vector<1x1x16xf32>,
        %swap3A_163 = vector.shape_cast %swap3A_162 : vector<1x1x16xf32> to vector<16xf32>
        %swap3A_164 = vector.shape_cast %mul3A_157 : vector<16xf32> to vector<1x1x16xf32>
        tpu.vector_store %arg11[%swap3A_159, %swap3A_160, %swap3A_161], %swap3A_164 {strides = array<i32>} : memref<1x400x128xf32, #tpu.memory_space<vmem>>, vector<1x1x16xf32>,
        %get3A_165 = arith.constant 0 : i32
        %get3A_166 = arith.index_cast %get3A_165 : i32 to index
        %get3A_167 = arith.index_cast %add3A_67 : i32 to index
        %get3A_168 = arith.constant 112 : index
        %get3A_169 = tpu.vector_load %arg11[%get3A_166, %get3A_167, %get3A_168] {strides = array<i32>} : memref<1x400x128xf32, #tpu.memory_space<vmem>>, vector<1x1x16xf32>,
        %get3A_170 = vector.shape_cast %get3A_169 : vector<1x1x16xf32> to vector<16xf32>
        %mul3A_171 = arith.mulf %get3A_170, %broadcast_in_dim3A : vector<16xf32>
        %swap3A_172 = arith.constant 0 : i32
        %swap3A_173 = arith.index_cast %swap3A_172 : i32 to index
        %swap3A_174 = arith.index_cast %add3A_67 : i32 to index
        %swap3A_175 = arith.constant 112 : index
        %swap3A_176 = tpu.vector_load %arg11[%swap3A_173, %swap3A_174, %swap3A_175] {strides = array<i32>} : memref<1x400x128xf32, #tpu.memory_space<vmem>>, vector<1x1x16xf32>,
        %swap3A_177 = vector.shape_cast %swap3A_176 : vector<1x1x16xf32> to vector<16xf32>
        %swap3A_178 = vector.shape_cast %mul3A_171 : vector<16xf32> to vector<1x1x16xf32>
        tpu.vector_store %arg11[%swap3A_173, %swap3A_174, %swap3A_175], %swap3A_178 {strides = array<i32>} : memref<1x400x128xf32, #tpu.memory_space<vmem>>, vector<1x1x16xf32>,
        %mul3A_179 = arith.constant 16 : i32
        %mul3A_180 = arith.muli %add3A_59, %mul3A_179 : i32
        %add3A_181 = arith.constant 1 : i32
        %add3A_182 = arith.addi %mul3A_180, %add3A_181 : i32
        %slice3A_183 = vector.extract_strided_slice %get3A_63 {offsets = [1], sizes = [1], strides = [1]} : vector<16xf32> to vector<1xf32>
        %squeeze3A_184 = vector.extract %slice3A_183[0] : f32 from vector<1xf32>
        %broadcast_in_dim3A_185 = vector.broadcast %squeeze3A_184 : f32 to vector<16xf32>
        %get3A_186 = arith.constant 0 : i32
        %get3A_187 = arith.index_cast %get3A_186 : i32 to index
        %get3A_188 = arith.index_cast %add3A_182 : i32 to index
        %get3A_189 = arith.constant 0 : index
        %get3A_190 = tpu.vector_load %arg11[%get3A_187, %get3A_188, %get3A_189] {strides = array<i32>} : memref<1x400x128xf32, #tpu.memory_space<vmem>>, vector<1x1x16xf32>,
        %get3A_191 = vector.shape_cast %get3A_190 : vector<1x1x16xf32> to vector<16xf32>
        %mul3A_192 = arith.mulf %get3A_191, %broadcast_in_dim3A_185 : vector<16xf32>
        %swap3A_193 = arith.constant 0 : i32
        %swap3A_194 = arith.index_cast %swap3A_193 : i32 to index
        %swap3A_195 = arith.index_cast %add3A_182 : i32 to index
        %swap3A_196 = arith.constant 0 : index
        %swap3A_197 = tpu.vector_load %arg11[%swap3A_194, %swap3A_195, %swap3A_196] {strides = array<i32>} : memref<1x400x128xf32, #tpu.memory_space<vmem>>, vector<1x1x16xf32>,
        %swap3A_198 = vector.shape_cast %swap3A_197 : vector<1x1x16xf32> to vector<16xf32>
        %swap3A_199 = vector.shape_cast %mul3A_192 : vector<16xf32> to vector<1x1x16xf32>
        tpu.vector_store %arg11[%swap3A_194, %swap3A_195, %swap3A_196], %swap3A_199 {strides = array<i32>} : memref<1x400x128xf32, #tpu.memory_space<vmem>>, vector<1x1x16xf32>,
        %get3A_200 = arith.constant 0 : i32
        %get3A_201 = arith.index_cast %get3A_200 : i32 to index
        %get3A_202 = arith.index_cast %add3A_182 : i32 to index
        %get3A_203 = arith.constant 16 : index
        %get3A_204 = tpu.vector_load %arg11[%get3A_201, %get3A_202, %get3A_203] {strides = array<i32>} : memref<1x400x128xf32, #tpu.memory_space<vmem>>, vector<1x1x16xf32>,
        %get3A_205 = vector.shape_cast %get3A_204 : vector<1x1x16xf32> to vector<16xf32>
        %mul3A_206 = arith.mulf %get3A_205, %broadcast_in_dim3A_185 : vector<16xf32>
        %swap3A_207 = arith.constant 0 : i32
        %swap3A_208 = arith.index_cast %swap3A_207 : i32 to index
        %swap3A_209 = arith.index_cast %add3A_182 : i32 to index
        %swap3A_210 = arith.constant 16 : index
        %swap3A_211 = tpu.vector_load %arg11[%swap3A_208, %swap3A_209, %swap3A_210] {strides = array<i32>} : memref<1x400x128xf32, #tpu.memory_space<vmem>>, vector<1x1x16xf32>,
        %swap3A_212 = vector.shape_cast %swap3A_211 : vector<1x1x16xf32> to vector<16xf32>
        %swap3A_213 = vector.shape_cast %mul3A_206 : vector<16xf32> to vector<1x1x16xf32>
        tpu.vector_store %arg11[%swap3A_208, %swap3A_209, %swap3A_210], %swap3A_213 {strides = array<i32>} : memref<1x400x128xf32, #tpu.memory_space<vmem>>, vector<1x1x16xf32>,
        %get3A_214 = arith.constant 0 : i32
        %get3A_215 = arith.index_cast %get3A_214 : i32 to index
        %get3A_216 = arith.index_cast %add3A_182 : i32 to index
        %get3A_217 = arith.constant 32 : index
        %get3A_218 = tpu.vector_load %arg11[%get3A_215, %get3A_216, %get3A_217] {strides = array<i32>} : memref<1x400x128xf32, #tpu.memory_space<vmem>>, vector<1x1x16xf32>,
        %get3A_219 = vector.shape_cast %get3A_218 : vector<1x1x16xf32> to vector<16xf32>
        %mul3A_220 = arith.mulf %get3A_219, %broadcast_in_dim3A_185 : vector<16xf32>
        %swap3A_221 = arith.constant 0 : i32
        %swap3A_222 = arith.index_cast %swap3A_221 : i32 to index
        %swap3A_223 = arith.index_cast %add3A_182 : i32 to index
        %swap3A_224 = arith.constant 32 : index
        %swap3A_225 = tpu.vector_load %arg11[%swap3A_222, %swap3A_223, %swap3A_224] {strides = array<i32>} : memref<1x400x128xf32, #tpu.memory_space<vmem>>, vector<1x1x16xf32>,
        %swap3A_226 = vector.shape_cast %swap3A_225 : vector<1x1x16xf32> to vector<16xf32>
        %swap3A_227 = vector.shape_cast %mul3A_220 : vector<16xf32> to vector<1x1x16xf32>
        tpu.vector_store %arg11[%swap3A_222, %swap3A_223, %swap3A_224], %swap3A_227 {strides = array<i32>} : memref<1x400x128xf32, #tpu.memory_space<vmem>>, vector<1x1x16xf32>,
        %get3A_228 = arith.constant 0 : i32
        %get3A_229 = arith.index_cast %get3A_228 : i32 to index
        %get3A_230 = arith.index_cast %add3A_182 : i32 to index
        %get3A_231 = arith.constant 48 : index
        %get3A_232 = tpu.vector_load %arg11[%get3A_229, %get3A_230, %get3A_231] {strides = array<i32>} : memref<1x400x128xf32, #tpu.memory_space<vmem>>, vector<1x1x16xf32>,
        %get3A_233 = vector.shape_cast %get3A_232 : vector<1x1x16xf32> to vector<16xf32>
        %mul3A_234 = arith.mulf %get3A_233, %broadcast_in_dim3A_185 : vector<16xf32>
        %swap3A_235 = arith.constant 0 : i32
        %swap3A_236 = arith.index_cast %swap3A_235 : i32 to index
        %swap3A_237 = arith.index_cast %add3A_182 : i32 to index
        %swap3A_238 = arith.constant 48 : index
        %swap3A_239 = tpu.vector_load %arg11[%swap3A_236, %swap3A_237, %swap3A_238] {strides = array<i32>} : memref<1x400x128xf32, #tpu.memory_space<vmem>>, vector<1x1x16xf32>,
        %swap3A_240 = vector.shape_cast %swap3A_239 : vector<1x1x16xf32> to vector<16xf32>
        %swap3A_241 = vector.shape_cast %mul3A_234 : vector<16xf32> to vector<1x1x16xf32>
        tpu.vector_store %arg11[%swap3A_236, %swap3A_237, %swap3A_238], %swap3A_241 {strides = array<i32>} : memref<1x400x128xf32, #tpu.memory_space<vmem>>, vector<1x1x16xf32>,
        %get3A_242 = arith.constant 0 : i32
        %get3A_243 = arith.index_cast %get3A_242 : i32 to index
        %get3A_244 = arith.index_cast %add3A_182 : i32 to index
        %get3A_245 = arith.constant 64 : index
        %get3A_246 = tpu.vector_load %arg11[%get3A_243, %get3A_244, %get3A_245] {strides = array<i32>} : memref<1x400x128xf32, #tpu.memory_space<vmem>>, vector<1x1x16xf32>,
        %get3A_247 = vector.shape_cast %get3A_246 : vector<1x1x16xf32> to vector<16xf32>
        %mul3A_248 = arith.mulf %get3A_247, %broadcast_in_dim3A_185 : vector<16xf32>
        %swap3A_249 = arith.constant 0 : i32
        %swap3A_250 = arith.index_cast %swap3A_249 : i32 to index
        %swap3A_251 = arith.index_cast %add3A_182 : i32 to index
        %swap3A_252 = arith.constant 64 : index
        %swap3A_253 = tpu.vector_load %arg11[%swap3A_250, %swap3A_251, %swap3A_252] {strides = array<i32>} : memref<1x400x128xf32, #tpu.memory_space<vmem>>, vector<1x1x16xf32>,
        %swap3A_254 = vector.shape_cast %swap3A_253 : vector<1x1x16xf32> to vector<16xf32>
        %swap3A_255 = vector.shape_cast %mul3A_248 : vector<16xf32> to vector<1x1x16xf32>
        tpu.vector_store %arg11[%swap3A_250, %swap3A_251, %swap3A_252], %swap3A_255 {strides = array<i32>} : memref<1x400x128xf32, #tpu.memory_space<vmem>>, vector<1x1x16xf32>,
        %get3A_256 = arith.constant 0 : i32
        %get3A_257 = arith.index_cast %get3A_256 : i32 to index
        %get3A_258 = arith.index_cast %add3A_182 : i32 to index
        %get3A_259 = arith.constant 80 : index
        %get3A_260 = tpu.vector_load %arg11[%get3A_257, %get3A_258, %get3A_259] {strides = array<i32>} : memref<1x400x128xf32, #tpu.memory_space<vmem>>, vector<1x1x16xf32>,
        %get3A_261 = vector.shape_cast %get3A_260 : vector<1x1x16xf32> to vector<16xf32>
        %mul3A_262 = arith.mulf %get3A_261, %broadcast_in_dim3A_185 : vector<16xf32>
        %swap3A_263 = arith.constant 0 : i32
        %swap3A_264 = arith.index_cast %swap3A_263 : i32 to index
        %swap3A_265 = arith.index_cast %add3A_182 : i32 to index
        %swap3A_266 = arith.constant 80 : index
        %swap3A_267 = tpu.vector_load %arg11[%swap3A_264, %swap3A_265, %swap3A_266] {strides = array<i32>} : memref<1x400x128xf32, #tpu.memory_space<vmem>>, vector<1x1x16xf32>,
        %swap3A_268 = vector.shape_cast %swap3A_267 : vector<1x1x16xf32> to vector<16xf32>
        %swap3A_269 = vector.shape_cast %mul3A_262 : vector<16xf32> to vector<1x1x16xf32>
        tpu.vector_store %arg11[%swap3A_264, %swap3A_265, %swap3A_266], %swap3A_269 {strides = array<i32>} : memref<1x400x128xf32, #tpu.memory_space<vmem>>, vector<1x1x16xf32>,
        %get3A_270 = arith.constant 0 : i32
        %get3A_271 = arith.index_cast %get3A_270 : i32 to index
        %get3A_272 = arith.index_cast %add3A_182 : i32 to index
        %get3A_273 = arith.constant 96 : index
        %get3A_274 = tpu.vector_load %arg11[%get3A_271, %get3A_272, %get3A_273] {strides = array<i32>} : memref<1x400x128xf32, #tpu.memory_space<vmem>>, vector<1x1x16xf32>,
        %get3A_275 = vector.shape_cast %get3A_274 : vector<1x1x16xf32> to vector<16xf32>
        %mul3A_276 = arith.mulf %get3A_275, %broadcast_in_dim3A_185 : vector<16xf32>
        %swap3A_277 = arith.constant 0 : i32
        %swap3A_278 = arith.index_cast %swap3A_277 : i32 to index
        %swap3A_279 = arith.index_cast %add3A_182 : i32 to index
        %swap3A_280 = arith.constant 96 : index
        %swap3A_281 = tpu.vector_load %arg11[%swap3A_278, %swap3A_279, %swap3A_280] {strides = array<i32>} : memref<1x400x128xf32, #tpu.memory_space<vmem>>, vector<1x1x16xf32>,
        %swap3A_282 = vector.shape_cast %swap3A_281 : vector<1x1x16xf32> to vector<16xf32>
        %swap3A_283 = vector.shape_cast %mul3A_276 : vector<16xf32> to vector<1x1x16xf32>
        tpu.vector_store %arg11[%swap3A_278, %swap3A_279, %swap3A_280], %swap3A_283 {strides = array<i32>} : memref<1x400x128xf32, #tpu.memory_space<vmem>>, vector<1x1x16xf32>,
        %get3A_284 = arith.constant 0 : i32
        %get3A_285 = arith.index_cast %get3A_284 : i32 to index
        %get3A_286 = arith.index_cast %add3A_182 : i32 to index
        %get3A_287 = arith.constant 112 : index
        %get3A_288 = tpu.vector_load %arg11[%get3A_285, %get3A_286, %get3A_287] {strides = array<i32>} : memref<1x400x128xf32, #tpu.memory_space<vmem>>, vector<1x1x16xf32>,
        %get3A_289 = vector.shape_cast %get3A_288 : vector<1x1x16xf32> to vector<16xf32>
        %mul3A_290 = arith.mulf %get3A_289, %broadcast_in_dim3A_185 : vector<16xf32>
        %swap3A_291 = arith.constant 0 : i32
        %swap3A_292 = arith.index_cast %swap3A_291 : i32 to index
        %swap3A_293 = arith.index_cast %add3A_182 : i32 to index
        %swap3A_294 = arith.constant 112 : index
        %swap3A_295 = tpu.vector_load %arg11[%swap3A_292, %swap3A_293, %swap3A_294] {strides = array<i32>} : memref<1x400x128xf32, #tpu.memory_space<vmem>>, vector<1x1x16xf32>,
        %swap3A_296 = vector.shape_cast %swap3A_295 : vector<1x1x16xf32> to vector<16xf32>
        %swap3A_297 = vector.shape_cast %mul3A_290 : vector<16xf32> to vector<1x1x16xf32>
        tpu.vector_store %arg11[%swap3A_292, %swap3A_293, %swap3A_294], %swap3A_297 {strides = array<i32>} : memref<1x400x128xf32, #tpu.memory_space<vmem>>, vector<1x1x16xf32>,
        %mul3A_298 = arith.constant 16 : i32
        %mul3A_299 = arith.muli %add3A_59, %mul3A_298 : i32
        %add3A_300 = arith.constant 2 : i32
        %add3A_301 = arith.addi %mul3A_299, %add3A_300 : i32
        %slice3A_302 = vector.extract_strided_slice %get3A_63 {offsets = [2], sizes = [1], strides = [1]} : vector<16xf32> to vector<1xf32>
        %squeeze3A_303 = vector.extract %slice3A_302[0] : f32 from vector<1xf32>
        %broadcast_in_dim3A_304 = vector.broadcast %squeeze3A_303 : f32 to vector<16xf32>
        %get3A_305 = arith.constant 0 : i32
        %get3A_306 = arith.index_cast %get3A_305 : i32 to index
        %get3A_307 = arith.index_cast %add3A_301 : i32 to index
        %get3A_308 = arith.constant 0 : index
        %get3A_309 = tpu.vector_load %arg11[%get3A_306, %get3A_307, %get3A_308] {strides = array<i32>} : memref<1x400x128xf32, #tpu.memory_space<vmem>>, vector<1x1x16xf32>,
        %get3A_310 = vector.shape_cast %get3A_309 : vector<1x1x16xf32> to vector<16xf32>
        %mul3A_311 = arith.mulf %get3A_310, %broadcast_in_dim3A_304 : vector<16xf32>
        %swap3A_312 = arith.constant 0 : i32
        %swap3A_313 = arith.index_cast %swap3A_312 : i32 to index
        %swap3A_314 = arith.index_cast %add3A_301 : i32 to index
        %swap3A_315 = arith.constant 0 : index
        %swap3A_316 = tpu.vector_load %arg11[%swap3A_313, %swap3A_314, %swap3A_315] {strides = array<i32>} : memref<1x400x128xf32, #tpu.memory_space<vmem>>, vector<1x1x16xf32>,
        %swap3A_317 = vector.shape_cast %swap3A_316 : vector<1x1x16xf32> to vector<16xf32>
        %swap3A_318 = vector.shape_cast %mul3A_311 : vector<16xf32> to vector<1x1x16xf32>
        tpu.vector_store %arg11[%swap3A_313, %swap3A_314, %swap3A_315], %swap3A_318 {strides = array<i32>} : memref<1x400x128xf32, #tpu.memory_space<vmem>>, vector<1x1x16xf32>,
        %get3A_319 = arith.constant 0 : i32
        %get3A_320 = arith.index_cast %get3A_319 : i32 to index
        %get3A_321 = arith.index_cast %add3A_301 : i32 to index
        %get3A_322 = arith.constant 16 : index
        %get3A_323 = tpu.vector_load %arg11[%get3A_320, %get3A_321, %get3A_322] {strides = array<i32>} : memref<1x400x128xf32, #tpu.memory_space<vmem>>, vector<1x1x16xf32>,
        %get3A_324 = vector.shape_cast %get3A_323 : vector<1x1x16xf32> to vector<16xf32>
        %mul3A_325 = arith.mulf %get3A_324, %broadcast_in_dim3A_304 : vector<16xf32>
        %swap3A_326 = arith.constant 0 : i32
        %swap3A_327 = arith.index_cast %swap3A_326 : i32 to index
        %swap3A_328 = arith.index_cast %add3A_301 : i32 to index
        %swap3A_329 = arith.constant 16 : index
        %swap3A_330 = tpu.vector_load %arg11[%swap3A_327, %swap3A_328, %swap3A_329] {strides = array<i32>} : memref<1x400x128xf32, #tpu.memory_space<vmem>>, vector<1x1x16xf32>,
        %swap3A_331 = vector.shape_cast %swap3A_330 : vector<1x1x16xf32> to vector<16xf32>
        %swap3A_332 = vector.shape_cast %mul3A_325 : vector<16xf32> to vector<1x1x16xf32>
        tpu.vector_store %arg11[%swap3A_327, %swap3A_328, %swap3A_329], %swap3A_332 {strides = array<i32>} : memref<1x400x128xf32, #tpu.memory_space<vmem>>, vector<1x1x16xf32>,
        %get3A_333 = arith.constant 0 : i32
        %get3A_334 = arith.index_cast %get3A_333 : i32 to index
        %get3A_335 = arith.index_cast %add3A_301 : i32 to index
        %get3A_336 = arith.constant 32 : index
        %get3A_337 = tpu.vector_load %arg11[%get3A_334, %get3A_335, %get3A_336] {strides = array<i32>} : memref<1x400x128xf32, #tpu.memory_space<vmem>>, vector<1x1x16xf32>,
        %get3A_338 = vector.shape_cast %get3A_337 : vector<1x1x16xf32> to vector<16xf32>
        %mul3A_339 = arith.mulf %get3A_338, %broadcast_in_dim3A_304 : vector<16xf32>
        %swap3A_340 = arith.constant 0 : i32
        %swap3A_341 = arith.index_cast %swap3A_340 : i32 to index
        %swap3A_342 = arith.index_cast %add3A_301 : i32 to index
        %swap3A_343 = arith.constant 32 : index
        %swap3A_344 = tpu.vector_load %arg11[%swap3A_341, %swap3A_342, %swap3A_343] {strides = array<i32>} : memref<1x400x128xf32, #tpu.memory_space<vmem>>, vector<1x1x16xf32>,
        %swap3A_345 = vector.shape_cast %swap3A_344 : vector<1x1x16xf32> to vector<16xf32>
        %swap3A_346 = vector.shape_cast %mul3A_339 : vector<16xf32> to vector<1x1x16xf32>
        tpu.vector_store %arg11[%swap3A_341, %swap3A_342, %swap3A_343], %swap3A_346 {strides = array<i32>} : memref<1x400x128xf32, #tpu.memory_space<vmem>>, vector<1x1x16xf32>,
        %get3A_347 = arith.constant 0 : i32
        %get3A_348 = arith.index_cast %get3A_347 : i32 to index
        %get3A_349 = arith.index_cast %add3A_301 : i32 to index
        %get3A_350 = arith.constant 48 : index
        %get3A_351 = tpu.vector_load %arg11[%get3A_348, %get3A_349, %get3A_350] {strides = array<i32>} : memref<1x400x128xf32, #tpu.memory_space<vmem>>, vector<1x1x16xf32>,
        %get3A_352 = vector.shape_cast %get3A_351 : vector<1x1x16xf32> to vector<16xf32>
        %mul3A_353 = arith.mulf %get3A_352, %broadcast_in_dim3A_304 : vector<16xf32>
        %swap3A_354 = arith.constant 0 : i32
        %swap3A_355 = arith.index_cast %swap3A_354 : i32 to index
        %swap3A_356 = arith.index_cast %add3A_301 : i32 to index
        %swap3A_357 = arith.constant 48 : index
        %swap3A_358 = tpu.vector_load %arg11[%swap3A_355, %swap3A_356, %swap3A_357] {strides = array<i32>} : memref<1x400x128xf32, #tpu.memory_space<vmem>>, vector<1x1x16xf32>,
        %swap3A_359 = vector.shape_cast %swap3A_358 : vector<1x1x16xf32> to vector<16xf32>
        %swap3A_360 = vector.shape_cast %mul3A_353 : vector<16xf32> to vector<1x1x16xf32>
        tpu.vector_store %arg11[%swap3A_355, %swap3A_356, %swap3A_357], %swap3A_360 {strides = array<i32>} : memref<1x400x128xf32, #tpu.memory_space<vmem>>, vector<1x1x16xf32>,
        %get3A_361 = arith.constant 0 : i32
        %get3A_362 = arith.index_cast %get3A_361 : i32 to index
        %get3A_363 = arith.index_cast %add3A_301 : i32 to index
        %get3A_364 = arith.constant 64 : index
        %get3A_365 = tpu.vector_load %arg11[%get3A_362, %get3A_363, %get3A_364] {strides = array<i32>} : memref<1x400x128xf32, #tpu.memory_space<vmem>>, vector<1x1x16xf32>,
        %get3A_366 = vector.shape_cast %get3A_365 : vector<1x1x16xf32> to vector<16xf32>
        %mul3A_367 = arith.mulf %get3A_366, %broadcast_in_dim3A_304 : vector<16xf32>
        %swap3A_368 = arith.constant 0 : i32
        %swap3A_369 = arith.index_cast %swap3A_368 : i32 to index
        %swap3A_370 = arith.index_cast %add3A_301 : i32 to index
        %swap3A_371 = arith.constant 64 : index
        %swap3A_372 = tpu.vector_load %arg11[%swap3A_369, %swap3A_370, %swap3A_371] {strides = array<i32>} : memref<1x400x128xf32, #tpu.memory_space<vmem>>, vector<1x1x16xf32>,
        %swap3A_373 = vector.shape_cast %swap3A_372 : vector<1x1x16xf32> to vector<16xf32>
        %swap3A_374 = vector.shape_cast %mul3A_367 : vector<16xf32> to vector<1x1x16xf32>
        tpu.vector_store %arg11[%swap3A_369, %swap3A_370, %swap3A_371], %swap3A_374 {strides = array<i32>} : memref<1x400x128xf32, #tpu.memory_space<vmem>>, vector<1x1x16xf32>,
        %get3A_375 = arith.constant 0 : i32
        %get3A_376 = arith.index_cast %get3A_375 : i32 to index
        %get3A_377 = arith.index_cast %add3A_301 : i32 to index
        %get3A_378 = arith.constant 80 : index
        %get3A_379 = tpu.vector_load %arg11[%get3A_376, %get3A_377, %get3A_378] {strides = array<i32>} : memref<1x400x128xf32, #tpu.memory_space<vmem>>, vector<1x1x16xf32>,
        %get3A_380 = vector.shape_cast %get3A_379 : vector<1x1x16xf32> to vector<16xf32>
        %mul3A_381 = arith.mulf %get3A_380, %broadcast_in_dim3A_304 : vector<16xf32>
        %swap3A_382 = arith.constant 0 : i32
        %swap3A_383 = arith.index_cast %swap3A_382 : i32 to index
        %swap3A_384 = arith.index_cast %add3A_301 : i32 to index
        %swap3A_385 = arith.constant 80 : index
        %swap3A_386 = tpu.vector_load %arg11[%swap3A_383, %swap3A_384, %swap3A_385] {strides = array<i32>} : memref<1x400x128xf32, #tpu.memory_space<vmem>>, vector<1x1x16xf32>,
        %swap3A_387 = vector.shape_cast %swap3A_386 : vector<1x1x16xf32> to vector<16xf32>
        %swap3A_388 = vector.shape_cast %mul3A_381 : vector<16xf32> to vector<1x1x16xf32>
        tpu.vector_store %arg11[%swap3A_383, %swap3A_384, %swap3A_385], %swap3A_388 {strides = array<i32>} : memref<1x400x128xf32, #tpu.memory_space<vmem>>, vector<1x1x16xf32>,
        %get3A_389 = arith.constant 0 : i32
        %get3A_390 = arith.index_cast %get3A_389 : i32 to index
        %get3A_391 = arith.index_cast %add3A_301 : i32 to index
        %get3A_392 = arith.constant 96 : index
        %get3A_393 = tpu.vector_load %arg11[%get3A_390, %get3A_391, %get3A_392] {strides = array<i32>} : memref<1x400x128xf32, #tpu.memory_space<vmem>>, vector<1x1x16xf32>,
        %get3A_394 = vector.shape_cast %get3A_393 : vector<1x1x16xf32> to vector<16xf32>
        %mul3A_395 = arith.mulf %get3A_394, %broadcast_in_dim3A_304 : vector<16xf32>
        %swap3A_396 = arith.constant 0 : i32
        %swap3A_397 = arith.index_cast %swap3A_396 : i32 to index
        %swap3A_398 = arith.index_cast %add3A_301 : i32 to index
        %swap3A_399 = arith.constant 96 : index
        %swap3A_400 = tpu.vector_load %arg11[%swap3A_397, %swap3A_398, %swap3A_399] {strides = array<i32>} : memref<1x400x128xf32, #tpu.memory_space<vmem>>, vector<1x1x16xf32>,
        %swap3A_401 = vector.shape_cast %swap3A_400 : vector<1x1x16xf32> to vector<16xf32>
        %swap3A_402 = vector.shape_cast %mul3A_395 : vector<16xf32> to vector<1x1x16xf32>
        tpu.vector_store %arg11[%swap3A_397, %swap3A_398, %swap3A_399], %swap3A_402 {strides = array<i32>} : memref<1x400x128xf32, #tpu.memory_space<vmem>>, vector<1x1x16xf32>,
        %get3A_403 = arith.constant 0 : i32
        %get3A_404 = arith.index_cast %get3A_403 : i32 to index
        %get3A_405 = arith.index_cast %add3A_301 : i32 to index
        %get3A_406 = arith.constant 112 : index
        %get3A_407 = tpu.vector_load %arg11[%get3A_404, %get3A_405, %get3A_406] {strides = array<i32>} : memref<1x400x128xf32, #tpu.memory_space<vmem>>, vector<1x1x16xf32>,
        %get3A_408 = vector.shape_cast %get3A_407 : vector<1x1x16xf32> to vector<16xf32>
        %mul3A_409 = arith.mulf %get3A_408, %broadcast_in_dim3A_304 : vector<16xf32>
        %swap3A_410 = arith.constant 0 : i32
        %swap3A_411 = arith.index_cast %swap3A_410 : i32 to index
        %swap3A_412 = arith.index_cast %add3A_301 : i32 to index
        %swap3A_413 = arith.constant 112 : index
        %swap3A_414 = tpu.vector_load %arg11[%swap3A_411, %swap3A_412, %swap3A_413] {strides = array<i32>} : memref<1x400x128xf32, #tpu.memory_space<vmem>>, vector<1x1x16xf32>,
        %swap3A_415 = vector.shape_cast %swap3A_414 : vector<1x1x16xf32> to vector<16xf32>
        %swap3A_416 = vector.shape_cast %mul3A_409 : vector<16xf32> to vector<1x1x16xf32>
        tpu.vector_store %arg11[%swap3A_411, %swap3A_412, %swap3A_413], %swap3A_416 {strides = array<i32>} : memref<1x400x128xf32, #tpu.memory_space<vmem>>, vector<1x1x16xf32>,
        %mul3A_417 = arith.constant 16 : i32
        %mul3A_418 = arith.muli %add3A_59, %mul3A_417 : i32
        %add3A_419 = arith.constant 3 : i32
        %add3A_420 = arith.addi %mul3A_418, %add3A_419 : i32
        %slice3A_421 = vector.extract_strided_slice %get3A_63 {offsets = [3], sizes = [1], strides = [1]} : vector<16xf32> to vector<1xf32>
        %squeeze3A_422 = vector.extract %slice3A_421[0] : f32 from vector<1xf32>
        %broadcast_in_dim3A_423 = vector.broadcast %squeeze3A_422 : f32 to vector<16xf32>
        %get3A_424 = arith.constant 0 : i32
        %get3A_425 = arith.index_cast %get3A_424 : i32 to index
        %get3A_426 = arith.index_cast %add3A_420 : i32 to index
        %get3A_427 = arith.constant 0 : index
        %get3A_428 = tpu.vector_load %arg11[%get3A_425, %get3A_426, %get3A_427] {strides = array<i32>} : memref<1x400x128xf32, #tpu.memory_space<vmem>>, vector<1x1x16xf32>,
        %get3A_429 = vector.shape_cast %get3A_428 : vector<1x1x16xf32> to vector<16xf32>
        %mul3A_430 = arith.mulf %get3A_429, %broadcast_in_dim3A_423 : vector<16xf32>
        %swap3A_431 = arith.constant 0 : i32
        %swap3A_432 = arith.index_cast %swap3A_431 : i32 to index
        %swap3A_433 = arith.index_cast %add3A_420 : i32 to index
        %swap3A_434 = arith.constant 0 : index
        %swap3A_435 = tpu.vector_load %arg11[%swap3A_432, %swap3A_433, %swap3A_434] {strides = array<i32>} : memref<1x400x128xf32, #tpu.memory_space<vmem>>, vector<1x1x16xf32>,
        %swap3A_436 = vector.shape_cast %swap3A_435 : vector<1x1x16xf32> to vector<16xf32>
        %swap3A_437 = vector.shape_cast %mul3A_430 : vector<16xf32> to vector<1x1x16xf32>
        tpu.vector_store %arg11[%swap3A_432, %swap3A_433, %swap3A_434], %swap3A_437 {strides = array<i32>} : memref<1x400x128xf32, #tpu.memory_space<vmem>>, vector<1x1x16xf32>,
        %get3A_438 = arith.constant 0 : i32
        %get3A_439 = arith.index_cast %get3A_438 : i32 to index
        %get3A_440 = arith.index_cast %add3A_420 : i32 to index
        %get3A_441 = arith.constant 16 : index
        %get3A_442 = tpu.vector_load %arg11[%get3A_439, %get3A_440, %get3A_441] {strides = array<i32>} : memref<1x400x128xf32, #tpu.memory_space<vmem>>, vector<1x1x16xf32>,
        %get3A_443 = vector.shape_cast %get3A_442 : vector<1x1x16xf32> to vector<16xf32>
        %mul3A_444 = arith.mulf %get3A_443, %broadcast_in_dim3A_423 : vector<16xf32>
        %swap3A_445 = arith.constant 0 : i32
        %swap3A_446 = arith.index_cast %swap3A_445 : i32 to index
        %swap3A_447 = arith.index_cast %add3A_420 : i32 to index
        %swap3A_448 = arith.constant 16 : index
        %swap3A_449 = tpu.vector_load %arg11[%swap3A_446, %swap3A_447, %swap3A_448] {strides = array<i32>} : memref<1x400x128xf32, #tpu.memory_space<vmem>>, vector<1x1x16xf32>,
        %swap3A_450 = vector.shape_cast %swap3A_449 : vector<1x1x16xf32> to vector<16xf32>
        %swap3A_451 = vector.shape_cast %mul3A_444 : vector<16xf32> to vector<1x1x16xf32>
        tpu.vector_store %arg11[%swap3A_446, %swap3A_447, %swap3A_448], %swap3A_451 {strides = array<i32>} : memref<1x400x128xf32, #tpu.memory_space<vmem>>, vector<1x1x16xf32>,
        %get3A_452 = arith.constant 0 : i32
        %get3A_453 = arith.index_cast %get3A_452 : i32 to index
        %get3A_454 = arith.index_cast %add3A_420 : i32 to index
        %get3A_455 = arith.constant 32 : index
        %get3A_456 = tpu.vector_load %arg11[%get3A_453, %get3A_454, %get3A_455] {strides = array<i32>} : memref<1x400x128xf32, #tpu.memory_space<vmem>>, vector<1x1x16xf32>,
        %get3A_457 = vector.shape_cast %get3A_456 : vector<1x1x16xf32> to vector<16xf32>
        %mul3A_458 = arith.mulf %get3A_457, %broadcast_in_dim3A_423 : vector<16xf32>
        %swap3A_459 = arith.constant 0 : i32
        %swap3A_460 = arith.index_cast %swap3A_459 : i32 to index
        %swap3A_461 = arith.index_cast %add3A_420 : i32 to index
        %swap3A_462 = arith.constant 32 : index
        %swap3A_463 = tpu.vector_load %arg11[%swap3A_460, %swap3A_461, %swap3A_462] {strides = array<i32>} : memref<1x400x128xf32, #tpu.memory_space<vmem>>, vector<1x1x16xf32>,
        %swap3A_464 = vector.shape_cast %swap3A_463 : vector<1x1x16xf32> to vector<16xf32>
        %swap3A_465 = vector.shape_cast %mul3A_458 : vector<16xf32> to vector<1x1x16xf32>
        tpu.vector_store %arg11[%swap3A_460, %swap3A_461, %swap3A_462], %swap3A_465 {strides = array<i32>} : memref<1x400x128xf32, #tpu.memory_space<vmem>>, vector<1x1x16xf32>,
        %get3A_466 = arith.constant 0 : i32
        %get3A_467 = arith.index_cast %get3A_466 : i32 to index
        %get3A_468 = arith.index_cast %add3A_420 : i32 to index
        %get3A_469 = arith.constant 48 : index
        %get3A_470 = tpu.vector_load %arg11[%get3A_467, %get3A_468, %get3A_469] {strides = array<i32>} : memref<1x400x128xf32, #tpu.memory_space<vmem>>, vector<1x1x16xf32>,
        %get3A_471 = vector.shape_cast %get3A_470 : vector<1x1x16xf32> to vector<16xf32>
        %mul3A_472 = arith.mulf %get3A_471, %broadcast_in_dim3A_423 : vector<16xf32>
        %swap3A_473 = arith.constant 0 : i32
        %swap3A_474 = arith.index_cast %swap3A_473 : i32 to index
        %swap3A_475 = arith.index_cast %add3A_420 : i32 to index
        %swap3A_476 = arith.constant 48 : index
        %swap3A_477 = tpu.vector_load %arg11[%swap3A_474, %swap3A_475, %swap3A_476] {strides = array<i32>} : memref<1x400x128xf32, #tpu.memory_space<vmem>>, vector<1x1x16xf32>,
        %swap3A_478 = vector.shape_cast %swap3A_477 : vector<1x1x16xf32> to vector<16xf32>
        %swap3A_479 = vector.shape_cast %mul3A_472 : vector<16xf32> to vector<1x1x16xf32>
        tpu.vector_store %arg11[%swap3A_474, %swap3A_475, %swap3A_476], %swap3A_479 {strides = array<i32>} : memref<1x400x128xf32, #tpu.memory_space<vmem>>, vector<1x1x16xf32>,
        %get3A_480 = arith.constant 0 : i32
        %get3A_481 = arith.index_cast %get3A_480 : i32 to index
        %get3A_482 = arith.index_cast %add3A_420 : i32 to index
        %get3A_483 = arith.constant 64 : index
        %get3A_484 = tpu.vector_load %arg11[%get3A_481, %get3A_482, %get3A_483] {strides = array<i32>} : memref<1x400x128xf32, #tpu.memory_space<vmem>>, vector<1x1x16xf32>,
        %get3A_485 = vector.shape_cast %get3A_484 : vector<1x1x16xf32> to vector<16xf32>
        %mul3A_486 = arith.mulf %get3A_485, %broadcast_in_dim3A_423 : vector<16xf32>
        %swap3A_487 = arith.constant 0 : i32
        %swap3A_488 = arith.index_cast %swap3A_487 : i32 to index
        %swap3A_489 = arith.index_cast %add3A_420 : i32 to index
        %swap3A_490 = arith.constant 64 : index
        %swap3A_491 = tpu.vector_load %arg11[%swap3A_488, %swap3A_489, %swap3A_490] {strides = array<i32>} : memref<1x400x128xf32, #tpu.memory_space<vmem>>, vector<1x1x16xf32>,
        %swap3A_492 = vector.shape_cast %swap3A_491 : vector<1x1x16xf32> to vector<16xf32>
        %swap3A_493 = vector.shape_cast %mul3A_486 : vector<16xf32> to vector<1x1x16xf32>
        tpu.vector_store %arg11[%swap3A_488, %swap3A_489, %swap3A_490], %swap3A_493 {strides = array<i32>} : memref<1x400x128xf32, #tpu.memory_space<vmem>>, vector<1x1x16xf32>,
        %get3A_494 = arith.constant 0 : i32
        %get3A_495 = arith.index_cast %get3A_494 : i32 to index
        %get3A_496 = arith.index_cast %add3A_420 : i32 to index
        %get3A_497 = arith.constant 80 : index
        %get3A_498 = tpu.vector_load %arg11[%get3A_495, %get3A_496, %get3A_497] {strides = array<i32>} : memref<1x400x128xf32, #tpu.memory_space<vmem>>, vector<1x1x16xf32>,
        %get3A_499 = vector.shape_cast %get3A_498 : vector<1x1x16xf32> to vector<16xf32>
        %mul3A_500 = arith.mulf %get3A_499, %broadcast_in_dim3A_423 : vector<16xf32>
        %swap3A_501 = arith.constant 0 : i32
        %swap3A_502 = arith.index_cast %swap3A_501 : i32 to index
        %swap3A_503 = arith.index_cast %add3A_420 : i32 to index
        %swap3A_504 = arith.constant 80 : index
        %swap3A_505 = tpu.vector_load %arg11[%swap3A_502, %swap3A_503, %swap3A_504] {strides = array<i32>} : memref<1x400x128xf32, #tpu.memory_space<vmem>>, vector<1x1x16xf32>,
        %swap3A_506 = vector.shape_cast %swap3A_505 : vector<1x1x16xf32> to vector<16xf32>
        %swap3A_507 = vector.shape_cast %mul3A_500 : vector<16xf32> to vector<1x1x16xf32>
        tpu.vector_store %arg11[%swap3A_502, %swap3A_503, %swap3A_504], %swap3A_507 {strides = array<i32>} : memref<1x400x128xf32, #tpu.memory_space<vmem>>, vector<1x1x16xf32>,
        %get3A_508 = arith.constant 0 : i32
        %get3A_509 = arith.index_cast %get3A_508 : i32 to index
        %get3A_510 = arith.index_cast %add3A_420 : i32 to index
        %get3A_511 = arith.constant 96 : index
        %get3A_512 = tpu.vector_load %arg11[%get3A_509, %get3A_510, %get3A_511] {strides = array<i32>} : memref<1x400x128xf32, #tpu.memory_space<vmem>>, vector<1x1x16xf32>,
        %get3A_513 = vector.shape_cast %get3A_512 : vector<1x1x16xf32> to vector<16xf32>
        %mul3A_514 = arith.mulf %get3A_513, %broadcast_in_dim3A_423 : vector<16xf32>
        %swap3A_515 = arith.constant 0 : i32
        %swap3A_516 = arith.index_cast %swap3A_515 : i32 to index
        %swap3A_517 = arith.index_cast %add3A_420 : i32 to index
        %swap3A_518 = arith.constant 96 : index
        %swap3A_519 = tpu.vector_load %arg11[%swap3A_516, %swap3A_517, %swap3A_518] {strides = array<i32>} : memref<1x400x128xf32, #tpu.memory_space<vmem>>, vector<1x1x16xf32>,
        %swap3A_520 = vector.shape_cast %swap3A_519 : vector<1x1x16xf32> to vector<16xf32>
        %swap3A_521 = vector.shape_cast %mul3A_514 : vector<16xf32> to vector<1x1x16xf32>
        tpu.vector_store %arg11[%swap3A_516, %swap3A_517, %swap3A_518], %swap3A_521 {strides = array<i32>} : memref<1x400x128xf32, #tpu.memory_space<vmem>>, vector<1x1x16xf32>,
        %get3A_522 = arith.constant 0 : i32
        %get3A_523 = arith.index_cast %get3A_522 : i32 to index
        %get3A_524 = arith.index_cast %add3A_420 : i32 to index
        %get3A_525 = arith.constant 112 : index
        %get3A_526 = tpu.vector_load %arg11[%get3A_523, %get3A_524, %get3A_525] {strides = array<i32>} : memref<1x400x128xf32, #tpu.memory_space<vmem>>, vector<1x1x16xf32>,
        %get3A_527 = vector.shape_cast %get3A_526 : vector<1x1x16xf32> to vector<16xf32>
        %mul3A_528 = arith.mulf %get3A_527, %broadcast_in_dim3A_423 : vector<16xf32>
        %swap3A_529 = arith.constant 0 : i32
        %swap3A_530 = arith.index_cast %swap3A_529 : i32 to index
        %swap3A_531 = arith.index_cast %add3A_420 : i32 to index
        %swap3A_532 = arith.constant 112 : index
        %swap3A_533 = tpu.vector_load %arg11[%swap3A_530, %swap3A_531, %swap3A_532] {strides = array<i32>} : memref<1x400x128xf32, #tpu.memory_space<vmem>>, vector<1x1x16xf32>,
        %swap3A_534 = vector.shape_cast %swap3A_533 : vector<1x1x16xf32> to vector<16xf32>
        %swap3A_535 = vector.shape_cast %mul3A_528 : vector<16xf32> to vector<1x1x16xf32>
        tpu.vector_store %arg11[%swap3A_530, %swap3A_531, %swap3A_532], %swap3A_535 {strides = array<i32>} : memref<1x400x128xf32, #tpu.memory_space<vmem>>, vector<1x1x16xf32>,
        %mul3A_536 = arith.constant 16 : i32
        %mul3A_537 = arith.muli %add3A_59, %mul3A_536 : i32
        %add3A_538 = arith.constant 4 : i32
        %add3A_539 = arith.addi %mul3A_537, %add3A_538 : i32
        %slice3A_540 = vector.extract_strided_slice %get3A_63 {offsets = [4], sizes = [1], strides = [1]} : vector<16xf32> to vector<1xf32>
        %squeeze3A_541 = vector.extract %slice3A_540[0] : f32 from vector<1xf32>
        %broadcast_in_dim3A_542 = vector.broadcast %squeeze3A_541 : f32 to vector<16xf32>
        %get3A_543 = arith.constant 0 : i32
        %get3A_544 = arith.index_cast %get3A_543 : i32 to index
        %get3A_545 = arith.index_cast %add3A_539 : i32 to index
        %get3A_546 = arith.constant 0 : index
        %get3A_547 = tpu.vector_load %arg11[%get3A_544, %get3A_545, %get3A_546] {strides = array<i32>} : memref<1x400x128xf32, #tpu.memory_space<vmem>>, vector<1x1x16xf32>,
        %get3A_548 = vector.shape_cast %get3A_547 : vector<1x1x16xf32> to vector<16xf32>
        %mul3A_549 = arith.mulf %get3A_548, %broadcast_in_dim3A_542 : vector<16xf32>
        %swap3A_550 = arith.constant 0 : i32
        %swap3A_551 = arith.index_cast %swap3A_550 : i32 to index
        %swap3A_552 = arith.index_cast %add3A_539 : i32 to index
        %swap3A_553 = arith.constant 0 : index
        %swap3A_554 = tpu.vector_load %arg11[%swap3A_551, %swap3A_552, %swap3A_553] {strides = array<i32>} : memref<1x400x128xf32, #tpu.memory_space<vmem>>, vector<1x1x16xf32>,
        %swap3A_555 = vector.shape_cast %swap3A_554 : vector<1x1x16xf32> to vector<16xf32>
        %swap3A_556 = vector.shape_cast %mul3A_549 : vector<16xf32> to vector<1x1x16xf32>
        tpu.vector_store %arg11[%swap3A_551, %swap3A_552, %swap3A_553], %swap3A_556 {strides = array<i32>} : memref<1x400x128xf32, #tpu.memory_space<vmem>>, vector<1x1x16xf32>,
        %get3A_557 = arith.constant 0 : i32
        %get3A_558 = arith.index_cast %get3A_557 : i32 to index
        %get3A_559 = arith.index_cast %add3A_539 : i32 to index
        %get3A_560 = arith.constant 16 : index
        %get3A_561 = tpu.vector_load %arg11[%get3A_558, %get3A_559, %get3A_560] {strides = array<i32>} : memref<1x400x128xf32, #tpu.memory_space<vmem>>, vector<1x1x16xf32>,
        %get3A_562 = vector.shape_cast %get3A_561 : vector<1x1x16xf32> to vector<16xf32>
        %mul3A_563 = arith.mulf %get3A_562, %broadcast_in_dim3A_542 : vector<16xf32>
        %swap3A_564 = arith.constant 0 : i32
        %swap3A_565 = arith.index_cast %swap3A_564 : i32 to index
        %swap3A_566 = arith.index_cast %add3A_539 : i32 to index
        %swap3A_567 = arith.constant 16 : index
        %swap3A_568 = tpu.vector_load %arg11[%swap3A_565, %swap3A_566, %swap3A_567] {strides = array<i32>} : memref<1x400x128xf32, #tpu.memory_space<vmem>>, vector<1x1x16xf32>,
        %swap3A_569 = vector.shape_cast %swap3A_568 : vector<1x1x16xf32> to vector<16xf32>
        %swap3A_570 = vector.shape_cast %mul3A_563 : vector<16xf32> to vector<1x1x16xf32>
        tpu.vector_store %arg11[%swap3A_565, %swap3A_566, %swap3A_567], %swap3A_570 {strides = array<i32>} : memref<1x400x128xf32, #tpu.memory_space<vmem>>, vector<1x1x16xf32>,
        %get3A_571 = arith.constant 0 : i32
        %get3A_572 = arith.index_cast %get3A_571 : i32 to index
        %get3A_573 = arith.index_cast %add3A_539 : i32 to index
        %get3A_574 = arith.constant 32 : index
        %get3A_575 = tpu.vector_load %arg11[%get3A_572, %get3A_573, %get3A_574] {strides = array<i32>} : memref<1x400x128xf32, #tpu.memory_space<vmem>>, vector<1x1x16xf32>,
        %get3A_576 = vector.shape_cast %get3A_575 : vector<1x1x16xf32> to vector<16xf32>
        %mul3A_577 = arith.mulf %get3A_576, %broadcast_in_dim3A_542 : vector<16xf32>
        %swap3A_578 = arith.constant 0 : i32
        %swap3A_579 = arith.index_cast %swap3A_578 : i32 to index
        %swap3A_580 = arith.index_cast %add3A_539 : i32 to index
        %swap3A_581 = arith.constant 32 : index
        %swap3A_582 = tpu.vector_load %arg11[%swap3A_579, %swap3A_580, %swap3A_581] {strides = array<i32>} : memref<1x400x128xf32, #tpu.memory_space<vmem>>, vector<1x1x16xf32>,
        %swap3A_583 = vector.shape_cast %swap3A_582 : vector<1x1x16xf32> to vector<16xf32>
        %swap3A_584 = vector.shape_cast %mul3A_577 : vector<16xf32> to vector<1x1x16xf32>
        tpu.vector_store %arg11[%swap3A_579, %swap3A_580, %swap3A_581], %swap3A_584 {strides = array<i32>} : memref<1x400x128xf32, #tpu.memory_space<vmem>>, vector<1x1x16xf32>,
        %get3A_585 = arith.constant 0 : i32
        %get3A_586 = arith.index_cast %get3A_585 : i32 to index
        %get3A_587 = arith.index_cast %add3A_539 : i32 to index
        %get3A_588 = arith.constant 48 : index
        %get3A_589 = tpu.vector_load %arg11[%get3A_586, %get3A_587, %get3A_588] {strides = array<i32>} : memref<1x400x128xf32, #tpu.memory_space<vmem>>, vector<1x1x16xf32>,
        %get3A_590 = vector.shape_cast %get3A_589 : vector<1x1x16xf32> to vector<16xf32>
        %mul3A_591 = arith.mulf %get3A_590, %broadcast_in_dim3A_542 : vector<16xf32>
        %swap3A_592 = arith.constant 0 : i32
        %swap3A_593 = arith.index_cast %swap3A_592 : i32 to index
        %swap3A_594 = arith.index_cast %add3A_539 : i32 to index
        %swap3A_595 = arith.constant 48 : index
        %swap3A_596 = tpu.vector_load %arg11[%swap3A_593, %swap3A_594, %swap3A_595] {strides = array<i32>} : memref<1x400x128xf32, #tpu.memory_space<vmem>>, vector<1x1x16xf32>,
        %swap3A_597 = vector.shape_cast %swap3A_596 : vector<1x1x16xf32> to vector<16xf32>
        %swap3A_598 = vector.shape_cast %mul3A_591 : vector<16xf32> to vector<1x1x16xf32>
        tpu.vector_store %arg11[%swap3A_593, %swap3A_594, %swap3A_595], %swap3A_598 {strides = array<i32>} : memref<1x400x128xf32, #tpu.memory_space<vmem>>, vector<1x1x16xf32>,
        %get3A_599 = arith.constant 0 : i32
        %get3A_600 = arith.index_cast %get3A_599 : i32 to index
        %get3A_601 = arith.index_cast %add3A_539 : i32 to index
        %get3A_602 = arith.constant 64 : index
        %get3A_603 = tpu.vector_load %arg11[%get3A_600, %get3A_601, %get3A_602] {strides = array<i32>} : memref<1x400x128xf32, #tpu.memory_space<vmem>>, vector<1x1x16xf32>,
        %get3A_604 = vector.shape_cast %get3A_603 : vector<1x1x16xf32> to vector<16xf32>
        %mul3A_605 = arith.mulf %get3A_604, %broadcast_in_dim3A_542 : vector<16xf32>
        %swap3A_606 = arith.constant 0 : i32
        %swap3A_607 = arith.index_cast %swap3A_606 : i32 to index
        %swap3A_608 = arith.index_cast %add3A_539 : i32 to index
        %swap3A_609 = arith.constant 64 : index
        %swap3A_610 = tpu.vector_load %arg11[%swap3A_607, %swap3A_608, %swap3A_609] {strides = array<i32>} : memref<1x400x128xf32, #tpu.memory_space<vmem>>, vector<1x1x16xf32>,
        %swap3A_611 = vector.shape_cast %swap3A_610 : vector<1x1x16xf32> to vector<16xf32>
        %swap3A_612 = vector.shape_cast %mul3A_605 : vector<16xf32> to vector<1x1x16xf32>
        tpu.vector_store %arg11[%swap3A_607, %swap3A_608, %swap3A_609], %swap3A_612 {strides = array<i32>} : memref<1x400x128xf32, #tpu.memory_space<vmem>>, vector<1x1x16xf32>,
        %get3A_613 = arith.constant 0 : i32
        %get3A_614 = arith.index_cast %get3A_613 : i32 to index
        %get3A_615 = arith.index_cast %add3A_539 : i32 to index
        %get3A_616 = arith.constant 80 : index
        %get3A_617 = tpu.vector_load %arg11[%get3A_614, %get3A_615, %get3A_616] {strides = array<i32>} : memref<1x400x128xf32, #tpu.memory_space<vmem>>, vector<1x1x16xf32>,
        %get3A_618 = vector.shape_cast %get3A_617 : vector<1x1x16xf32> to vector<16xf32>
        %mul3A_619 = arith.mulf %get3A_618, %broadcast_in_dim3A_542 : vector<16xf32>
        %swap3A_620 = arith.constant 0 : i32
        %swap3A_621 = arith.index_cast %swap3A_620 : i32 to index
        %swap3A_622 = arith.index_cast %add3A_539 : i32 to index
        %swap3A_623 = arith.constant 80 : index
        %swap3A_624 = tpu.vector_load %arg11[%swap3A_621, %swap3A_622, %swap3A_623] {strides = array<i32>} : memref<1x400x128xf32, #tpu.memory_space<vmem>>, vector<1x1x16xf32>,
        %swap3A_625 = vector.shape_cast %swap3A_624 : vector<1x1x16xf32> to vector<16xf32>
        %swap3A_626 = vector.shape_cast %mul3A_619 : vector<16xf32> to vector<1x1x16xf32>
        tpu.vector_store %arg11[%swap3A_621, %swap3A_622, %swap3A_623], %swap3A_626 {strides = array<i32>} : memref<1x400x128xf32, #tpu.memory_space<vmem>>, vector<1x1x16xf32>,
        %get3A_627 = arith.constant 0 : i32
        %get3A_628 = arith.index_cast %get3A_627 : i32 to index
        %get3A_629 = arith.index_cast %add3A_539 : i32 to index
        %get3A_630 = arith.constant 96 : index
        %get3A_631 = tpu.vector_load %arg11[%get3A_628, %get3A_629, %get3A_630] {strides = array<i32>} : memref<1x400x128xf32, #tpu.memory_space<vmem>>, vector<1x1x16xf32>,
        %get3A_632 = vector.shape_cast %get3A_631 : vector<1x1x16xf32> to vector<16xf32>
        %mul3A_633 = arith.mulf %get3A_632, %broadcast_in_dim3A_542 : vector<16xf32>
        %swap3A_634 = arith.constant 0 : i32
        %swap3A_635 = arith.index_cast %swap3A_634 : i32 to index
        %swap3A_636 = arith.index_cast %add3A_539 : i32 to index
        %swap3A_637 = arith.constant 96 : index
        %swap3A_638 = tpu.vector_load %arg11[%swap3A_635, %swap3A_636, %swap3A_637] {strides = array<i32>} : memref<1x400x128xf32, #tpu.memory_space<vmem>>, vector<1x1x16xf32>,
        %swap3A_639 = vector.shape_cast %swap3A_638 : vector<1x1x16xf32> to vector<16xf32>
        %swap3A_640 = vector.shape_cast %mul3A_633 : vector<16xf32> to vector<1x1x16xf32>
        tpu.vector_store %arg11[%swap3A_635, %swap3A_636, %swap3A_637], %swap3A_640 {strides = array<i32>} : memref<1x400x128xf32, #tpu.memory_space<vmem>>, vector<1x1x16xf32>,
        %get3A_641 = arith.constant 0 : i32
        %get3A_642 = arith.index_cast %get3A_641 : i32 to index
        %get3A_643 = arith.index_cast %add3A_539 : i32 to index
        %get3A_644 = arith.constant 112 : index
        %get3A_645 = tpu.vector_load %arg11[%get3A_642, %get3A_643, %get3A_644] {strides = array<i32>} : memref<1x400x128xf32, #tpu.memory_space<vmem>>, vector<1x1x16xf32>,
        %get3A_646 = vector.shape_cast %get3A_645 : vector<1x1x16xf32> to vector<16xf32>
        %mul3A_647 = arith.mulf %get3A_646, %broadcast_in_dim3A_542 : vector<16xf32>
        %swap3A_648 = arith.constant 0 : i32
        %swap3A_649 = arith.index_cast %swap3A_648 : i32 to index
        %swap3A_650 = arith.index_cast %add3A_539 : i32 to index
        %swap3A_651 = arith.constant 112 : index
        %swap3A_652 = tpu.vector_load %arg11[%swap3A_649, %swap3A_650, %swap3A_651] {strides = array<i32>} : memref<1x400x128xf32, #tpu.memory_space<vmem>>, vector<1x1x16xf32>,
        %swap3A_653 = vector.shape_cast %swap3A_652 : vector<1x1x16xf32> to vector<16xf32>
        %swap3A_654 = vector.shape_cast %mul3A_647 : vector<16xf32> to vector<1x1x16xf32>
        tpu.vector_store %arg11[%swap3A_649, %swap3A_650, %swap3A_651], %swap3A_654 {strides = array<i32>} : memref<1x400x128xf32, #tpu.memory_space<vmem>>, vector<1x1x16xf32>,
        %mul3A_655 = arith.constant 16 : i32
        %mul3A_656 = arith.muli %add3A_59, %mul3A_655 : i32
        %add3A_657 = arith.constant 5 : i32
        %add3A_658 = arith.addi %mul3A_656, %add3A_657 : i32
        %slice3A_659 = vector.extract_strided_slice %get3A_63 {offsets = [5], sizes = [1], strides = [1]} : vector<16xf32> to vector<1xf32>
        %squeeze3A_660 = vector.extract %slice3A_659[0] : f32 from vector<1xf32>
        %broadcast_in_dim3A_661 = vector.broadcast %squeeze3A_660 : f32 to vector<16xf32>
        %get3A_662 = arith.constant 0 : i32
        %get3A_663 = arith.index_cast %get3A_662 : i32 to index
        %get3A_664 = arith.index_cast %add3A_658 : i32 to index
        %get3A_665 = arith.constant 0 : index
        %get3A_666 = tpu.vector_load %arg11[%get3A_663, %get3A_664, %get3A_665] {strides = array<i32>} : memref<1x400x128xf32, #tpu.memory_space<vmem>>, vector<1x1x16xf32>,
        %get3A_667 = vector.shape_cast %get3A_666 : vector<1x1x16xf32> to vector<16xf32>
        %mul3A_668 = arith.mulf %get3A_667, %broadcast_in_dim3A_661 : vector<16xf32>
        %swap3A_669 = arith.constant 0 : i32
        %swap3A_670 = arith.index_cast %swap3A_669 : i32 to index
        %swap3A_671 = arith.index_cast %add3A_658 : i32 to index
        %swap3A_672 = arith.constant 0 : index
        %swap3A_673 = tpu.vector_load %arg11[%swap3A_670, %swap3A_671, %swap3A_672] {strides = array<i32>} : memref<1x400x128xf32, #tpu.memory_space<vmem>>, vector<1x1x16xf32>,
        %swap3A_674 = vector.shape_cast %swap3A_673 : vector<1x1x16xf32> to vector<16xf32>
        %swap3A_675 = vector.shape_cast %mul3A_668 : vector<16xf32> to vector<1x1x16xf32>
        tpu.vector_store %arg11[%swap3A_670, %swap3A_671, %swap3A_672], %swap3A_675 {strides = array<i32>} : memref<1x400x128xf32, #tpu.memory_space<vmem>>, vector<1x1x16xf32>,
        %get3A_676 = arith.constant 0 : i32
        %get3A_677 = arith.index_cast %get3A_676 : i32 to index
        %get3A_678 = arith.index_cast %add3A_658 : i32 to index
        %get3A_679 = arith.constant 16 : index
        %get3A_680 = tpu.vector_load %arg11[%get3A_677, %get3A_678, %get3A_679] {strides = array<i32>} : memref<1x400x128xf32, #tpu.memory_space<vmem>>, vector<1x1x16xf32>,
        %get3A_681 = vector.shape_cast %get3A_680 : vector<1x1x16xf32> to vector<16xf32>
        %mul3A_682 = arith.mulf %get3A_681, %broadcast_in_dim3A_661 : vector<16xf32>
        %swap3A_683 = arith.constant 0 : i32
        %swap3A_684 = arith.index_cast %swap3A_683 : i32 to index
        %swap3A_685 = arith.index_cast %add3A_658 : i32 to index
        %swap3A_686 = arith.constant 16 : index
        %swap3A_687 = tpu.vector_load %arg11[%swap3A_684, %swap3A_685, %swap3A_686] {strides = array<i32>} : memref<1x400x128xf32, #tpu.memory_space<vmem>>, vector<1x1x16xf32>,
        %swap3A_688 = vector.shape_cast %swap3A_687 : vector<1x1x16xf32> to vector<16xf32>
        %swap3A_689 = vector.shape_cast %mul3A_682 : vector<16xf32> to vector<1x1x16xf32>
        tpu.vector_store %arg11[%swap3A_684, %swap3A_685, %swap3A_686], %swap3A_689 {strides = array<i32>} : memref<1x400x128xf32, #tpu.memory_space<vmem>>, vector<1x1x16xf32>,
        %get3A_690 = arith.constant 0 : i32
        %get3A_691 = arith.index_cast %get3A_690 : i32 to index
        %get3A_692 = arith.index_cast %add3A_658 : i32 to index
        %get3A_693 = arith.constant 32 : index
        %get3A_694 = tpu.vector_load %arg11[%get3A_691, %get3A_692, %get3A_693] {strides = array<i32>} : memref<1x400x128xf32, #tpu.memory_space<vmem>>, vector<1x1x16xf32>,
        %get3A_695 = vector.shape_cast %get3A_694 : vector<1x1x16xf32> to vector<16xf32>
        %mul3A_696 = arith.mulf %get3A_695, %broadcast_in_dim3A_661 : vector<16xf32>
        %swap3A_697 = arith.constant 0 : i32
        %swap3A_698 = arith.index_cast %swap3A_697 : i32 to index
        %swap3A_699 = arith.index_cast %add3A_658 : i32 to index
        %swap3A_700 = arith.constant 32 : index
        %swap3A_701 = tpu.vector_load %arg11[%swap3A_698, %swap3A_699, %swap3A_700] {strides = array<i32>} : memref<1x400x128xf32, #tpu.memory_space<vmem>>, vector<1x1x16xf32>,
        %swap3A_702 = vector.shape_cast %swap3A_701 : vector<1x1x16xf32> to vector<16xf32>
        %swap3A_703 = vector.shape_cast %mul3A_696 : vector<16xf32> to vector<1x1x16xf32>
        tpu.vector_store %arg11[%swap3A_698, %swap3A_699, %swap3A_700], %swap3A_703 {strides = array<i32>} : memref<1x400x128xf32, #tpu.memory_space<vmem>>, vector<1x1x16xf32>,
        %get3A_704 = arith.constant 0 : i32
        %get3A_705 = arith.index_cast %get3A_704 : i32 to index
        %get3A_706 = arith.index_cast %add3A_658 : i32 to index
        %get3A_707 = arith.constant 48 : index
        %get3A_708 = tpu.vector_load %arg11[%get3A_705, %get3A_706, %get3A_707] {strides = array<i32>} : memref<1x400x128xf32, #tpu.memory_space<vmem>>, vector<1x1x16xf32>,
        %get3A_709 = vector.shape_cast %get3A_708 : vector<1x1x16xf32> to vector<16xf32>
        %mul3A_710 = arith.mulf %get3A_709, %broadcast_in_dim3A_661 : vector<16xf32>
        %swap3A_711 = arith.constant 0 : i32
        %swap3A_712 = arith.index_cast %swap3A_711 : i32 to index
        %swap3A_713 = arith.index_cast %add3A_658 : i32 to index
        %swap3A_714 = arith.constant 48 : index
        %swap3A_715 = tpu.vector_load %arg11[%swap3A_712, %swap3A_713, %swap3A_714] {strides = array<i32>} : memref<1x400x128xf32, #tpu.memory_space<vmem>>, vector<1x1x16xf32>,
        %swap3A_716 = vector.shape_cast %swap3A_715 : vector<1x1x16xf32> to vector<16xf32>
        %swap3A_717 = vector.shape_cast %mul3A_710 : vector<16xf32> to vector<1x1x16xf32>
        tpu.vector_store %arg11[%swap3A_712, %swap3A_713, %swap3A_714], %swap3A_717 {strides = array<i32>} : memref<1x400x128xf32, #tpu.memory_space<vmem>>, vector<1x1x16xf32>,
        %get3A_718 = arith.constant 0 : i32
        %get3A_719 = arith.index_cast %get3A_718 : i32 to index
        %get3A_720 = arith.index_cast %add3A_658 : i32 to index
        %get3A_721 = arith.constant 64 : index
        %get3A_722 = tpu.vector_load %arg11[%get3A_719, %get3A_720, %get3A_721] {strides = array<i32>} : memref<1x400x128xf32, #tpu.memory_space<vmem>>, vector<1x1x16xf32>,
        %get3A_723 = vector.shape_cast %get3A_722 : vector<1x1x16xf32> to vector<16xf32>
        %mul3A_724 = arith.mulf %get3A_723, %broadcast_in_dim3A_661 : vector<16xf32>
        %swap3A_725 = arith.constant 0 : i32
        %swap3A_726 = arith.index_cast %swap3A_725 : i32 to index
        %swap3A_727 = arith.index_cast %add3A_658 : i32 to index
        %swap3A_728 = arith.constant 64 : index
        %swap3A_729 = tpu.vector_load %arg11[%swap3A_726, %swap3A_727, %swap3A_728] {strides = array<i32>} : memref<1x400x128xf32, #tpu.memory_space<vmem>>, vector<1x1x16xf32>,
        %swap3A_730 = vector.shape_cast %swap3A_729 : vector<1x1x16xf32> to vector<16xf32>
        %swap3A_731 = vector.shape_cast %mul3A_724 : vector<16xf32> to vector<1x1x16xf32>
        tpu.vector_store %arg11[%swap3A_726, %swap3A_727, %swap3A_728], %swap3A_731 {strides = array<i32>} : memref<1x400x128xf32, #tpu.memory_space<vmem>>, vector<1x1x16xf32>,
        %get3A_732 = arith.constant 0 : i32
        %get3A_733 = arith.index_cast %get3A_732 : i32 to index
        %get3A_734 = arith.index_cast %add3A_658 : i32 to index
        %get3A_735 = arith.constant 80 : index
        %get3A_736 = tpu.vector_load %arg11[%get3A_733, %get3A_734, %get3A_735] {strides = array<i32>} : memref<1x400x128xf32, #tpu.memory_space<vmem>>, vector<1x1x16xf32>,
        %get3A_737 = vector.shape_cast %get3A_736 : vector<1x1x16xf32> to vector<16xf32>
        %mul3A_738 = arith.mulf %get3A_737, %broadcast_in_dim3A_661 : vector<16xf32>
        %swap3A_739 = arith.constant 0 : i32
        %swap3A_740 = arith.index_cast %swap3A_739 : i32 to index
        %swap3A_741 = arith.index_cast %add3A_658 : i32 to index
        %swap3A_742 = arith.constant 80 : index
        %swap3A_743 = tpu.vector_load %arg11[%swap3A_740, %swap3A_741, %swap3A_742] {strides = array<i32>} : memref<1x400x128xf32, #tpu.memory_space<vmem>>, vector<1x1x16xf32>,
        %swap3A_744 = vector.shape_cast %swap3A_743 : vector<1x1x16xf32> to vector<16xf32>
        %swap3A_745 = vector.shape_cast %mul3A_738 : vector<16xf32> to vector<1x1x16xf32>
        tpu.vector_store %arg11[%swap3A_740, %swap3A_741, %swap3A_742], %swap3A_745 {strides = array<i32>} : memref<1x400x128xf32, #tpu.memory_space<vmem>>, vector<1x1x16xf32>,
        %get3A_746 = arith.constant 0 : i32
        %get3A_747 = arith.index_cast %get3A_746 : i32 to index
        %get3A_748 = arith.index_cast %add3A_658 : i32 to index
        %get3A_749 = arith.constant 96 : index
        %get3A_750 = tpu.vector_load %arg11[%get3A_747, %get3A_748, %get3A_749] {strides = array<i32>} : memref<1x400x128xf32, #tpu.memory_space<vmem>>, vector<1x1x16xf32>,
        %get3A_751 = vector.shape_cast %get3A_750 : vector<1x1x16xf32> to vector<16xf32>
        %mul3A_752 = arith.mulf %get3A_751, %broadcast_in_dim3A_661 : vector<16xf32>
        %swap3A_753 = arith.constant 0 : i32
        %swap3A_754 = arith.index_cast %swap3A_753 : i32 to index
        %swap3A_755 = arith.index_cast %add3A_658 : i32 to index
        %swap3A_756 = arith.constant 96 : index
        %swap3A_757 = tpu.vector_load %arg11[%swap3A_754, %swap3A_755, %swap3A_756] {strides = array<i32>} : memref<1x400x128xf32, #tpu.memory_space<vmem>>, vector<1x1x16xf32>,
        %swap3A_758 = vector.shape_cast %swap3A_757 : vector<1x1x16xf32> to vector<16xf32>
        %swap3A_759 = vector.shape_cast %mul3A_752 : vector<16xf32> to vector<1x1x16xf32>
        tpu.vector_store %arg11[%swap3A_754, %swap3A_755, %swap3A_756], %swap3A_759 {strides = array<i32>} : memref<1x400x128xf32, #tpu.memory_space<vmem>>, vector<1x1x16xf32>,
        %get3A_760 = arith.constant 0 : i32
        %get3A_761 = arith.index_cast %get3A_760 : i32 to index
        %get3A_762 = arith.index_cast %add3A_658 : i32 to index
        %get3A_763 = arith.constant 112 : index
        %get3A_764 = tpu.vector_load %arg11[%get3A_761, %get3A_762, %get3A_763] {strides = array<i32>} : memref<1x400x128xf32, #tpu.memory_space<vmem>>, vector<1x1x16xf32>,
        %get3A_765 = vector.shape_cast %get3A_764 : vector<1x1x16xf32> to vector<16xf32>
        %mul3A_766 = arith.mulf %get3A_765, %broadcast_in_dim3A_661 : vector<16xf32>
        %swap3A_767 = arith.constant 0 : i32
        %swap3A_768 = arith.index_cast %swap3A_767 : i32 to index
        %swap3A_769 = arith.index_cast %add3A_658 : i32 to index
        %swap3A_770 = arith.constant 112 : index
        %swap3A_771 = tpu.vector_load %arg11[%swap3A_768, %swap3A_769, %swap3A_770] {strides = array<i32>} : memref<1x400x128xf32, #tpu.memory_space<vmem>>, vector<1x1x16xf32>,
        %swap3A_772 = vector.shape_cast %swap3A_771 : vector<1x1x16xf32> to vector<16xf32>
        %swap3A_773 = vector.shape_cast %mul3A_766 : vector<16xf32> to vector<1x1x16xf32>
        tpu.vector_store %arg11[%swap3A_768, %swap3A_769, %swap3A_770], %swap3A_773 {strides = array<i32>} : memref<1x400x128xf32, #tpu.memory_space<vmem>>, vector<1x1x16xf32>,
        %mul3A_774 = arith.constant 16 : i32
        %mul3A_775 = arith.muli %add3A_59, %mul3A_774 : i32
        %add3A_776 = arith.constant 6 : i32
        %add3A_777 = arith.addi %mul3A_775, %add3A_776 : i32
        %slice3A_778 = vector.extract_strided_slice %get3A_63 {offsets = [6], sizes = [1], strides = [1]} : vector<16xf32> to vector<1xf32>
        %squeeze3A_779 = vector.extract %slice3A_778[0] : f32 from vector<1xf32>
        %broadcast_in_dim3A_780 = vector.broadcast %squeeze3A_779 : f32 to vector<16xf32>
        %get3A_781 = arith.constant 0 : i32
        %get3A_782 = arith.index_cast %get3A_781 : i32 to index
        %get3A_783 = arith.index_cast %add3A_777 : i32 to index
        %get3A_784 = arith.constant 0 : index
        %get3A_785 = tpu.vector_load %arg11[%get3A_782, %get3A_783, %get3A_784] {strides = array<i32>} : memref<1x400x128xf32, #tpu.memory_space<vmem>>, vector<1x1x16xf32>,
        %get3A_786 = vector.shape_cast %get3A_785 : vector<1x1x16xf32> to vector<16xf32>
        %mul3A_787 = arith.mulf %get3A_786, %broadcast_in_dim3A_780 : vector<16xf32>
        %swap3A_788 = arith.constant 0 : i32
        %swap3A_789 = arith.index_cast %swap3A_788 : i32 to index
        %swap3A_790 = arith.index_cast %add3A_777 : i32 to index
        %swap3A_791 = arith.constant 0 : index
        %swap3A_792 = tpu.vector_load %arg11[%swap3A_789, %swap3A_790, %swap3A_791] {strides = array<i32>} : memref<1x400x128xf32, #tpu.memory_space<vmem>>, vector<1x1x16xf32>,
        %swap3A_793 = vector.shape_cast %swap3A_792 : vector<1x1x16xf32> to vector<16xf32>
        %swap3A_794 = vector.shape_cast %mul3A_787 : vector<16xf32> to vector<1x1x16xf32>
        tpu.vector_store %arg11[%swap3A_789, %swap3A_790, %swap3A_791], %swap3A_794 {strides = array<i32>} : memref<1x400x128xf32, #tpu.memory_space<vmem>>, vector<1x1x16xf32>,
        %get3A_795 = arith.constant 0 : i32
        %get3A_796 = arith.index_cast %get3A_795 : i32 to index
        %get3A_797 = arith.index_cast %add3A_777 : i32 to index
        %get3A_798 = arith.constant 16 : index
        %get3A_799 = tpu.vector_load %arg11[%get3A_796, %get3A_797, %get3A_798] {strides = array<i32>} : memref<1x400x128xf32, #tpu.memory_space<vmem>>, vector<1x1x16xf32>,
        %get3A_800 = vector.shape_cast %get3A_799 : vector<1x1x16xf32> to vector<16xf32>
        %mul3A_801 = arith.mulf %get3A_800, %broadcast_in_dim3A_780 : vector<16xf32>
        %swap3A_802 = arith.constant 0 : i32
        %swap3A_803 = arith.index_cast %swap3A_802 : i32 to index
        %swap3A_804 = arith.index_cast %add3A_777 : i32 to index
        %swap3A_805 = arith.constant 16 : index
        %swap3A_806 = tpu.vector_load %arg11[%swap3A_803, %swap3A_804, %swap3A_805] {strides = array<i32>} : memref<1x400x128xf32, #tpu.memory_space<vmem>>, vector<1x1x16xf32>,
        %swap3A_807 = vector.shape_cast %swap3A_806 : vector<1x1x16xf32> to vector<16xf32>
        %swap3A_808 = vector.shape_cast %mul3A_801 : vector<16xf32> to vector<1x1x16xf32>
        tpu.vector_store %arg11[%swap3A_803, %swap3A_804, %swap3A_805], %swap3A_808 {strides = array<i32>} : memref<1x400x128xf32, #tpu.memory_space<vmem>>, vector<1x1x16xf32>,
        %get3A_809 = arith.constant 0 : i32
        %get3A_810 = arith.index_cast %get3A_809 : i32 to index
        %get3A_811 = arith.index_cast %add3A_777 : i32 to index
        %get3A_812 = arith.constant 32 : index
        %get3A_813 = tpu.vector_load %arg11[%get3A_810, %get3A_811, %get3A_812] {strides = array<i32>} : memref<1x400x128xf32, #tpu.memory_space<vmem>>, vector<1x1x16xf32>,
        %get3A_814 = vector.shape_cast %get3A_813 : vector<1x1x16xf32> to vector<16xf32>
        %mul3A_815 = arith.mulf %get3A_814, %broadcast_in_dim3A_780 : vector<16xf32>
        %swap3A_816 = arith.constant 0 : i32
        %swap3A_817 = arith.index_cast %swap3A_816 : i32 to index
        %swap3A_818 = arith.index_cast %add3A_777 : i32 to index
        %swap3A_819 = arith.constant 32 : index
        %swap3A_820 = tpu.vector_load %arg11[%swap3A_817, %swap3A_818, %swap3A_819] {strides = array<i32>} : memref<1x400x128xf32, #tpu.memory_space<vmem>>, vector<1x1x16xf32>,
        %swap3A_821 = vector.shape_cast %swap3A_820 : vector<1x1x16xf32> to vector<16xf32>
        %swap3A_822 = vector.shape_cast %mul3A_815 : vector<16xf32> to vector<1x1x16xf32>
        tpu.vector_store %arg11[%swap3A_817, %swap3A_818, %swap3A_819], %swap3A_822 {strides = array<i32>} : memref<1x400x128xf32, #tpu.memory_space<vmem>>, vector<1x1x16xf32>,
        %get3A_823 = arith.constant 0 : i32
        %get3A_824 = arith.index_cast %get3A_823 : i32 to index
        %get3A_825 = arith.index_cast %add3A_777 : i32 to index
        %get3A_826 = arith.constant 48 : index
        %get3A_827 = tpu.vector_load %arg11[%get3A_824, %get3A_825, %get3A_826] {strides = array<i32>} : memref<1x400x128xf32, #tpu.memory_space<vmem>>, vector<1x1x16xf32>,
        %get3A_828 = vector.shape_cast %get3A_827 : vector<1x1x16xf32> to vector<16xf32>
        %mul3A_829 = arith.mulf %get3A_828, %broadcast_in_dim3A_780 : vector<16xf32>
        %swap3A_830 = arith.constant 0 : i32
        %swap3A_831 = arith.index_cast %swap3A_830 : i32 to index
        %swap3A_832 = arith.index_cast %add3A_777 : i32 to index
        %swap3A_833 = arith.constant 48 : index
        %swap3A_834 = tpu.vector_load %arg11[%swap3A_831, %swap3A_832, %swap3A_833] {strides = array<i32>} : memref<1x400x128xf32, #tpu.memory_space<vmem>>, vector<1x1x16xf32>,
        %swap3A_835 = vector.shape_cast %swap3A_834 : vector<1x1x16xf32> to vector<16xf32>
        %swap3A_836 = vector.shape_cast %mul3A_829 : vector<16xf32> to vector<1x1x16xf32>
        tpu.vector_store %arg11[%swap3A_831, %swap3A_832, %swap3A_833], %swap3A_836 {strides = array<i32>} : memref<1x400x128xf32, #tpu.memory_space<vmem>>, vector<1x1x16xf32>,
        %get3A_837 = arith.constant 0 : i32
        %get3A_838 = arith.index_cast %get3A_837 : i32 to index
        %get3A_839 = arith.index_cast %add3A_777 : i32 to index
        %get3A_840 = arith.constant 64 : index
        %get3A_841 = tpu.vector_load %arg11[%get3A_838, %get3A_839, %get3A_840] {strides = array<i32>} : memref<1x400x128xf32, #tpu.memory_space<vmem>>, vector<1x1x16xf32>,
        %get3A_842 = vector.shape_cast %get3A_841 : vector<1x1x16xf32> to vector<16xf32>
        %mul3A_843 = arith.mulf %get3A_842, %broadcast_in_dim3A_780 : vector<16xf32>
        %swap3A_844 = arith.constant 0 : i32
        %swap3A_845 = arith.index_cast %swap3A_844 : i32 to index
        %swap3A_846 = arith.index_cast %add3A_777 : i32 to index
        %swap3A_847 = arith.constant 64 : index
        %swap3A_848 = tpu.vector_load %arg11[%swap3A_845, %swap3A_846, %swap3A_847] {strides = array<i32>} : memref<1x400x128xf32, #tpu.memory_space<vmem>>, vector<1x1x16xf32>,
        %swap3A_849 = vector.shape_cast %swap3A_848 : vector<1x1x16xf32> to vector<16xf32>
        %swap3A_850 = vector.shape_cast %mul3A_843 : vector<16xf32> to vector<1x1x16xf32>
        tpu.vector_store %arg11[%swap3A_845, %swap3A_846, %swap3A_847], %swap3A_850 {strides = array<i32>} : memref<1x400x128xf32, #tpu.memory_space<vmem>>, vector<1x1x16xf32>,
        %get3A_851 = arith.constant 0 : i32
        %get3A_852 = arith.index_cast %get3A_851 : i32 to index
        %get3A_853 = arith.index_cast %add3A_777 : i32 to index
        %get3A_854 = arith.constant 80 : index
        %get3A_855 = tpu.vector_load %arg11[%get3A_852, %get3A_853, %get3A_854] {strides = array<i32>} : memref<1x400x128xf32, #tpu.memory_space<vmem>>, vector<1x1x16xf32>,
        %get3A_856 = vector.shape_cast %get3A_855 : vector<1x1x16xf32> to vector<16xf32>
        %mul3A_857 = arith.mulf %get3A_856, %broadcast_in_dim3A_780 : vector<16xf32>
        %swap3A_858 = arith.constant 0 : i32
        %swap3A_859 = arith.index_cast %swap3A_858 : i32 to index
        %swap3A_860 = arith.index_cast %add3A_777 : i32 to index
        %swap3A_861 = arith.constant 80 : index
        %swap3A_862 = tpu.vector_load %arg11[%swap3A_859, %swap3A_860, %swap3A_861] {strides = array<i32>} : memref<1x400x128xf32, #tpu.memory_space<vmem>>, vector<1x1x16xf32>,
        %swap3A_863 = vector.shape_cast %swap3A_862 : vector<1x1x16xf32> to vector<16xf32>
        %swap3A_864 = vector.shape_cast %mul3A_857 : vector<16xf32> to vector<1x1x16xf32>
        tpu.vector_store %arg11[%swap3A_859, %swap3A_860, %swap3A_861], %swap3A_864 {strides = array<i32>} : memref<1x400x128xf32, #tpu.memory_space<vmem>>, vector<1x1x16xf32>,
        %get3A_865 = arith.constant 0 : i32
        %get3A_866 = arith.index_cast %get3A_865 : i32 to index
        %get3A_867 = arith.index_cast %add3A_777 : i32 to index
        %get3A_868 = arith.constant 96 : index
        %get3A_869 = tpu.vector_load %arg11[%get3A_866, %get3A_867, %get3A_868] {strides = array<i32>} : memref<1x400x128xf32, #tpu.memory_space<vmem>>, vector<1x1x16xf32>,
        %get3A_870 = vector.shape_cast %get3A_869 : vector<1x1x16xf32> to vector<16xf32>
        %mul3A_871 = arith.mulf %get3A_870, %broadcast_in_dim3A_780 : vector<16xf32>
        %swap3A_872 = arith.constant 0 : i32
        %swap3A_873 = arith.index_cast %swap3A_872 : i32 to index
        %swap3A_874 = arith.index_cast %add3A_777 : i32 to index
        %swap3A_875 = arith.constant 96 : index
        %swap3A_876 = tpu.vector_load %arg11[%swap3A_873, %swap3A_874, %swap3A_875] {strides = array<i32>} : memref<1x400x128xf32, #tpu.memory_space<vmem>>, vector<1x1x16xf32>,
        %swap3A_877 = vector.shape_cast %swap3A_876 : vector<1x1x16xf32> to vector<16xf32>
        %swap3A_878 = vector.shape_cast %mul3A_871 : vector<16xf32> to vector<1x1x16xf32>
        tpu.vector_store %arg11[%swap3A_873, %swap3A_874, %swap3A_875], %swap3A_878 {strides = array<i32>} : memref<1x400x128xf32, #tpu.memory_space<vmem>>, vector<1x1x16xf32>,
        %get3A_879 = arith.constant 0 : i32
        %get3A_880 = arith.index_cast %get3A_879 : i32 to index
        %get3A_881 = arith.index_cast %add3A_777 : i32 to index
        %get3A_882 = arith.constant 112 : index
        %get3A_883 = tpu.vector_load %arg11[%get3A_880, %get3A_881, %get3A_882] {strides = array<i32>} : memref<1x400x128xf32, #tpu.memory_space<vmem>>, vector<1x1x16xf32>,
        %get3A_884 = vector.shape_cast %get3A_883 : vector<1x1x16xf32> to vector<16xf32>
        %mul3A_885 = arith.mulf %get3A_884, %broadcast_in_dim3A_780 : vector<16xf32>
        %swap3A_886 = arith.constant 0 : i32
        %swap3A_887 = arith.index_cast %swap3A_886 : i32 to index
        %swap3A_888 = arith.index_cast %add3A_777 : i32 to index
        %swap3A_889 = arith.constant 112 : index
        %swap3A_890 = tpu.vector_load %arg11[%swap3A_887, %swap3A_888, %swap3A_889] {strides = array<i32>} : memref<1x400x128xf32, #tpu.memory_space<vmem>>, vector<1x1x16xf32>,
        %swap3A_891 = vector.shape_cast %swap3A_890 : vector<1x1x16xf32> to vector<16xf32>
        %swap3A_892 = vector.shape_cast %mul3A_885 : vector<16xf32> to vector<1x1x16xf32>
        tpu.vector_store %arg11[%swap3A_887, %swap3A_888, %swap3A_889], %swap3A_892 {strides = array<i32>} : memref<1x400x128xf32, #tpu.memory_space<vmem>>, vector<1x1x16xf32>,
        %mul3A_893 = arith.constant 16 : i32
        %mul3A_894 = arith.muli %add3A_59, %mul3A_893 : i32
        %add3A_895 = arith.constant 7 : i32
        %add3A_896 = arith.addi %mul3A_894, %add3A_895 : i32
        %slice3A_897 = vector.extract_strided_slice %get3A_63 {offsets = [7], sizes = [1], strides = [1]} : vector<16xf32> to vector<1xf32>
        %squeeze3A_898 = vector.extract %slice3A_897[0] : f32 from vector<1xf32>
        %broadcast_in_dim3A_899 = vector.broadcast %squeeze3A_898 : f32 to vector<16xf32>
        %get3A_900 = arith.constant 0 : i32
        %get3A_901 = arith.index_cast %get3A_900 : i32 to index
        %get3A_902 = arith.index_cast %add3A_896 : i32 to index
        %get3A_903 = arith.constant 0 : index
        %get3A_904 = tpu.vector_load %arg11[%get3A_901, %get3A_902, %get3A_903] {strides = array<i32>} : memref<1x400x128xf32, #tpu.memory_space<vmem>>, vector<1x1x16xf32>,
        %get3A_905 = vector.shape_cast %get3A_904 : vector<1x1x16xf32> to vector<16xf32>
        %mul3A_906 = arith.mulf %get3A_905, %broadcast_in_dim3A_899 : vector<16xf32>
        %swap3A_907 = arith.constant 0 : i32
        %swap3A_908 = arith.index_cast %swap3A_907 : i32 to index
        %swap3A_909 = arith.index_cast %add3A_896 : i32 to index
        %swap3A_910 = arith.constant 0 : index
        %swap3A_911 = tpu.vector_load %arg11[%swap3A_908, %swap3A_909, %swap3A_910] {strides = array<i32>} : memref<1x400x128xf32, #tpu.memory_space<vmem>>, vector<1x1x16xf32>,
        %swap3A_912 = vector.shape_cast %swap3A_911 : vector<1x1x16xf32> to vector<16xf32>
        %swap3A_913 = vector.shape_cast %mul3A_906 : vector<16xf32> to vector<1x1x16xf32>
        tpu.vector_store %arg11[%swap3A_908, %swap3A_909, %swap3A_910], %swap3A_913 {strides = array<i32>} : memref<1x400x128xf32, #tpu.memory_space<vmem>>, vector<1x1x16xf32>,
        %get3A_914 = arith.constant 0 : i32
        %get3A_915 = arith.index_cast %get3A_914 : i32 to index
        %get3A_916 = arith.index_cast %add3A_896 : i32 to index
        %get3A_917 = arith.constant 16 : index
        %get3A_918 = tpu.vector_load %arg11[%get3A_915, %get3A_916, %get3A_917] {strides = array<i32>} : memref<1x400x128xf32, #tpu.memory_space<vmem>>, vector<1x1x16xf32>,
        %get3A_919 = vector.shape_cast %get3A_918 : vector<1x1x16xf32> to vector<16xf32>
        %mul3A_920 = arith.mulf %get3A_919, %broadcast_in_dim3A_899 : vector<16xf32>
        %swap3A_921 = arith.constant 0 : i32
        %swap3A_922 = arith.index_cast %swap3A_921 : i32 to index
        %swap3A_923 = arith.index_cast %add3A_896 : i32 to index
        %swap3A_924 = arith.constant 16 : index
        %swap3A_925 = tpu.vector_load %arg11[%swap3A_922, %swap3A_923, %swap3A_924] {strides = array<i32>} : memref<1x400x128xf32, #tpu.memory_space<vmem>>, vector<1x1x16xf32>,
        %swap3A_926 = vector.shape_cast %swap3A_925 : vector<1x1x16xf32> to vector<16xf32>
        %swap3A_927 = vector.shape_cast %mul3A_920 : vector<16xf32> to vector<1x1x16xf32>
        tpu.vector_store %arg11[%swap3A_922, %swap3A_923, %swap3A_924], %swap3A_927 {strides = array<i32>} : memref<1x400x128xf32, #tpu.memory_space<vmem>>, vector<1x1x16xf32>,
        %get3A_928 = arith.constant 0 : i32
        %get3A_929 = arith.index_cast %get3A_928 : i32 to index
        %get3A_930 = arith.index_cast %add3A_896 : i32 to index
        %get3A_931 = arith.constant 32 : index
        %get3A_932 = tpu.vector_load %arg11[%get3A_929, %get3A_930, %get3A_931] {strides = array<i32>} : memref<1x400x128xf32, #tpu.memory_space<vmem>>, vector<1x1x16xf32>,
        %get3A_933 = vector.shape_cast %get3A_932 : vector<1x1x16xf32> to vector<16xf32>
        %mul3A_934 = arith.mulf %get3A_933, %broadcast_in_dim3A_899 : vector<16xf32>
        %swap3A_935 = arith.constant 0 : i32
        %swap3A_936 = arith.index_cast %swap3A_935 : i32 to index
        %swap3A_937 = arith.index_cast %add3A_896 : i32 to index
        %swap3A_938 = arith.constant 32 : index
        %swap3A_939 = tpu.vector_load %arg11[%swap3A_936, %swap3A_937, %swap3A_938] {strides = array<i32>} : memref<1x400x128xf32, #tpu.memory_space<vmem>>, vector<1x1x16xf32>,
        %swap3A_940 = vector.shape_cast %swap3A_939 : vector<1x1x16xf32> to vector<16xf32>
        %swap3A_941 = vector.shape_cast %mul3A_934 : vector<16xf32> to vector<1x1x16xf32>
        tpu.vector_store %arg11[%swap3A_936, %swap3A_937, %swap3A_938], %swap3A_941 {strides = array<i32>} : memref<1x400x128xf32, #tpu.memory_space<vmem>>, vector<1x1x16xf32>,
        %get3A_942 = arith.constant 0 : i32
        %get3A_943 = arith.index_cast %get3A_942 : i32 to index
        %get3A_944 = arith.index_cast %add3A_896 : i32 to index
        %get3A_945 = arith.constant 48 : index
        %get3A_946 = tpu.vector_load %arg11[%get3A_943, %get3A_944, %get3A_945] {strides = array<i32>} : memref<1x400x128xf32, #tpu.memory_space<vmem>>, vector<1x1x16xf32>,
        %get3A_947 = vector.shape_cast %get3A_946 : vector<1x1x16xf32> to vector<16xf32>
        %mul3A_948 = arith.mulf %get3A_947, %broadcast_in_dim3A_899 : vector<16xf32>
        %swap3A_949 = arith.constant 0 : i32
        %swap3A_950 = arith.index_cast %swap3A_949 : i32 to index
        %swap3A_951 = arith.index_cast %add3A_896 : i32 to index
        %swap3A_952 = arith.constant 48 : index
        %swap3A_953 = tpu.vector_load %arg11[%swap3A_950, %swap3A_951, %swap3A_952] {strides = array<i32>} : memref<1x400x128xf32, #tpu.memory_space<vmem>>, vector<1x1x16xf32>,
        %swap3A_954 = vector.shape_cast %swap3A_953 : vector<1x1x16xf32> to vector<16xf32>
        %swap3A_955 = vector.shape_cast %mul3A_948 : vector<16xf32> to vector<1x1x16xf32>
        tpu.vector_store %arg11[%swap3A_950, %swap3A_951, %swap3A_952], %swap3A_955 {strides = array<i32>} : memref<1x400x128xf32, #tpu.memory_space<vmem>>, vector<1x1x16xf32>,
        %get3A_956 = arith.constant 0 : i32
        %get3A_957 = arith.index_cast %get3A_956 : i32 to index
        %get3A_958 = arith.index_cast %add3A_896 : i32 to index
        %get3A_959 = arith.constant 64 : index
        %get3A_960 = tpu.vector_load %arg11[%get3A_957, %get3A_958, %get3A_959] {strides = array<i32>} : memref<1x400x128xf32, #tpu.memory_space<vmem>>, vector<1x1x16xf32>,
        %get3A_961 = vector.shape_cast %get3A_960 : vector<1x1x16xf32> to vector<16xf32>
        %mul3A_962 = arith.mulf %get3A_961, %broadcast_in_dim3A_899 : vector<16xf32>
        %swap3A_963 = arith.constant 0 : i32
        %swap3A_964 = arith.index_cast %swap3A_963 : i32 to index
        %swap3A_965 = arith.index_cast %add3A_896 : i32 to index
        %swap3A_966 = arith.constant 64 : index
        %swap3A_967 = tpu.vector_load %arg11[%swap3A_964, %swap3A_965, %swap3A_966] {strides = array<i32>} : memref<1x400x128xf32, #tpu.memory_space<vmem>>, vector<1x1x16xf32>,
        %swap3A_968 = vector.shape_cast %swap3A_967 : vector<1x1x16xf32> to vector<16xf32>
        %swap3A_969 = vector.shape_cast %mul3A_962 : vector<16xf32> to vector<1x1x16xf32>
        tpu.vector_store %arg11[%swap3A_964, %swap3A_965, %swap3A_966], %swap3A_969 {strides = array<i32>} : memref<1x400x128xf32, #tpu.memory_space<vmem>>, vector<1x1x16xf32>,
        %get3A_970 = arith.constant 0 : i32
        %get3A_971 = arith.index_cast %get3A_970 : i32 to index
        %get3A_972 = arith.index_cast %add3A_896 : i32 to index
        %get3A_973 = arith.constant 80 : index
        %get3A_974 = tpu.vector_load %arg11[%get3A_971, %get3A_972, %get3A_973] {strides = array<i32>} : memref<1x400x128xf32, #tpu.memory_space<vmem>>, vector<1x1x16xf32>,
        %get3A_975 = vector.shape_cast %get3A_974 : vector<1x1x16xf32> to vector<16xf32>
        %mul3A_976 = arith.mulf %get3A_975, %broadcast_in_dim3A_899 : vector<16xf32>
        %swap3A_977 = arith.constant 0 : i32
        %swap3A_978 = arith.index_cast %swap3A_977 : i32 to index
        %swap3A_979 = arith.index_cast %add3A_896 : i32 to index
        %swap3A_980 = arith.constant 80 : index
        %swap3A_981 = tpu.vector_load %arg11[%swap3A_978, %swap3A_979, %swap3A_980] {strides = array<i32>} : memref<1x400x128xf32, #tpu.memory_space<vmem>>, vector<1x1x16xf32>,
        %swap3A_982 = vector.shape_cast %swap3A_981 : vector<1x1x16xf32> to vector<16xf32>
        %swap3A_983 = vector.shape_cast %mul3A_976 : vector<16xf32> to vector<1x1x16xf32>
        tpu.vector_store %arg11[%swap3A_978, %swap3A_979, %swap3A_980], %swap3A_983 {strides = array<i32>} : memref<1x400x128xf32, #tpu.memory_space<vmem>>, vector<1x1x16xf32>,
        %get3A_984 = arith.constant 0 : i32
        %get3A_985 = arith.index_cast %get3A_984 : i32 to index
        %get3A_986 = arith.index_cast %add3A_896 : i32 to index
        %get3A_987 = arith.constant 96 : index
        %get3A_988 = tpu.vector_load %arg11[%get3A_985, %get3A_986, %get3A_987] {strides = array<i32>} : memref<1x400x128xf32, #tpu.memory_space<vmem>>, vector<1x1x16xf32>,
        %get3A_989 = vector.shape_cast %get3A_988 : vector<1x1x16xf32> to vector<16xf32>
        %mul3A_990 = arith.mulf %get3A_989, %broadcast_in_dim3A_899 : vector<16xf32>
        %swap3A_991 = arith.constant 0 : i32
        %swap3A_992 = arith.index_cast %swap3A_991 : i32 to index
        %swap3A_993 = arith.index_cast %add3A_896 : i32 to index
        %swap3A_994 = arith.constant 96 : index
        %swap3A_995 = tpu.vector_load %arg11[%swap3A_992, %swap3A_993, %swap3A_994] {strides = array<i32>} : memref<1x400x128xf32, #tpu.memory_space<vmem>>, vector<1x1x16xf32>,
        %swap3A_996 = vector.shape_cast %swap3A_995 : vector<1x1x16xf32> to vector<16xf32>
        %swap3A_997 = vector.shape_cast %mul3A_990 : vector<16xf32> to vector<1x1x16xf32>
        tpu.vector_store %arg11[%swap3A_992, %swap3A_993, %swap3A_994], %swap3A_997 {strides = array<i32>} : memref<1x400x128xf32, #tpu.memory_space<vmem>>, vector<1x1x16xf32>,
        %get3A_998 = arith.constant 0 : i32
        %get3A_999 = arith.index_cast %get3A_998 : i32 to index
        %get3A_1000 = arith.index_cast %add3A_896 : i32 to index
        %get3A_1001 = arith.constant 112 : index
        %get3A_1002 = tpu.vector_load %arg11[%get3A_999, %get3A_1000, %get3A_1001] {strides = array<i32>} : memref<1x400x128xf32, #tpu.memory_space<vmem>>, vector<1x1x16xf32>,
        %get3A_1003 = vector.shape_cast %get3A_1002 : vector<1x1x16xf32> to vector<16xf32>
        %mul3A_1004 = arith.mulf %get3A_1003, %broadcast_in_dim3A_899 : vector<16xf32>
        %swap3A_1005 = arith.constant 0 : i32
        %swap3A_1006 = arith.index_cast %swap3A_1005 : i32 to index
        %swap3A_1007 = arith.index_cast %add3A_896 : i32 to index
        %swap3A_1008 = arith.constant 112 : index
        %swap3A_1009 = tpu.vector_load %arg11[%swap3A_1006, %swap3A_1007, %swap3A_1008] {strides = array<i32>} : memref<1x400x128xf32, #tpu.memory_space<vmem>>, vector<1x1x16xf32>,
        %swap3A_1010 = vector.shape_cast %swap3A_1009 : vector<1x1x16xf32> to vector<16xf32>
        %swap3A_1011 = vector.shape_cast %mul3A_1004 : vector<16xf32> to vector<1x1x16xf32>
        tpu.vector_store %arg11[%swap3A_1006, %swap3A_1007, %swap3A_1008], %swap3A_1011 {strides = array<i32>} : memref<1x400x128xf32, #tpu.memory_space<vmem>>, vector<1x1x16xf32>,
        %mul3A_1012 = arith.constant 16 : i32
        %mul3A_1013 = arith.muli %add3A_59, %mul3A_1012 : i32
        %add3A_1014 = arith.constant 8 : i32
        %add3A_1015 = arith.addi %mul3A_1013, %add3A_1014 : i32
        %slice3A_1016 = vector.extract_strided_slice %get3A_63 {offsets = [8], sizes = [1], strides = [1]} : vector<16xf32> to vector<1xf32>
        %squeeze3A_1017 = vector.extract %slice3A_1016[0] : f32 from vector<1xf32>
        %broadcast_in_dim3A_1018 = vector.broadcast %squeeze3A_1017 : f32 to vector<16xf32>
        %get3A_1019 = arith.constant 0 : i32
        %get3A_1020 = arith.index_cast %get3A_1019 : i32 to index
        %get3A_1021 = arith.index_cast %add3A_1015 : i32 to index
        %get3A_1022 = arith.constant 0 : index
        %get3A_1023 = tpu.vector_load %arg11[%get3A_1020, %get3A_1021, %get3A_1022] {strides = array<i32>} : memref<1x400x128xf32, #tpu.memory_space<vmem>>, vector<1x1x16xf32>,
        %get3A_1024 = vector.shape_cast %get3A_1023 : vector<1x1x16xf32> to vector<16xf32>
        %mul3A_1025 = arith.mulf %get3A_1024, %broadcast_in_dim3A_1018 : vector<16xf32>
        %swap3A_1026 = arith.constant 0 : i32
        %swap3A_1027 = arith.index_cast %swap3A_1026 : i32 to index
        %swap3A_1028 = arith.index_cast %add3A_1015 : i32 to index
        %swap3A_1029 = arith.constant 0 : index
        %swap3A_1030 = tpu.vector_load %arg11[%swap3A_1027, %swap3A_1028, %swap3A_1029] {strides = array<i32>} : memref<1x400x128xf32, #tpu.memory_space<vmem>>, vector<1x1x16xf32>,
        %swap3A_1031 = vector.shape_cast %swap3A_1030 : vector<1x1x16xf32> to vector<16xf32>
        %swap3A_1032 = vector.shape_cast %mul3A_1025 : vector<16xf32> to vector<1x1x16xf32>
        tpu.vector_store %arg11[%swap3A_1027, %swap3A_1028, %swap3A_1029], %swap3A_1032 {strides = array<i32>} : memref<1x400x128xf32, #tpu.memory_space<vmem>>, vector<1x1x16xf32>,
        %get3A_1033 = arith.constant 0 : i32
        %get3A_1034 = arith.index_cast %get3A_1033 : i32 to index
        %get3A_1035 = arith.index_cast %add3A_1015 : i32 to index
        %get3A_1036 = arith.constant 16 : index
        %get3A_1037 = tpu.vector_load %arg11[%get3A_1034, %get3A_1035, %get3A_1036] {strides = array<i32>} : memref<1x400x128xf32, #tpu.memory_space<vmem>>, vector<1x1x16xf32>,
        %get3A_1038 = vector.shape_cast %get3A_1037 : vector<1x1x16xf32> to vector<16xf32>
        %mul3A_1039 = arith.mulf %get3A_1038, %broadcast_in_dim3A_1018 : vector<16xf32>
        %swap3A_1040 = arith.constant 0 : i32
        %swap3A_1041 = arith.index_cast %swap3A_1040 : i32 to index
        %swap3A_1042 = arith.index_cast %add3A_1015 : i32 to index
        %swap3A_1043 = arith.constant 16 : index
        %swap3A_1044 = tpu.vector_load %arg11[%swap3A_1041, %swap3A_1042, %swap3A_1043] {strides = array<i32>} : memref<1x400x128xf32, #tpu.memory_space<vmem>>, vector<1x1x16xf32>,
        %swap3A_1045 = vector.shape_cast %swap3A_1044 : vector<1x1x16xf32> to vector<16xf32>
        %swap3A_1046 = vector.shape_cast %mul3A_1039 : vector<16xf32> to vector<1x1x16xf32>
        tpu.vector_store %arg11[%swap3A_1041, %swap3A_1042, %swap3A_1043], %swap3A_1046 {strides = array<i32>} : memref<1x400x128xf32, #tpu.memory_space<vmem>>, vector<1x1x16xf32>,
        %get3A_1047 = arith.constant 0 : i32
        %get3A_1048 = arith.index_cast %get3A_1047 : i32 to index
        %get3A_1049 = arith.index_cast %add3A_1015 : i32 to index
        %get3A_1050 = arith.constant 32 : index
        %get3A_1051 = tpu.vector_load %arg11[%get3A_1048, %get3A_1049, %get3A_1050] {strides = array<i32>} : memref<1x400x128xf32, #tpu.memory_space<vmem>>, vector<1x1x16xf32>,
        %get3A_1052 = vector.shape_cast %get3A_1051 : vector<1x1x16xf32> to vector<16xf32>
        %mul3A_1053 = arith.mulf %get3A_1052, %broadcast_in_dim3A_1018 : vector<16xf32>
        %swap3A_1054 = arith.constant 0 : i32
        %swap3A_1055 = arith.index_cast %swap3A_1054 : i32 to index
        %swap3A_1056 = arith.index_cast %add3A_1015 : i32 to index
        %swap3A_1057 = arith.constant 32 : index
        %swap3A_1058 = tpu.vector_load %arg11[%swap3A_1055, %swap3A_1056, %swap3A_1057] {strides = array<i32>} : memref<1x400x128xf32, #tpu.memory_space<vmem>>, vector<1x1x16xf32>,
        %swap3A_1059 = vector.shape_cast %swap3A_1058 : vector<1x1x16xf32> to vector<16xf32>
        %swap3A_1060 = vector.shape_cast %mul3A_1053 : vector<16xf32> to vector<1x1x16xf32>
        tpu.vector_store %arg11[%swap3A_1055, %swap3A_1056, %swap3A_1057], %swap3A_1060 {strides = array<i32>} : memref<1x400x128xf32, #tpu.memory_space<vmem>>, vector<1x1x16xf32>,
        %get3A_1061 = arith.constant 0 : i32
        %get3A_1062 = arith.index_cast %get3A_1061 : i32 to index
        %get3A_1063 = arith.index_cast %add3A_1015 : i32 to index
        %get3A_1064 = arith.constant 48 : index
        %get3A_1065 = tpu.vector_load %arg11[%get3A_1062, %get3A_1063, %get3A_1064] {strides = array<i32>} : memref<1x400x128xf32, #tpu.memory_space<vmem>>, vector<1x1x16xf32>,
        %get3A_1066 = vector.shape_cast %get3A_1065 : vector<1x1x16xf32> to vector<16xf32>
        %mul3A_1067 = arith.mulf %get3A_1066, %broadcast_in_dim3A_1018 : vector<16xf32>
        %swap3A_1068 = arith.constant 0 : i32
        %swap3A_1069 = arith.index_cast %swap3A_1068 : i32 to index
        %swap3A_1070 = arith.index_cast %add3A_1015 : i32 to index
        %swap3A_1071 = arith.constant 48 : index
        %swap3A_1072 = tpu.vector_load %arg11[%swap3A_1069, %swap3A_1070, %swap3A_1071] {strides = array<i32>} : memref<1x400x128xf32, #tpu.memory_space<vmem>>, vector<1x1x16xf32>,
        %swap3A_1073 = vector.shape_cast %swap3A_1072 : vector<1x1x16xf32> to vector<16xf32>
        %swap3A_1074 = vector.shape_cast %mul3A_1067 : vector<16xf32> to vector<1x1x16xf32>
        tpu.vector_store %arg11[%swap3A_1069, %swap3A_1070, %swap3A_1071], %swap3A_1074 {strides = array<i32>} : memref<1x400x128xf32, #tpu.memory_space<vmem>>, vector<1x1x16xf32>,
        %get3A_1075 = arith.constant 0 : i32
        %get3A_1076 = arith.index_cast %get3A_1075 : i32 to index
        %get3A_1077 = arith.index_cast %add3A_1015 : i32 to index
        %get3A_1078 = arith.constant 64 : index
        %get3A_1079 = tpu.vector_load %arg11[%get3A_1076, %get3A_1077, %get3A_1078] {strides = array<i32>} : memref<1x400x128xf32, #tpu.memory_space<vmem>>, vector<1x1x16xf32>,
        %get3A_1080 = vector.shape_cast %get3A_1079 : vector<1x1x16xf32> to vector<16xf32>
        %mul3A_1081 = arith.mulf %get3A_1080, %broadcast_in_dim3A_1018 : vector<16xf32>
        %swap3A_1082 = arith.constant 0 : i32
        %swap3A_1083 = arith.index_cast %swap3A_1082 : i32 to index
        %swap3A_1084 = arith.index_cast %add3A_1015 : i32 to index
        %swap3A_1085 = arith.constant 64 : index
        %swap3A_1086 = tpu.vector_load %arg11[%swap3A_1083, %swap3A_1084, %swap3A_1085] {strides = array<i32>} : memref<1x400x128xf32, #tpu.memory_space<vmem>>, vector<1x1x16xf32>,
        %swap3A_1087 = vector.shape_cast %swap3A_1086 : vector<1x1x16xf32> to vector<16xf32>
        %swap3A_1088 = vector.shape_cast %mul3A_1081 : vector<16xf32> to vector<1x1x16xf32>
        tpu.vector_store %arg11[%swap3A_1083, %swap3A_1084, %swap3A_1085], %swap3A_1088 {strides = array<i32>} : memref<1x400x128xf32, #tpu.memory_space<vmem>>, vector<1x1x16xf32>,
        %get3A_1089 = arith.constant 0 : i32
        %get3A_1090 = arith.index_cast %get3A_1089 : i32 to index
        %get3A_1091 = arith.index_cast %add3A_1015 : i32 to index
        %get3A_1092 = arith.constant 80 : index
        %get3A_1093 = tpu.vector_load %arg11[%get3A_1090, %get3A_1091, %get3A_1092] {strides = array<i32>} : memref<1x400x128xf32, #tpu.memory_space<vmem>>, vector<1x1x16xf32>,
        %get3A_1094 = vector.shape_cast %get3A_1093 : vector<1x1x16xf32> to vector<16xf32>
        %mul3A_1095 = arith.mulf %get3A_1094, %broadcast_in_dim3A_1018 : vector<16xf32>
        %swap3A_1096 = arith.constant 0 : i32
        %swap3A_1097 = arith.index_cast %swap3A_1096 : i32 to index
        %swap3A_1098 = arith.index_cast %add3A_1015 : i32 to index
        %swap3A_1099 = arith.constant 80 : index
        %swap3A_1100 = tpu.vector_load %arg11[%swap3A_1097, %swap3A_1098, %swap3A_1099] {strides = array<i32>} : memref<1x400x128xf32, #tpu.memory_space<vmem>>, vector<1x1x16xf32>,
        %swap3A_1101 = vector.shape_cast %swap3A_1100 : vector<1x1x16xf32> to vector<16xf32>
        %swap3A_1102 = vector.shape_cast %mul3A_1095 : vector<16xf32> to vector<1x1x16xf32>
        tpu.vector_store %arg11[%swap3A_1097, %swap3A_1098, %swap3A_1099], %swap3A_1102 {strides = array<i32>} : memref<1x400x128xf32, #tpu.memory_space<vmem>>, vector<1x1x16xf32>,
        %get3A_1103 = arith.constant 0 : i32
        %get3A_1104 = arith.index_cast %get3A_1103 : i32 to index
        %get3A_1105 = arith.index_cast %add3A_1015 : i32 to index
        %get3A_1106 = arith.constant 96 : index
        %get3A_1107 = tpu.vector_load %arg11[%get3A_1104, %get3A_1105, %get3A_1106] {strides = array<i32>} : memref<1x400x128xf32, #tpu.memory_space<vmem>>, vector<1x1x16xf32>,
        %get3A_1108 = vector.shape_cast %get3A_1107 : vector<1x1x16xf32> to vector<16xf32>
        %mul3A_1109 = arith.mulf %get3A_1108, %broadcast_in_dim3A_1018 : vector<16xf32>
        %swap3A_1110 = arith.constant 0 : i32
        %swap3A_1111 = arith.index_cast %swap3A_1110 : i32 to index
        %swap3A_1112 = arith.index_cast %add3A_1015 : i32 to index
        %swap3A_1113 = arith.constant 96 : index
        %swap3A_1114 = tpu.vector_load %arg11[%swap3A_1111, %swap3A_1112, %swap3A_1113] {strides = array<i32>} : memref<1x400x128xf32, #tpu.memory_space<vmem>>, vector<1x1x16xf32>,
        %swap3A_1115 = vector.shape_cast %swap3A_1114 : vector<1x1x16xf32> to vector<16xf32>
        %swap3A_1116 = vector.shape_cast %mul3A_1109 : vector<16xf32> to vector<1x1x16xf32>
        tpu.vector_store %arg11[%swap3A_1111, %swap3A_1112, %swap3A_1113], %swap3A_1116 {strides = array<i32>} : memref<1x400x128xf32, #tpu.memory_space<vmem>>, vector<1x1x16xf32>,
        %get3A_1117 = arith.constant 0 : i32
        %get3A_1118 = arith.index_cast %get3A_1117 : i32 to index
        %get3A_1119 = arith.index_cast %add3A_1015 : i32 to index
        %get3A_1120 = arith.constant 112 : index
        %get3A_1121 = tpu.vector_load %arg11[%get3A_1118, %get3A_1119, %get3A_1120] {strides = array<i32>} : memref<1x400x128xf32, #tpu.memory_space<vmem>>, vector<1x1x16xf32>,
        %get3A_1122 = vector.shape_cast %get3A_1121 : vector<1x1x16xf32> to vector<16xf32>
        %mul3A_1123 = arith.mulf %get3A_1122, %broadcast_in_dim3A_1018 : vector<16xf32>
        %swap3A_1124 = arith.constant 0 : i32
        %swap3A_1125 = arith.index_cast %swap3A_1124 : i32 to index
        %swap3A_1126 = arith.index_cast %add3A_1015 : i32 to index
        %swap3A_1127 = arith.constant 112 : index
        %swap3A_1128 = tpu.vector_load %arg11[%swap3A_1125, %swap3A_1126, %swap3A_1127] {strides = array<i32>} : memref<1x400x128xf32, #tpu.memory_space<vmem>>, vector<1x1x16xf32>,
        %swap3A_1129 = vector.shape_cast %swap3A_1128 : vector<1x1x16xf32> to vector<16xf32>
        %swap3A_1130 = vector.shape_cast %mul3A_1123 : vector<16xf32> to vector<1x1x16xf32>
        tpu.vector_store %arg11[%swap3A_1125, %swap3A_1126, %swap3A_1127], %swap3A_1130 {strides = array<i32>} : memref<1x400x128xf32, #tpu.memory_space<vmem>>, vector<1x1x16xf32>,
        %mul3A_1131 = arith.constant 16 : i32
        %mul3A_1132 = arith.muli %add3A_59, %mul3A_1131 : i32
        %add3A_1133 = arith.constant 9 : i32
        %add3A_1134 = arith.addi %mul3A_1132, %add3A_1133 : i32
        %slice3A_1135 = vector.extract_strided_slice %get3A_63 {offsets = [9], sizes = [1], strides = [1]} : vector<16xf32> to vector<1xf32>
        %squeeze3A_1136 = vector.extract %slice3A_1135[0] : f32 from vector<1xf32>
        %broadcast_in_dim3A_1137 = vector.broadcast %squeeze3A_1136 : f32 to vector<16xf32>
        %get3A_1138 = arith.constant 0 : i32
        %get3A_1139 = arith.index_cast %get3A_1138 : i32 to index
        %get3A_1140 = arith.index_cast %add3A_1134 : i32 to index
        %get3A_1141 = arith.constant 0 : index
        %get3A_1142 = tpu.vector_load %arg11[%get3A_1139, %get3A_1140, %get3A_1141] {strides = array<i32>} : memref<1x400x128xf32, #tpu.memory_space<vmem>>, vector<1x1x16xf32>,
        %get3A_1143 = vector.shape_cast %get3A_1142 : vector<1x1x16xf32> to vector<16xf32>
        %mul3A_1144 = arith.mulf %get3A_1143, %broadcast_in_dim3A_1137 : vector<16xf32>
        %swap3A_1145 = arith.constant 0 : i32
        %swap3A_1146 = arith.index_cast %swap3A_1145 : i32 to index
        %swap3A_1147 = arith.index_cast %add3A_1134 : i32 to index
        %swap3A_1148 = arith.constant 0 : index
        %swap3A_1149 = tpu.vector_load %arg11[%swap3A_1146, %swap3A_1147, %swap3A_1148] {strides = array<i32>} : memref<1x400x128xf32, #tpu.memory_space<vmem>>, vector<1x1x16xf32>,
        %swap3A_1150 = vector.shape_cast %swap3A_1149 : vector<1x1x16xf32> to vector<16xf32>
        %swap3A_1151 = vector.shape_cast %mul3A_1144 : vector<16xf32> to vector<1x1x16xf32>
        tpu.vector_store %arg11[%swap3A_1146, %swap3A_1147, %swap3A_1148], %swap3A_1151 {strides = array<i32>} : memref<1x400x128xf32, #tpu.memory_space<vmem>>, vector<1x1x16xf32>,
        %get3A_1152 = arith.constant 0 : i32
        %get3A_1153 = arith.index_cast %get3A_1152 : i32 to index
        %get3A_1154 = arith.index_cast %add3A_1134 : i32 to index
        %get3A_1155 = arith.constant 16 : index
        %get3A_1156 = tpu.vector_load %arg11[%get3A_1153, %get3A_1154, %get3A_1155] {strides = array<i32>} : memref<1x400x128xf32, #tpu.memory_space<vmem>>, vector<1x1x16xf32>,
        %get3A_1157 = vector.shape_cast %get3A_1156 : vector<1x1x16xf32> to vector<16xf32>
        %mul3A_1158 = arith.mulf %get3A_1157, %broadcast_in_dim3A_1137 : vector<16xf32>
        %swap3A_1159 = arith.constant 0 : i32
        %swap3A_1160 = arith.index_cast %swap3A_1159 : i32 to index
        %swap3A_1161 = arith.index_cast %add3A_1134 : i32 to index
        %swap3A_1162 = arith.constant 16 : index
        %swap3A_1163 = tpu.vector_load %arg11[%swap3A_1160, %swap3A_1161, %swap3A_1162] {strides = array<i32>} : memref<1x400x128xf32, #tpu.memory_space<vmem>>, vector<1x1x16xf32>,
        %swap3A_1164 = vector.shape_cast %swap3A_1163 : vector<1x1x16xf32> to vector<16xf32>
        %swap3A_1165 = vector.shape_cast %mul3A_1158 : vector<16xf32> to vector<1x1x16xf32>
        tpu.vector_store %arg11[%swap3A_1160, %swap3A_1161, %swap3A_1162], %swap3A_1165 {strides = array<i32>} : memref<1x400x128xf32, #tpu.memory_space<vmem>>, vector<1x1x16xf32>,
        %get3A_1166 = arith.constant 0 : i32
        %get3A_1167 = arith.index_cast %get3A_1166 : i32 to index
        %get3A_1168 = arith.index_cast %add3A_1134 : i32 to index
        %get3A_1169 = arith.constant 32 : index
        %get3A_1170 = tpu.vector_load %arg11[%get3A_1167, %get3A_1168, %get3A_1169] {strides = array<i32>} : memref<1x400x128xf32, #tpu.memory_space<vmem>>, vector<1x1x16xf32>,
        %get3A_1171 = vector.shape_cast %get3A_1170 : vector<1x1x16xf32> to vector<16xf32>
        %mul3A_1172 = arith.mulf %get3A_1171, %broadcast_in_dim3A_1137 : vector<16xf32>
        %swap3A_1173 = arith.constant 0 : i32
        %swap3A_1174 = arith.index_cast %swap3A_1173 : i32 to index
        %swap3A_1175 = arith.index_cast %add3A_1134 : i32 to index
        %swap3A_1176 = arith.constant 32 : index
        %swap3A_1177 = tpu.vector_load %arg11[%swap3A_1174, %swap3A_1175, %swap3A_1176] {strides = array<i32>} : memref<1x400x128xf32, #tpu.memory_space<vmem>>, vector<1x1x16xf32>,
        %swap3A_1178 = vector.shape_cast %swap3A_1177 : vector<1x1x16xf32> to vector<16xf32>
        %swap3A_1179 = vector.shape_cast %mul3A_1172 : vector<16xf32> to vector<1x1x16xf32>
        tpu.vector_store %arg11[%swap3A_1174, %swap3A_1175, %swap3A_1176], %swap3A_1179 {strides = array<i32>} : memref<1x400x128xf32, #tpu.memory_space<vmem>>, vector<1x1x16xf32>,
        %get3A_1180 = arith.constant 0 : i32
        %get3A_1181 = arith.index_cast %get3A_1180 : i32 to index
        %get3A_1182 = arith.index_cast %add3A_1134 : i32 to index
        %get3A_1183 = arith.constant 48 : index
        %get3A_1184 = tpu.vector_load %arg11[%get3A_1181, %get3A_1182, %get3A_1183] {strides = array<i32>} : memref<1x400x128xf32, #tpu.memory_space<vmem>>, vector<1x1x16xf32>,
        %get3A_1185 = vector.shape_cast %get3A_1184 : vector<1x1x16xf32> to vector<16xf32>
        %mul3A_1186 = arith.mulf %get3A_1185, %broadcast_in_dim3A_1137 : vector<16xf32>
        %swap3A_1187 = arith.constant 0 : i32
        %swap3A_1188 = arith.index_cast %swap3A_1187 : i32 to index
        %swap3A_1189 = arith.index_cast %add3A_1134 : i32 to index
        %swap3A_1190 = arith.constant 48 : index
        %swap3A_1191 = tpu.vector_load %arg11[%swap3A_1188, %swap3A_1189, %swap3A_1190] {strides = array<i32>} : memref<1x400x128xf32, #tpu.memory_space<vmem>>, vector<1x1x16xf32>,
        %swap3A_1192 = vector.shape_cast %swap3A_1191 : vector<1x1x16xf32> to vector<16xf32>
        %swap3A_1193 = vector.shape_cast %mul3A_1186 : vector<16xf32> to vector<1x1x16xf32>
        tpu.vector_store %arg11[%swap3A_1188, %swap3A_1189, %swap3A_1190], %swap3A_1193 {strides = array<i32>} : memref<1x400x128xf32, #tpu.memory_space<vmem>>, vector<1x1x16xf32>,
        %get3A_1194 = arith.constant 0 : i32
        %get3A_1195 = arith.index_cast %get3A_1194 : i32 to index
        %get3A_1196 = arith.index_cast %add3A_1134 : i32 to index
        %get3A_1197 = arith.constant 64 : index
        %get3A_1198 = tpu.vector_load %arg11[%get3A_1195, %get3A_1196, %get3A_1197] {strides = array<i32>} : memref<1x400x128xf32, #tpu.memory_space<vmem>>, vector<1x1x16xf32>,
        %get3A_1199 = vector.shape_cast %get3A_1198 : vector<1x1x16xf32> to vector<16xf32>
        %mul3A_1200 = arith.mulf %get3A_1199, %broadcast_in_dim3A_1137 : vector<16xf32>
        %swap3A_1201 = arith.constant 0 : i32
        %swap3A_1202 = arith.index_cast %swap3A_1201 : i32 to index
        %swap3A_1203 = arith.index_cast %add3A_1134 : i32 to index
        %swap3A_1204 = arith.constant 64 : index
        %swap3A_1205 = tpu.vector_load %arg11[%swap3A_1202, %swap3A_1203, %swap3A_1204] {strides = array<i32>} : memref<1x400x128xf32, #tpu.memory_space<vmem>>, vector<1x1x16xf32>,
        %swap3A_1206 = vector.shape_cast %swap3A_1205 : vector<1x1x16xf32> to vector<16xf32>
        %swap3A_1207 = vector.shape_cast %mul3A_1200 : vector<16xf32> to vector<1x1x16xf32>
        tpu.vector_store %arg11[%swap3A_1202, %swap3A_1203, %swap3A_1204], %swap3A_1207 {strides = array<i32>} : memref<1x400x128xf32, #tpu.memory_space<vmem>>, vector<1x1x16xf32>,
        %get3A_1208 = arith.constant 0 : i32
        %get3A_1209 = arith.index_cast %get3A_1208 : i32 to index
        %get3A_1210 = arith.index_cast %add3A_1134 : i32 to index
        %get3A_1211 = arith.constant 80 : index
        %get3A_1212 = tpu.vector_load %arg11[%get3A_1209, %get3A_1210, %get3A_1211] {strides = array<i32>} : memref<1x400x128xf32, #tpu.memory_space<vmem>>, vector<1x1x16xf32>,
        %get3A_1213 = vector.shape_cast %get3A_1212 : vector<1x1x16xf32> to vector<16xf32>
        %mul3A_1214 = arith.mulf %get3A_1213, %broadcast_in_dim3A_1137 : vector<16xf32>
        %swap3A_1215 = arith.constant 0 : i32
        %swap3A_1216 = arith.index_cast %swap3A_1215 : i32 to index
        %swap3A_1217 = arith.index_cast %add3A_1134 : i32 to index
        %swap3A_1218 = arith.constant 80 : index
        %swap3A_1219 = tpu.vector_load %arg11[%swap3A_1216, %swap3A_1217, %swap3A_1218] {strides = array<i32>} : memref<1x400x128xf32, #tpu.memory_space<vmem>>, vector<1x1x16xf32>,
        %swap3A_1220 = vector.shape_cast %swap3A_1219 : vector<1x1x16xf32> to vector<16xf32>
        %swap3A_1221 = vector.shape_cast %mul3A_1214 : vector<16xf32> to vector<1x1x16xf32>
        tpu.vector_store %arg11[%swap3A_1216, %swap3A_1217, %swap3A_1218], %swap3A_1221 {strides = array<i32>} : memref<1x400x128xf32, #tpu.memory_space<vmem>>, vector<1x1x16xf32>,
        %get3A_1222 = arith.constant 0 : i32
        %get3A_1223 = arith.index_cast %get3A_1222 : i32 to index
        %get3A_1224 = arith.index_cast %add3A_1134 : i32 to index
        %get3A_1225 = arith.constant 96 : index
        %get3A_1226 = tpu.vector_load %arg11[%get3A_1223, %get3A_1224, %get3A_1225] {strides = array<i32>} : memref<1x400x128xf32, #tpu.memory_space<vmem>>, vector<1x1x16xf32>,
        %get3A_1227 = vector.shape_cast %get3A_1226 : vector<1x1x16xf32> to vector<16xf32>
        %mul3A_1228 = arith.mulf %get3A_1227, %broadcast_in_dim3A_1137 : vector<16xf32>
        %swap3A_1229 = arith.constant 0 : i32
        %swap3A_1230 = arith.index_cast %swap3A_1229 : i32 to index
        %swap3A_1231 = arith.index_cast %add3A_1134 : i32 to index
        %swap3A_1232 = arith.constant 96 : index
        %swap3A_1233 = tpu.vector_load %arg11[%swap3A_1230, %swap3A_1231, %swap3A_1232] {strides = array<i32>} : memref<1x400x128xf32, #tpu.memory_space<vmem>>, vector<1x1x16xf32>,
        %swap3A_1234 = vector.shape_cast %swap3A_1233 : vector<1x1x16xf32> to vector<16xf32>
        %swap3A_1235 = vector.shape_cast %mul3A_1228 : vector<16xf32> to vector<1x1x16xf32>
        tpu.vector_store %arg11[%swap3A_1230, %swap3A_1231, %swap3A_1232], %swap3A_1235 {strides = array<i32>} : memref<1x400x128xf32, #tpu.memory_space<vmem>>, vector<1x1x16xf32>,
        %get3A_1236 = arith.constant 0 : i32
        %get3A_1237 = arith.index_cast %get3A_1236 : i32 to index
        %get3A_1238 = arith.index_cast %add3A_1134 : i32 to index
        %get3A_1239 = arith.constant 112 : index
        %get3A_1240 = tpu.vector_load %arg11[%get3A_1237, %get3A_1238, %get3A_1239] {strides = array<i32>} : memref<1x400x128xf32, #tpu.memory_space<vmem>>, vector<1x1x16xf32>,
        %get3A_1241 = vector.shape_cast %get3A_1240 : vector<1x1x16xf32> to vector<16xf32>
        %mul3A_1242 = arith.mulf %get3A_1241, %broadcast_in_dim3A_1137 : vector<16xf32>
        %swap3A_1243 = arith.constant 0 : i32
        %swap3A_1244 = arith.index_cast %swap3A_1243 : i32 to index
        %swap3A_1245 = arith.index_cast %add3A_1134 : i32 to index
        %swap3A_1246 = arith.constant 112 : index
        %swap3A_1247 = tpu.vector_load %arg11[%swap3A_1244, %swap3A_1245, %swap3A_1246] {strides = array<i32>} : memref<1x400x128xf32, #tpu.memory_space<vmem>>, vector<1x1x16xf32>,
        %swap3A_1248 = vector.shape_cast %swap3A_1247 : vector<1x1x16xf32> to vector<16xf32>
        %swap3A_1249 = vector.shape_cast %mul3A_1242 : vector<16xf32> to vector<1x1x16xf32>
        tpu.vector_store %arg11[%swap3A_1244, %swap3A_1245, %swap3A_1246], %swap3A_1249 {strides = array<i32>} : memref<1x400x128xf32, #tpu.memory_space<vmem>>, vector<1x1x16xf32>,
        %mul3A_1250 = arith.constant 16 : i32
        %mul3A_1251 = arith.muli %add3A_59, %mul3A_1250 : i32
        %add3A_1252 = arith.constant 10 : i32
        %add3A_1253 = arith.addi %mul3A_1251, %add3A_1252 : i32
        %slice3A_1254 = vector.extract_strided_slice %get3A_63 {offsets = [10], sizes = [1], strides = [1]} : vector<16xf32> to vector<1xf32>
        %squeeze3A_1255 = vector.extract %slice3A_1254[0] : f32 from vector<1xf32>
        %broadcast_in_dim3A_1256 = vector.broadcast %squeeze3A_1255 : f32 to vector<16xf32>
        %get3A_1257 = arith.constant 0 : i32
        %get3A_1258 = arith.index_cast %get3A_1257 : i32 to index
        %get3A_1259 = arith.index_cast %add3A_1253 : i32 to index
        %get3A_1260 = arith.constant 0 : index
        %get3A_1261 = tpu.vector_load %arg11[%get3A_1258, %get3A_1259, %get3A_1260] {strides = array<i32>} : memref<1x400x128xf32, #tpu.memory_space<vmem>>, vector<1x1x16xf32>,
        %get3A_1262 = vector.shape_cast %get3A_1261 : vector<1x1x16xf32> to vector<16xf32>
        %mul3A_1263 = arith.mulf %get3A_1262, %broadcast_in_dim3A_1256 : vector<16xf32>
        %swap3A_1264 = arith.constant 0 : i32
        %swap3A_1265 = arith.index_cast %swap3A_1264 : i32 to index
        %swap3A_1266 = arith.index_cast %add3A_1253 : i32 to index
        %swap3A_1267 = arith.constant 0 : index
        %swap3A_1268 = tpu.vector_load %arg11[%swap3A_1265, %swap3A_1266, %swap3A_1267] {strides = array<i32>} : memref<1x400x128xf32, #tpu.memory_space<vmem>>, vector<1x1x16xf32>,
        %swap3A_1269 = vector.shape_cast %swap3A_1268 : vector<1x1x16xf32> to vector<16xf32>
        %swap3A_1270 = vector.shape_cast %mul3A_1263 : vector<16xf32> to vector<1x1x16xf32>
        tpu.vector_store %arg11[%swap3A_1265, %swap3A_1266, %swap3A_1267], %swap3A_1270 {strides = array<i32>} : memref<1x400x128xf32, #tpu.memory_space<vmem>>, vector<1x1x16xf32>,
        %get3A_1271 = arith.constant 0 : i32
        %get3A_1272 = arith.index_cast %get3A_1271 : i32 to index
        %get3A_1273 = arith.index_cast %add3A_1253 : i32 to index
        %get3A_1274 = arith.constant 16 : index
        %get3A_1275 = tpu.vector_load %arg11[%get3A_1272, %get3A_1273, %get3A_1274] {strides = array<i32>} : memref<1x400x128xf32, #tpu.memory_space<vmem>>, vector<1x1x16xf32>,
        %get3A_1276 = vector.shape_cast %get3A_1275 : vector<1x1x16xf32> to vector<16xf32>
        %mul3A_1277 = arith.mulf %get3A_1276, %broadcast_in_dim3A_1256 : vector<16xf32>
        %swap3A_1278 = arith.constant 0 : i32
        %swap3A_1279 = arith.index_cast %swap3A_1278 : i32 to index
        %swap3A_1280 = arith.index_cast %add3A_1253 : i32 to index
        %swap3A_1281 = arith.constant 16 : index
        %swap3A_1282 = tpu.vector_load %arg11[%swap3A_1279, %swap3A_1280, %swap3A_1281] {strides = array<i32>} : memref<1x400x128xf32, #tpu.memory_space<vmem>>, vector<1x1x16xf32>,
        %swap3A_1283 = vector.shape_cast %swap3A_1282 : vector<1x1x16xf32> to vector<16xf32>
        %swap3A_1284 = vector.shape_cast %mul3A_1277 : vector<16xf32> to vector<1x1x16xf32>
        tpu.vector_store %arg11[%swap3A_1279, %swap3A_1280, %swap3A_1281], %swap3A_1284 {strides = array<i32>} : memref<1x400x128xf32, #tpu.memory_space<vmem>>, vector<1x1x16xf32>,
        %get3A_1285 = arith.constant 0 : i32
        %get3A_1286 = arith.index_cast %get3A_1285 : i32 to index
        %get3A_1287 = arith.index_cast %add3A_1253 : i32 to index
        %get3A_1288 = arith.constant 32 : index
        %get3A_1289 = tpu.vector_load %arg11[%get3A_1286, %get3A_1287, %get3A_1288] {strides = array<i32>} : memref<1x400x128xf32, #tpu.memory_space<vmem>>, vector<1x1x16xf32>,
        %get3A_1290 = vector.shape_cast %get3A_1289 : vector<1x1x16xf32> to vector<16xf32>
        %mul3A_1291 = arith.mulf %get3A_1290, %broadcast_in_dim3A_1256 : vector<16xf32>
        %swap3A_1292 = arith.constant 0 : i32
        %swap3A_1293 = arith.index_cast %swap3A_1292 : i32 to index
        %swap3A_1294 = arith.index_cast %add3A_1253 : i32 to index
        %swap3A_1295 = arith.constant 32 : index
        %swap3A_1296 = tpu.vector_load %arg11[%swap3A_1293, %swap3A_1294, %swap3A_1295] {strides = array<i32>} : memref<1x400x128xf32, #tpu.memory_space<vmem>>, vector<1x1x16xf32>,
        %swap3A_1297 = vector.shape_cast %swap3A_1296 : vector<1x1x16xf32> to vector<16xf32>
        %swap3A_1298 = vector.shape_cast %mul3A_1291 : vector<16xf32> to vector<1x1x16xf32>
        tpu.vector_store %arg11[%swap3A_1293, %swap3A_1294, %swap3A_1295], %swap3A_1298 {strides = array<i32>} : memref<1x400x128xf32, #tpu.memory_space<vmem>>, vector<1x1x16xf32>,
        %get3A_1299 = arith.constant 0 : i32
        %get3A_1300 = arith.index_cast %get3A_1299 : i32 to index
        %get3A_1301 = arith.index_cast %add3A_1253 : i32 to index
        %get3A_1302 = arith.constant 48 : index
        %get3A_1303 = tpu.vector_load %arg11[%get3A_1300, %get3A_1301, %get3A_1302] {strides = array<i32>} : memref<1x400x128xf32, #tpu.memory_space<vmem>>, vector<1x1x16xf32>,
        %get3A_1304 = vector.shape_cast %get3A_1303 : vector<1x1x16xf32> to vector<16xf32>
        %mul3A_1305 = arith.mulf %get3A_1304, %broadcast_in_dim3A_1256 : vector<16xf32>
        %swap3A_1306 = arith.constant 0 : i32
        %swap3A_1307 = arith.index_cast %swap3A_1306 : i32 to index
        %swap3A_1308 = arith.index_cast %add3A_1253 : i32 to index
        %swap3A_1309 = arith.constant 48 : index
        %swap3A_1310 = tpu.vector_load %arg11[%swap3A_1307, %swap3A_1308, %swap3A_1309] {strides = array<i32>} : memref<1x400x128xf32, #tpu.memory_space<vmem>>, vector<1x1x16xf32>,
        %swap3A_1311 = vector.shape_cast %swap3A_1310 : vector<1x1x16xf32> to vector<16xf32>
        %swap3A_1312 = vector.shape_cast %mul3A_1305 : vector<16xf32> to vector<1x1x16xf32>
        tpu.vector_store %arg11[%swap3A_1307, %swap3A_1308, %swap3A_1309], %swap3A_1312 {strides = array<i32>} : memref<1x400x128xf32, #tpu.memory_space<vmem>>, vector<1x1x16xf32>,
        %get3A_1313 = arith.constant 0 : i32
        %get3A_1314 = arith.index_cast %get3A_1313 : i32 to index
        %get3A_1315 = arith.index_cast %add3A_1253 : i32 to index
        %get3A_1316 = arith.constant 64 : index
        %get3A_1317 = tpu.vector_load %arg11[%get3A_1314, %get3A_1315, %get3A_1316] {strides = array<i32>} : memref<1x400x128xf32, #tpu.memory_space<vmem>>, vector<1x1x16xf32>,
        %get3A_1318 = vector.shape_cast %get3A_1317 : vector<1x1x16xf32> to vector<16xf32>
        %mul3A_1319 = arith.mulf %get3A_1318, %broadcast_in_dim3A_1256 : vector<16xf32>
        %swap3A_1320 = arith.constant 0 : i32
        %swap3A_1321 = arith.index_cast %swap3A_1320 : i32 to index
        %swap3A_1322 = arith.index_cast %add3A_1253 : i32 to index
        %swap3A_1323 = arith.constant 64 : index
        %swap3A_1324 = tpu.vector_load %arg11[%swap3A_1321, %swap3A_1322, %swap3A_1323] {strides = array<i32>} : memref<1x400x128xf32, #tpu.memory_space<vmem>>, vector<1x1x16xf32>,
        %swap3A_1325 = vector.shape_cast %swap3A_1324 : vector<1x1x16xf32> to vector<16xf32>
        %swap3A_1326 = vector.shape_cast %mul3A_1319 : vector<16xf32> to vector<1x1x16xf32>
        tpu.vector_store %arg11[%swap3A_1321, %swap3A_1322, %swap3A_1323], %swap3A_1326 {strides = array<i32>} : memref<1x400x128xf32, #tpu.memory_space<vmem>>, vector<1x1x16xf32>,
        %get3A_1327 = arith.constant 0 : i32
        %get3A_1328 = arith.index_cast %get3A_1327 : i32 to index
        %get3A_1329 = arith.index_cast %add3A_1253 : i32 to index
        %get3A_1330 = arith.constant 80 : index
        %get3A_1331 = tpu.vector_load %arg11[%get3A_1328, %get3A_1329, %get3A_1330] {strides = array<i32>} : memref<1x400x128xf32, #tpu.memory_space<vmem>>, vector<1x1x16xf32>,
        %get3A_1332 = vector.shape_cast %get3A_1331 : vector<1x1x16xf32> to vector<16xf32>
        %mul3A_1333 = arith.mulf %get3A_1332, %broadcast_in_dim3A_1256 : vector<16xf32>
        %swap3A_1334 = arith.constant 0 : i32
        %swap3A_1335 = arith.index_cast %swap3A_1334 : i32 to index
        %swap3A_1336 = arith.index_cast %add3A_1253 : i32 to index
        %swap3A_1337 = arith.constant 80 : index
        %swap3A_1338 = tpu.vector_load %arg11[%swap3A_1335, %swap3A_1336, %swap3A_1337] {strides = array<i32>} : memref<1x400x128xf32, #tpu.memory_space<vmem>>, vector<1x1x16xf32>,
        %swap3A_1339 = vector.shape_cast %swap3A_1338 : vector<1x1x16xf32> to vector<16xf32>
        %swap3A_1340 = vector.shape_cast %mul3A_1333 : vector<16xf32> to vector<1x1x16xf32>
        tpu.vector_store %arg11[%swap3A_1335, %swap3A_1336, %swap3A_1337], %swap3A_1340 {strides = array<i32>} : memref<1x400x128xf32, #tpu.memory_space<vmem>>, vector<1x1x16xf32>,
        %get3A_1341 = arith.constant 0 : i32
        %get3A_1342 = arith.index_cast %get3A_1341 : i32 to index
        %get3A_1343 = arith.index_cast %add3A_1253 : i32 to index
        %get3A_1344 = arith.constant 96 : index
        %get3A_1345 = tpu.vector_load %arg11[%get3A_1342, %get3A_1343, %get3A_1344] {strides = array<i32>} : memref<1x400x128xf32, #tpu.memory_space<vmem>>, vector<1x1x16xf32>,
        %get3A_1346 = vector.shape_cast %get3A_1345 : vector<1x1x16xf32> to vector<16xf32>
        %mul3A_1347 = arith.mulf %get3A_1346, %broadcast_in_dim3A_1256 : vector<16xf32>
        %swap3A_1348 = arith.constant 0 : i32
        %swap3A_1349 = arith.index_cast %swap3A_1348 : i32 to index
        %swap3A_1350 = arith.index_cast %add3A_1253 : i32 to index
        %swap3A_1351 = arith.constant 96 : index
        %swap3A_1352 = tpu.vector_load %arg11[%swap3A_1349, %swap3A_1350, %swap3A_1351] {strides = array<i32>} : memref<1x400x128xf32, #tpu.memory_space<vmem>>, vector<1x1x16xf32>,
        %swap3A_1353 = vector.shape_cast %swap3A_1352 : vector<1x1x16xf32> to vector<16xf32>
        %swap3A_1354 = vector.shape_cast %mul3A_1347 : vector<16xf32> to vector<1x1x16xf32>
        tpu.vector_store %arg11[%swap3A_1349, %swap3A_1350, %swap3A_1351], %swap3A_1354 {strides = array<i32>} : memref<1x400x128xf32, #tpu.memory_space<vmem>>, vector<1x1x16xf32>,
        %get3A_1355 = arith.constant 0 : i32
        %get3A_1356 = arith.index_cast %get3A_1355 : i32 to index
        %get3A_1357 = arith.index_cast %add3A_1253 : i32 to index
        %get3A_1358 = arith.constant 112 : index
        %get3A_1359 = tpu.vector_load %arg11[%get3A_1356, %get3A_1357, %get3A_1358] {strides = array<i32>} : memref<1x400x128xf32, #tpu.memory_space<vmem>>, vector<1x1x16xf32>,
        %get3A_1360 = vector.shape_cast %get3A_1359 : vector<1x1x16xf32> to vector<16xf32>
        %mul3A_1361 = arith.mulf %get3A_1360, %broadcast_in_dim3A_1256 : vector<16xf32>
        %swap3A_1362 = arith.constant 0 : i32
        %swap3A_1363 = arith.index_cast %swap3A_1362 : i32 to index
        %swap3A_1364 = arith.index_cast %add3A_1253 : i32 to index
        %swap3A_1365 = arith.constant 112 : index
        %swap3A_1366 = tpu.vector_load %arg11[%swap3A_1363, %swap3A_1364, %swap3A_1365] {strides = array<i32>} : memref<1x400x128xf32, #tpu.memory_space<vmem>>, vector<1x1x16xf32>,
        %swap3A_1367 = vector.shape_cast %swap3A_1366 : vector<1x1x16xf32> to vector<16xf32>
        %swap3A_1368 = vector.shape_cast %mul3A_1361 : vector<16xf32> to vector<1x1x16xf32>
        tpu.vector_store %arg11[%swap3A_1363, %swap3A_1364, %swap3A_1365], %swap3A_1368 {strides = array<i32>} : memref<1x400x128xf32, #tpu.memory_space<vmem>>, vector<1x1x16xf32>,
        %mul3A_1369 = arith.constant 16 : i32
        %mul3A_1370 = arith.muli %add3A_59, %mul3A_1369 : i32
        %add3A_1371 = arith.constant 11 : i32
        %add3A_1372 = arith.addi %mul3A_1370, %add3A_1371 : i32
        %slice3A_1373 = vector.extract_strided_slice %get3A_63 {offsets = [11], sizes = [1], strides = [1]} : vector<16xf32> to vector<1xf32>
        %squeeze3A_1374 = vector.extract %slice3A_1373[0] : f32 from vector<1xf32>
        %broadcast_in_dim3A_1375 = vector.broadcast %squeeze3A_1374 : f32 to vector<16xf32>
        %get3A_1376 = arith.constant 0 : i32
        %get3A_1377 = arith.index_cast %get3A_1376 : i32 to index
        %get3A_1378 = arith.index_cast %add3A_1372 : i32 to index
        %get3A_1379 = arith.constant 0 : index
        %get3A_1380 = tpu.vector_load %arg11[%get3A_1377, %get3A_1378, %get3A_1379] {strides = array<i32>} : memref<1x400x128xf32, #tpu.memory_space<vmem>>, vector<1x1x16xf32>,
        %get3A_1381 = vector.shape_cast %get3A_1380 : vector<1x1x16xf32> to vector<16xf32>
        %mul3A_1382 = arith.mulf %get3A_1381, %broadcast_in_dim3A_1375 : vector<16xf32>
        %swap3A_1383 = arith.constant 0 : i32
        %swap3A_1384 = arith.index_cast %swap3A_1383 : i32 to index
        %swap3A_1385 = arith.index_cast %add3A_1372 : i32 to index
        %swap3A_1386 = arith.constant 0 : index
        %swap3A_1387 = tpu.vector_load %arg11[%swap3A_1384, %swap3A_1385, %swap3A_1386] {strides = array<i32>} : memref<1x400x128xf32, #tpu.memory_space<vmem>>, vector<1x1x16xf32>,
        %swap3A_1388 = vector.shape_cast %swap3A_1387 : vector<1x1x16xf32> to vector<16xf32>
        %swap3A_1389 = vector.shape_cast %mul3A_1382 : vector<16xf32> to vector<1x1x16xf32>
        tpu.vector_store %arg11[%swap3A_1384, %swap3A_1385, %swap3A_1386], %swap3A_1389 {strides = array<i32>} : memref<1x400x128xf32, #tpu.memory_space<vmem>>, vector<1x1x16xf32>,
        %get3A_1390 = arith.constant 0 : i32
        %get3A_1391 = arith.index_cast %get3A_1390 : i32 to index
        %get3A_1392 = arith.index_cast %add3A_1372 : i32 to index
        %get3A_1393 = arith.constant 16 : index
        %get3A_1394 = tpu.vector_load %arg11[%get3A_1391, %get3A_1392, %get3A_1393] {strides = array<i32>} : memref<1x400x128xf32, #tpu.memory_space<vmem>>, vector<1x1x16xf32>,
        %get3A_1395 = vector.shape_cast %get3A_1394 : vector<1x1x16xf32> to vector<16xf32>
        %mul3A_1396 = arith.mulf %get3A_1395, %broadcast_in_dim3A_1375 : vector<16xf32>
        %swap3A_1397 = arith.constant 0 : i32
        %swap3A_1398 = arith.index_cast %swap3A_1397 : i32 to index
        %swap3A_1399 = arith.index_cast %add3A_1372 : i32 to index
        %swap3A_1400 = arith.constant 16 : index
        %swap3A_1401 = tpu.vector_load %arg11[%swap3A_1398, %swap3A_1399, %swap3A_1400] {strides = array<i32>} : memref<1x400x128xf32, #tpu.memory_space<vmem>>, vector<1x1x16xf32>,
        %swap3A_1402 = vector.shape_cast %swap3A_1401 : vector<1x1x16xf32> to vector<16xf32>
        %swap3A_1403 = vector.shape_cast %mul3A_1396 : vector<16xf32> to vector<1x1x16xf32>
        tpu.vector_store %arg11[%swap3A_1398, %swap3A_1399, %swap3A_1400], %swap3A_1403 {strides = array<i32>} : memref<1x400x128xf32, #tpu.memory_space<vmem>>, vector<1x1x16xf32>,
        %get3A_1404 = arith.constant 0 : i32
        %get3A_1405 = arith.index_cast %get3A_1404 : i32 to index
        %get3A_1406 = arith.index_cast %add3A_1372 : i32 to index
        %get3A_1407 = arith.constant 32 : index
        %get3A_1408 = tpu.vector_load %arg11[%get3A_1405, %get3A_1406, %get3A_1407] {strides = array<i32>} : memref<1x400x128xf32, #tpu.memory_space<vmem>>, vector<1x1x16xf32>,
        %get3A_1409 = vector.shape_cast %get3A_1408 : vector<1x1x16xf32> to vector<16xf32>
        %mul3A_1410 = arith.mulf %get3A_1409, %broadcast_in_dim3A_1375 : vector<16xf32>
        %swap3A_1411 = arith.constant 0 : i32
        %swap3A_1412 = arith.index_cast %swap3A_1411 : i32 to index
        %swap3A_1413 = arith.index_cast %add3A_1372 : i32 to index
        %swap3A_1414 = arith.constant 32 : index
        %swap3A_1415 = tpu.vector_load %arg11[%swap3A_1412, %swap3A_1413, %swap3A_1414] {strides = array<i32>} : memref<1x400x128xf32, #tpu.memory_space<vmem>>, vector<1x1x16xf32>,
        %swap3A_1416 = vector.shape_cast %swap3A_1415 : vector<1x1x16xf32> to vector<16xf32>
        %swap3A_1417 = vector.shape_cast %mul3A_1410 : vector<16xf32> to vector<1x1x16xf32>
        tpu.vector_store %arg11[%swap3A_1412, %swap3A_1413, %swap3A_1414], %swap3A_1417 {strides = array<i32>} : memref<1x400x128xf32, #tpu.memory_space<vmem>>, vector<1x1x16xf32>,
        %get3A_1418 = arith.constant 0 : i32
        %get3A_1419 = arith.index_cast %get3A_1418 : i32 to index
        %get3A_1420 = arith.index_cast %add3A_1372 : i32 to index
        %get3A_1421 = arith.constant 48 : index
        %get3A_1422 = tpu.vector_load %arg11[%get3A_1419, %get3A_1420, %get3A_1421] {strides = array<i32>} : memref<1x400x128xf32, #tpu.memory_space<vmem>>, vector<1x1x16xf32>,
        %get3A_1423 = vector.shape_cast %get3A_1422 : vector<1x1x16xf32> to vector<16xf32>
        %mul3A_1424 = arith.mulf %get3A_1423, %broadcast_in_dim3A_1375 : vector<16xf32>
        %swap3A_1425 = arith.constant 0 : i32
        %swap3A_1426 = arith.index_cast %swap3A_1425 : i32 to index
        %swap3A_1427 = arith.index_cast %add3A_1372 : i32 to index
        %swap3A_1428 = arith.constant 48 : index
        %swap3A_1429 = tpu.vector_load %arg11[%swap3A_1426, %swap3A_1427, %swap3A_1428] {strides = array<i32>} : memref<1x400x128xf32, #tpu.memory_space<vmem>>, vector<1x1x16xf32>,
        %swap3A_1430 = vector.shape_cast %swap3A_1429 : vector<1x1x16xf32> to vector<16xf32>
        %swap3A_1431 = vector.shape_cast %mul3A_1424 : vector<16xf32> to vector<1x1x16xf32>
        tpu.vector_store %arg11[%swap3A_1426, %swap3A_1427, %swap3A_1428], %swap3A_1431 {strides = array<i32>} : memref<1x400x128xf32, #tpu.memory_space<vmem>>, vector<1x1x16xf32>,
        %get3A_1432 = arith.constant 0 : i32
        %get3A_1433 = arith.index_cast %get3A_1432 : i32 to index
        %get3A_1434 = arith.index_cast %add3A_1372 : i32 to index
        %get3A_1435 = arith.constant 64 : index
        %get3A_1436 = tpu.vector_load %arg11[%get3A_1433, %get3A_1434, %get3A_1435] {strides = array<i32>} : memref<1x400x128xf32, #tpu.memory_space<vmem>>, vector<1x1x16xf32>,
        %get3A_1437 = vector.shape_cast %get3A_1436 : vector<1x1x16xf32> to vector<16xf32>
        %mul3A_1438 = arith.mulf %get3A_1437, %broadcast_in_dim3A_1375 : vector<16xf32>
        %swap3A_1439 = arith.constant 0 : i32
        %swap3A_1440 = arith.index_cast %swap3A_1439 : i32 to index
        %swap3A_1441 = arith.index_cast %add3A_1372 : i32 to index
        %swap3A_1442 = arith.constant 64 : index
        %swap3A_1443 = tpu.vector_load %arg11[%swap3A_1440, %swap3A_1441, %swap3A_1442] {strides = array<i32>} : memref<1x400x128xf32, #tpu.memory_space<vmem>>, vector<1x1x16xf32>,
        %swap3A_1444 = vector.shape_cast %swap3A_1443 : vector<1x1x16xf32> to vector<16xf32>
        %swap3A_1445 = vector.shape_cast %mul3A_1438 : vector<16xf32> to vector<1x1x16xf32>
        tpu.vector_store %arg11[%swap3A_1440, %swap3A_1441, %swap3A_1442], %swap3A_1445 {strides = array<i32>} : memref<1x400x128xf32, #tpu.memory_space<vmem>>, vector<1x1x16xf32>,
        %get3A_1446 = arith.constant 0 : i32
        %get3A_1447 = arith.index_cast %get3A_1446 : i32 to index
        %get3A_1448 = arith.index_cast %add3A_1372 : i32 to index
        %get3A_1449 = arith.constant 80 : index
        %get3A_1450 = tpu.vector_load %arg11[%get3A_1447, %get3A_1448, %get3A_1449] {strides = array<i32>} : memref<1x400x128xf32, #tpu.memory_space<vmem>>, vector<1x1x16xf32>,
        %get3A_1451 = vector.shape_cast %get3A_1450 : vector<1x1x16xf32> to vector<16xf32>
        %mul3A_1452 = arith.mulf %get3A_1451, %broadcast_in_dim3A_1375 : vector<16xf32>
        %swap3A_1453 = arith.constant 0 : i32
        %swap3A_1454 = arith.index_cast %swap3A_1453 : i32 to index
        %swap3A_1455 = arith.index_cast %add3A_1372 : i32 to index
        %swap3A_1456 = arith.constant 80 : index
        %swap3A_1457 = tpu.vector_load %arg11[%swap3A_1454, %swap3A_1455, %swap3A_1456] {strides = array<i32>} : memref<1x400x128xf32, #tpu.memory_space<vmem>>, vector<1x1x16xf32>,
        %swap3A_1458 = vector.shape_cast %swap3A_1457 : vector<1x1x16xf32> to vector<16xf32>
        %swap3A_1459 = vector.shape_cast %mul3A_1452 : vector<16xf32> to vector<1x1x16xf32>
        tpu.vector_store %arg11[%swap3A_1454, %swap3A_1455, %swap3A_1456], %swap3A_1459 {strides = array<i32>} : memref<1x400x128xf32, #tpu.memory_space<vmem>>, vector<1x1x16xf32>,
        %get3A_1460 = arith.constant 0 : i32
        %get3A_1461 = arith.index_cast %get3A_1460 : i32 to index
        %get3A_1462 = arith.index_cast %add3A_1372 : i32 to index
        %get3A_1463 = arith.constant 96 : index
        %get3A_1464 = tpu.vector_load %arg11[%get3A_1461, %get3A_1462, %get3A_1463] {strides = array<i32>} : memref<1x400x128xf32, #tpu.memory_space<vmem>>, vector<1x1x16xf32>,
        %get3A_1465 = vector.shape_cast %get3A_1464 : vector<1x1x16xf32> to vector<16xf32>
        %mul3A_1466 = arith.mulf %get3A_1465, %broadcast_in_dim3A_1375 : vector<16xf32>
        %swap3A_1467 = arith.constant 0 : i32
        %swap3A_1468 = arith.index_cast %swap3A_1467 : i32 to index
        %swap3A_1469 = arith.index_cast %add3A_1372 : i32 to index
        %swap3A_1470 = arith.constant 96 : index
        %swap3A_1471 = tpu.vector_load %arg11[%swap3A_1468, %swap3A_1469, %swap3A_1470] {strides = array<i32>} : memref<1x400x128xf32, #tpu.memory_space<vmem>>, vector<1x1x16xf32>,
        %swap3A_1472 = vector.shape_cast %swap3A_1471 : vector<1x1x16xf32> to vector<16xf32>
        %swap3A_1473 = vector.shape_cast %mul3A_1466 : vector<16xf32> to vector<1x1x16xf32>
        tpu.vector_store %arg11[%swap3A_1468, %swap3A_1469, %swap3A_1470], %swap3A_1473 {strides = array<i32>} : memref<1x400x128xf32, #tpu.memory_space<vmem>>, vector<1x1x16xf32>,
        %get3A_1474 = arith.constant 0 : i32
        %get3A_1475 = arith.index_cast %get3A_1474 : i32 to index
        %get3A_1476 = arith.index_cast %add3A_1372 : i32 to index
        %get3A_1477 = arith.constant 112 : index
        %get3A_1478 = tpu.vector_load %arg11[%get3A_1475, %get3A_1476, %get3A_1477] {strides = array<i32>} : memref<1x400x128xf32, #tpu.memory_space<vmem>>, vector<1x1x16xf32>,
        %get3A_1479 = vector.shape_cast %get3A_1478 : vector<1x1x16xf32> to vector<16xf32>
        %mul3A_1480 = arith.mulf %get3A_1479, %broadcast_in_dim3A_1375 : vector<16xf32>
        %swap3A_1481 = arith.constant 0 : i32
        %swap3A_1482 = arith.index_cast %swap3A_1481 : i32 to index
        %swap3A_1483 = arith.index_cast %add3A_1372 : i32 to index
        %swap3A_1484 = arith.constant 112 : index
        %swap3A_1485 = tpu.vector_load %arg11[%swap3A_1482, %swap3A_1483, %swap3A_1484] {strides = array<i32>} : memref<1x400x128xf32, #tpu.memory_space<vmem>>, vector<1x1x16xf32>,
        %swap3A_1486 = vector.shape_cast %swap3A_1485 : vector<1x1x16xf32> to vector<16xf32>
        %swap3A_1487 = vector.shape_cast %mul3A_1480 : vector<16xf32> to vector<1x1x16xf32>
        tpu.vector_store %arg11[%swap3A_1482, %swap3A_1483, %swap3A_1484], %swap3A_1487 {strides = array<i32>} : memref<1x400x128xf32, #tpu.memory_space<vmem>>, vector<1x1x16xf32>,
        %mul3A_1488 = arith.constant 16 : i32
        %mul3A_1489 = arith.muli %add3A_59, %mul3A_1488 : i32
        %add3A_1490 = arith.constant 12 : i32
        %add3A_1491 = arith.addi %mul3A_1489, %add3A_1490 : i32
        %slice3A_1492 = vector.extract_strided_slice %get3A_63 {offsets = [12], sizes = [1], strides = [1]} : vector<16xf32> to vector<1xf32>
        %squeeze3A_1493 = vector.extract %slice3A_1492[0] : f32 from vector<1xf32>
        %broadcast_in_dim3A_1494 = vector.broadcast %squeeze3A_1493 : f32 to vector<16xf32>
        %get3A_1495 = arith.constant 0 : i32
        %get3A_1496 = arith.index_cast %get3A_1495 : i32 to index
        %get3A_1497 = arith.index_cast %add3A_1491 : i32 to index
        %get3A_1498 = arith.constant 0 : index
        %get3A_1499 = tpu.vector_load %arg11[%get3A_1496, %get3A_1497, %get3A_1498] {strides = array<i32>} : memref<1x400x128xf32, #tpu.memory_space<vmem>>, vector<1x1x16xf32>,
        %get3A_1500 = vector.shape_cast %get3A_1499 : vector<1x1x16xf32> to vector<16xf32>
        %mul3A_1501 = arith.mulf %get3A_1500, %broadcast_in_dim3A_1494 : vector<16xf32>
        %swap3A_1502 = arith.constant 0 : i32
        %swap3A_1503 = arith.index_cast %swap3A_1502 : i32 to index
        %swap3A_1504 = arith.index_cast %add3A_1491 : i32 to index
        %swap3A_1505 = arith.constant 0 : index
        %swap3A_1506 = tpu.vector_load %arg11[%swap3A_1503, %swap3A_1504, %swap3A_1505] {strides = array<i32>} : memref<1x400x128xf32, #tpu.memory_space<vmem>>, vector<1x1x16xf32>,
        %swap3A_1507 = vector.shape_cast %swap3A_1506 : vector<1x1x16xf32> to vector<16xf32>
        %swap3A_1508 = vector.shape_cast %mul3A_1501 : vector<16xf32> to vector<1x1x16xf32>
        tpu.vector_store %arg11[%swap3A_1503, %swap3A_1504, %swap3A_1505], %swap3A_1508 {strides = array<i32>} : memref<1x400x128xf32, #tpu.memory_space<vmem>>, vector<1x1x16xf32>,
        %get3A_1509 = arith.constant 0 : i32
        %get3A_1510 = arith.index_cast %get3A_1509 : i32 to index
        %get3A_1511 = arith.index_cast %add3A_1491 : i32 to index
        %get3A_1512 = arith.constant 16 : index
        %get3A_1513 = tpu.vector_load %arg11[%get3A_1510, %get3A_1511, %get3A_1512] {strides = array<i32>} : memref<1x400x128xf32, #tpu.memory_space<vmem>>, vector<1x1x16xf32>,
        %get3A_1514 = vector.shape_cast %get3A_1513 : vector<1x1x16xf32> to vector<16xf32>
        %mul3A_1515 = arith.mulf %get3A_1514, %broadcast_in_dim3A_1494 : vector<16xf32>
        %swap3A_1516 = arith.constant 0 : i32
        %swap3A_1517 = arith.index_cast %swap3A_1516 : i32 to index
        %swap3A_1518 = arith.index_cast %add3A_1491 : i32 to index
        %swap3A_1519 = arith.constant 16 : index
        %swap3A_1520 = tpu.vector_load %arg11[%swap3A_1517, %swap3A_1518, %swap3A_1519] {strides = array<i32>} : memref<1x400x128xf32, #tpu.memory_space<vmem>>, vector<1x1x16xf32>,
        %swap3A_1521 = vector.shape_cast %swap3A_1520 : vector<1x1x16xf32> to vector<16xf32>
        %swap3A_1522 = vector.shape_cast %mul3A_1515 : vector<16xf32> to vector<1x1x16xf32>
        tpu.vector_store %arg11[%swap3A_1517, %swap3A_1518, %swap3A_1519], %swap3A_1522 {strides = array<i32>} : memref<1x400x128xf32, #tpu.memory_space<vmem>>, vector<1x1x16xf32>,
        %get3A_1523 = arith.constant 0 : i32
        %get3A_1524 = arith.index_cast %get3A_1523 : i32 to index
        %get3A_1525 = arith.index_cast %add3A_1491 : i32 to index
        %get3A_1526 = arith.constant 32 : index
        %get3A_1527 = tpu.vector_load %arg11[%get3A_1524, %get3A_1525, %get3A_1526] {strides = array<i32>} : memref<1x400x128xf32, #tpu.memory_space<vmem>>, vector<1x1x16xf32>,
        %get3A_1528 = vector.shape_cast %get3A_1527 : vector<1x1x16xf32> to vector<16xf32>
        %mul3A_1529 = arith.mulf %get3A_1528, %broadcast_in_dim3A_1494 : vector<16xf32>
        %swap3A_1530 = arith.constant 0 : i32
        %swap3A_1531 = arith.index_cast %swap3A_1530 : i32 to index
        %swap3A_1532 = arith.index_cast %add3A_1491 : i32 to index
        %swap3A_1533 = arith.constant 32 : index
        %swap3A_1534 = tpu.vector_load %arg11[%swap3A_1531, %swap3A_1532, %swap3A_1533] {strides = array<i32>} : memref<1x400x128xf32, #tpu.memory_space<vmem>>, vector<1x1x16xf32>,
        %swap3A_1535 = vector.shape_cast %swap3A_1534 : vector<1x1x16xf32> to vector<16xf32>
        %swap3A_1536 = vector.shape_cast %mul3A_1529 : vector<16xf32> to vector<1x1x16xf32>
        tpu.vector_store %arg11[%swap3A_1531, %swap3A_1532, %swap3A_1533], %swap3A_1536 {strides = array<i32>} : memref<1x400x128xf32, #tpu.memory_space<vmem>>, vector<1x1x16xf32>,
        %get3A_1537 = arith.constant 0 : i32
        %get3A_1538 = arith.index_cast %get3A_1537 : i32 to index
        %get3A_1539 = arith.index_cast %add3A_1491 : i32 to index
        %get3A_1540 = arith.constant 48 : index
        %get3A_1541 = tpu.vector_load %arg11[%get3A_1538, %get3A_1539, %get3A_1540] {strides = array<i32>} : memref<1x400x128xf32, #tpu.memory_space<vmem>>, vector<1x1x16xf32>,
        %get3A_1542 = vector.shape_cast %get3A_1541 : vector<1x1x16xf32> to vector<16xf32>
        %mul3A_1543 = arith.mulf %get3A_1542, %broadcast_in_dim3A_1494 : vector<16xf32>
        %swap3A_1544 = arith.constant 0 : i32
        %swap3A_1545 = arith.index_cast %swap3A_1544 : i32 to index
        %swap3A_1546 = arith.index_cast %add3A_1491 : i32 to index
        %swap3A_1547 = arith.constant 48 : index
        %swap3A_1548 = tpu.vector_load %arg11[%swap3A_1545, %swap3A_1546, %swap3A_1547] {strides = array<i32>} : memref<1x400x128xf32, #tpu.memory_space<vmem>>, vector<1x1x16xf32>,
        %swap3A_1549 = vector.shape_cast %swap3A_1548 : vector<1x1x16xf32> to vector<16xf32>
        %swap3A_1550 = vector.shape_cast %mul3A_1543 : vector<16xf32> to vector<1x1x16xf32>
        tpu.vector_store %arg11[%swap3A_1545, %swap3A_1546, %swap3A_1547], %swap3A_1550 {strides = array<i32>} : memref<1x400x128xf32, #tpu.memory_space<vmem>>, vector<1x1x16xf32>,
        %get3A_1551 = arith.constant 0 : i32
        %get3A_1552 = arith.index_cast %get3A_1551 : i32 to index
        %get3A_1553 = arith.index_cast %add3A_1491 : i32 to index
        %get3A_1554 = arith.constant 64 : index
        %get3A_1555 = tpu.vector_load %arg11[%get3A_1552, %get3A_1553, %get3A_1554] {strides = array<i32>} : memref<1x400x128xf32, #tpu.memory_space<vmem>>, vector<1x1x16xf32>,
        %get3A_1556 = vector.shape_cast %get3A_1555 : vector<1x1x16xf32> to vector<16xf32>
        %mul3A_1557 = arith.mulf %get3A_1556, %broadcast_in_dim3A_1494 : vector<16xf32>
        %swap3A_1558 = arith.constant 0 : i32
        %swap3A_1559 = arith.index_cast %swap3A_1558 : i32 to index
        %swap3A_1560 = arith.index_cast %add3A_1491 : i32 to index
        %swap3A_1561 = arith.constant 64 : index
        %swap3A_1562 = tpu.vector_load %arg11[%swap3A_1559, %swap3A_1560, %swap3A_1561] {strides = array<i32>} : memref<1x400x128xf32, #tpu.memory_space<vmem>>, vector<1x1x16xf32>,
        %swap3A_1563 = vector.shape_cast %swap3A_1562 : vector<1x1x16xf32> to vector<16xf32>
        %swap3A_1564 = vector.shape_cast %mul3A_1557 : vector<16xf32> to vector<1x1x16xf32>
        tpu.vector_store %arg11[%swap3A_1559, %swap3A_1560, %swap3A_1561], %swap3A_1564 {strides = array<i32>} : memref<1x400x128xf32, #tpu.memory_space<vmem>>, vector<1x1x16xf32>,
        %get3A_1565 = arith.constant 0 : i32
        %get3A_1566 = arith.index_cast %get3A_1565 : i32 to index
        %get3A_1567 = arith.index_cast %add3A_1491 : i32 to index
        %get3A_1568 = arith.constant 80 : index
        %get3A_1569 = tpu.vector_load %arg11[%get3A_1566, %get3A_1567, %get3A_1568] {strides = array<i32>} : memref<1x400x128xf32, #tpu.memory_space<vmem>>, vector<1x1x16xf32>,
        %get3A_1570 = vector.shape_cast %get3A_1569 : vector<1x1x16xf32> to vector<16xf32>
        %mul3A_1571 = arith.mulf %get3A_1570, %broadcast_in_dim3A_1494 : vector<16xf32>
        %swap3A_1572 = arith.constant 0 : i32
        %swap3A_1573 = arith.index_cast %swap3A_1572 : i32 to index
        %swap3A_1574 = arith.index_cast %add3A_1491 : i32 to index
        %swap3A_1575 = arith.constant 80 : index
        %swap3A_1576 = tpu.vector_load %arg11[%swap3A_1573, %swap3A_1574, %swap3A_1575] {strides = array<i32>} : memref<1x400x128xf32, #tpu.memory_space<vmem>>, vector<1x1x16xf32>,
        %swap3A_1577 = vector.shape_cast %swap3A_1576 : vector<1x1x16xf32> to vector<16xf32>
        %swap3A_1578 = vector.shape_cast %mul3A_1571 : vector<16xf32> to vector<1x1x16xf32>
        tpu.vector_store %arg11[%swap3A_1573, %swap3A_1574, %swap3A_1575], %swap3A_1578 {strides = array<i32>} : memref<1x400x128xf32, #tpu.memory_space<vmem>>, vector<1x1x16xf32>,
        %get3A_1579 = arith.constant 0 : i32
        %get3A_1580 = arith.index_cast %get3A_1579 : i32 to index
        %get3A_1581 = arith.index_cast %add3A_1491 : i32 to index
        %get3A_1582 = arith.constant 96 : index
        %get3A_1583 = tpu.vector_load %arg11[%get3A_1580, %get3A_1581, %get3A_1582] {strides = array<i32>} : memref<1x400x128xf32, #tpu.memory_space<vmem>>, vector<1x1x16xf32>,
        %get3A_1584 = vector.shape_cast %get3A_1583 : vector<1x1x16xf32> to vector<16xf32>
        %mul3A_1585 = arith.mulf %get3A_1584, %broadcast_in_dim3A_1494 : vector<16xf32>
        %swap3A_1586 = arith.constant 0 : i32
        %swap3A_1587 = arith.index_cast %swap3A_1586 : i32 to index
        %swap3A_1588 = arith.index_cast %add3A_1491 : i32 to index
        %swap3A_1589 = arith.constant 96 : index
        %swap3A_1590 = tpu.vector_load %arg11[%swap3A_1587, %swap3A_1588, %swap3A_1589] {strides = array<i32>} : memref<1x400x128xf32, #tpu.memory_space<vmem>>, vector<1x1x16xf32>,
        %swap3A_1591 = vector.shape_cast %swap3A_1590 : vector<1x1x16xf32> to vector<16xf32>
        %swap3A_1592 = vector.shape_cast %mul3A_1585 : vector<16xf32> to vector<1x1x16xf32>
        tpu.vector_store %arg11[%swap3A_1587, %swap3A_1588, %swap3A_1589], %swap3A_1592 {strides = array<i32>} : memref<1x400x128xf32, #tpu.memory_space<vmem>>, vector<1x1x16xf32>,
        %get3A_1593 = arith.constant 0 : i32
        %get3A_1594 = arith.index_cast %get3A_1593 : i32 to index
        %get3A_1595 = arith.index_cast %add3A_1491 : i32 to index
        %get3A_1596 = arith.constant 112 : index
        %get3A_1597 = tpu.vector_load %arg11[%get3A_1594, %get3A_1595, %get3A_1596] {strides = array<i32>} : memref<1x400x128xf32, #tpu.memory_space<vmem>>, vector<1x1x16xf32>,
        %get3A_1598 = vector.shape_cast %get3A_1597 : vector<1x1x16xf32> to vector<16xf32>
        %mul3A_1599 = arith.mulf %get3A_1598, %broadcast_in_dim3A_1494 : vector<16xf32>
        %swap3A_1600 = arith.constant 0 : i32
        %swap3A_1601 = arith.index_cast %swap3A_1600 : i32 to index
        %swap3A_1602 = arith.index_cast %add3A_1491 : i32 to index
        %swap3A_1603 = arith.constant 112 : index
        %swap3A_1604 = tpu.vector_load %arg11[%swap3A_1601, %swap3A_1602, %swap3A_1603] {strides = array<i32>} : memref<1x400x128xf32, #tpu.memory_space<vmem>>, vector<1x1x16xf32>,
        %swap3A_1605 = vector.shape_cast %swap3A_1604 : vector<1x1x16xf32> to vector<16xf32>
        %swap3A_1606 = vector.shape_cast %mul3A_1599 : vector<16xf32> to vector<1x1x16xf32>
        tpu.vector_store %arg11[%swap3A_1601, %swap3A_1602, %swap3A_1603], %swap3A_1606 {strides = array<i32>} : memref<1x400x128xf32, #tpu.memory_space<vmem>>, vector<1x1x16xf32>,
        %mul3A_1607 = arith.constant 16 : i32
        %mul3A_1608 = arith.muli %add3A_59, %mul3A_1607 : i32
        %add3A_1609 = arith.constant 13 : i32
        %add3A_1610 = arith.addi %mul3A_1608, %add3A_1609 : i32
        %slice3A_1611 = vector.extract_strided_slice %get3A_63 {offsets = [13], sizes = [1], strides = [1]} : vector<16xf32> to vector<1xf32>
        %squeeze3A_1612 = vector.extract %slice3A_1611[0] : f32 from vector<1xf32>
        %broadcast_in_dim3A_1613 = vector.broadcast %squeeze3A_1612 : f32 to vector<16xf32>
        %get3A_1614 = arith.constant 0 : i32
        %get3A_1615 = arith.index_cast %get3A_1614 : i32 to index
        %get3A_1616 = arith.index_cast %add3A_1610 : i32 to index
        %get3A_1617 = arith.constant 0 : index
        %get3A_1618 = tpu.vector_load %arg11[%get3A_1615, %get3A_1616, %get3A_1617] {strides = array<i32>} : memref<1x400x128xf32, #tpu.memory_space<vmem>>, vector<1x1x16xf32>,
        %get3A_1619 = vector.shape_cast %get3A_1618 : vector<1x1x16xf32> to vector<16xf32>
        %mul3A_1620 = arith.mulf %get3A_1619, %broadcast_in_dim3A_1613 : vector<16xf32>
        %swap3A_1621 = arith.constant 0 : i32
        %swap3A_1622 = arith.index_cast %swap3A_1621 : i32 to index
        %swap3A_1623 = arith.index_cast %add3A_1610 : i32 to index
        %swap3A_1624 = arith.constant 0 : index
        %swap3A_1625 = tpu.vector_load %arg11[%swap3A_1622, %swap3A_1623, %swap3A_1624] {strides = array<i32>} : memref<1x400x128xf32, #tpu.memory_space<vmem>>, vector<1x1x16xf32>,
        %swap3A_1626 = vector.shape_cast %swap3A_1625 : vector<1x1x16xf32> to vector<16xf32>
        %swap3A_1627 = vector.shape_cast %mul3A_1620 : vector<16xf32> to vector<1x1x16xf32>
        tpu.vector_store %arg11[%swap3A_1622, %swap3A_1623, %swap3A_1624], %swap3A_1627 {strides = array<i32>} : memref<1x400x128xf32, #tpu.memory_space<vmem>>, vector<1x1x16xf32>,
        %get3A_1628 = arith.constant 0 : i32
        %get3A_1629 = arith.index_cast %get3A_1628 : i32 to index
        %get3A_1630 = arith.index_cast %add3A_1610 : i32 to index
        %get3A_1631 = arith.constant 16 : index
        %get3A_1632 = tpu.vector_load %arg11[%get3A_1629, %get3A_1630, %get3A_1631] {strides = array<i32>} : memref<1x400x128xf32, #tpu.memory_space<vmem>>, vector<1x1x16xf32>,
        %get3A_1633 = vector.shape_cast %get3A_1632 : vector<1x1x16xf32> to vector<16xf32>
        %mul3A_1634 = arith.mulf %get3A_1633, %broadcast_in_dim3A_1613 : vector<16xf32>
        %swap3A_1635 = arith.constant 0 : i32
        %swap3A_1636 = arith.index_cast %swap3A_1635 : i32 to index
        %swap3A_1637 = arith.index_cast %add3A_1610 : i32 to index
        %swap3A_1638 = arith.constant 16 : index
        %swap3A_1639 = tpu.vector_load %arg11[%swap3A_1636, %swap3A_1637, %swap3A_1638] {strides = array<i32>} : memref<1x400x128xf32, #tpu.memory_space<vmem>>, vector<1x1x16xf32>,
        %swap3A_1640 = vector.shape_cast %swap3A_1639 : vector<1x1x16xf32> to vector<16xf32>
        %swap3A_1641 = vector.shape_cast %mul3A_1634 : vector<16xf32> to vector<1x1x16xf32>
        tpu.vector_store %arg11[%swap3A_1636, %swap3A_1637, %swap3A_1638], %swap3A_1641 {strides = array<i32>} : memref<1x400x128xf32, #tpu.memory_space<vmem>>, vector<1x1x16xf32>,
        %get3A_1642 = arith.constant 0 : i32
        %get3A_1643 = arith.index_cast %get3A_1642 : i32 to index
        %get3A_1644 = arith.index_cast %add3A_1610 : i32 to index
        %get3A_1645 = arith.constant 32 : index
        %get3A_1646 = tpu.vector_load %arg11[%get3A_1643, %get3A_1644, %get3A_1645] {strides = array<i32>} : memref<1x400x128xf32, #tpu.memory_space<vmem>>, vector<1x1x16xf32>,
        %get3A_1647 = vector.shape_cast %get3A_1646 : vector<1x1x16xf32> to vector<16xf32>
        %mul3A_1648 = arith.mulf %get3A_1647, %broadcast_in_dim3A_1613 : vector<16xf32>
        %swap3A_1649 = arith.constant 0 : i32
        %swap3A_1650 = arith.index_cast %swap3A_1649 : i32 to index
        %swap3A_1651 = arith.index_cast %add3A_1610 : i32 to index
        %swap3A_1652 = arith.constant 32 : index
        %swap3A_1653 = tpu.vector_load %arg11[%swap3A_1650, %swap3A_1651, %swap3A_1652] {strides = array<i32>} : memref<1x400x128xf32, #tpu.memory_space<vmem>>, vector<1x1x16xf32>,
        %swap3A_1654 = vector.shape_cast %swap3A_1653 : vector<1x1x16xf32> to vector<16xf32>
        %swap3A_1655 = vector.shape_cast %mul3A_1648 : vector<16xf32> to vector<1x1x16xf32>
        tpu.vector_store %arg11[%swap3A_1650, %swap3A_1651, %swap3A_1652], %swap3A_1655 {strides = array<i32>} : memref<1x400x128xf32, #tpu.memory_space<vmem>>, vector<1x1x16xf32>,
        %get3A_1656 = arith.constant 0 : i32
        %get3A_1657 = arith.index_cast %get3A_1656 : i32 to index
        %get3A_1658 = arith.index_cast %add3A_1610 : i32 to index
        %get3A_1659 = arith.constant 48 : index
        %get3A_1660 = tpu.vector_load %arg11[%get3A_1657, %get3A_1658, %get3A_1659] {strides = array<i32>} : memref<1x400x128xf32, #tpu.memory_space<vmem>>, vector<1x1x16xf32>,
        %get3A_1661 = vector.shape_cast %get3A_1660 : vector<1x1x16xf32> to vector<16xf32>
        %mul3A_1662 = arith.mulf %get3A_1661, %broadcast_in_dim3A_1613 : vector<16xf32>
        %swap3A_1663 = arith.constant 0 : i32
        %swap3A_1664 = arith.index_cast %swap3A_1663 : i32 to index
        %swap3A_1665 = arith.index_cast %add3A_1610 : i32 to index
        %swap3A_1666 = arith.constant 48 : index
        %swap3A_1667 = tpu.vector_load %arg11[%swap3A_1664, %swap3A_1665, %swap3A_1666] {strides = array<i32>} : memref<1x400x128xf32, #tpu.memory_space<vmem>>, vector<1x1x16xf32>,
        %swap3A_1668 = vector.shape_cast %swap3A_1667 : vector<1x1x16xf32> to vector<16xf32>
        %swap3A_1669 = vector.shape_cast %mul3A_1662 : vector<16xf32> to vector<1x1x16xf32>
        tpu.vector_store %arg11[%swap3A_1664, %swap3A_1665, %swap3A_1666], %swap3A_1669 {strides = array<i32>} : memref<1x400x128xf32, #tpu.memory_space<vmem>>, vector<1x1x16xf32>,
        %get3A_1670 = arith.constant 0 : i32
        %get3A_1671 = arith.index_cast %get3A_1670 : i32 to index
        %get3A_1672 = arith.index_cast %add3A_1610 : i32 to index
        %get3A_1673 = arith.constant 64 : index
        %get3A_1674 = tpu.vector_load %arg11[%get3A_1671, %get3A_1672, %get3A_1673] {strides = array<i32>} : memref<1x400x128xf32, #tpu.memory_space<vmem>>, vector<1x1x16xf32>,
        %get3A_1675 = vector.shape_cast %get3A_1674 : vector<1x1x16xf32> to vector<16xf32>
        %mul3A_1676 = arith.mulf %get3A_1675, %broadcast_in_dim3A_1613 : vector<16xf32>
        %swap3A_1677 = arith.constant 0 : i32
        %swap3A_1678 = arith.index_cast %swap3A_1677 : i32 to index
        %swap3A_1679 = arith.index_cast %add3A_1610 : i32 to index
        %swap3A_1680 = arith.constant 64 : index
        %swap3A_1681 = tpu.vector_load %arg11[%swap3A_1678, %swap3A_1679, %swap3A_1680] {strides = array<i32>} : memref<1x400x128xf32, #tpu.memory_space<vmem>>, vector<1x1x16xf32>,
        %swap3A_1682 = vector.shape_cast %swap3A_1681 : vector<1x1x16xf32> to vector<16xf32>
        %swap3A_1683 = vector.shape_cast %mul3A_1676 : vector<16xf32> to vector<1x1x16xf32>
        tpu.vector_store %arg11[%swap3A_1678, %swap3A_1679, %swap3A_1680], %swap3A_1683 {strides = array<i32>} : memref<1x400x128xf32, #tpu.memory_space<vmem>>, vector<1x1x16xf32>,
        %get3A_1684 = arith.constant 0 : i32
        %get3A_1685 = arith.index_cast %get3A_1684 : i32 to index
        %get3A_1686 = arith.index_cast %add3A_1610 : i32 to index
        %get3A_1687 = arith.constant 80 : index
        %get3A_1688 = tpu.vector_load %arg11[%get3A_1685, %get3A_1686, %get3A_1687] {strides = array<i32>} : memref<1x400x128xf32, #tpu.memory_space<vmem>>, vector<1x1x16xf32>,
        %get3A_1689 = vector.shape_cast %get3A_1688 : vector<1x1x16xf32> to vector<16xf32>
        %mul3A_1690 = arith.mulf %get3A_1689, %broadcast_in_dim3A_1613 : vector<16xf32>
        %swap3A_1691 = arith.constant 0 : i32
        %swap3A_1692 = arith.index_cast %swap3A_1691 : i32 to index
        %swap3A_1693 = arith.index_cast %add3A_1610 : i32 to index
        %swap3A_1694 = arith.constant 80 : index
        %swap3A_1695 = tpu.vector_load %arg11[%swap3A_1692, %swap3A_1693, %swap3A_1694] {strides = array<i32>} : memref<1x400x128xf32, #tpu.memory_space<vmem>>, vector<1x1x16xf32>,
        %swap3A_1696 = vector.shape_cast %swap3A_1695 : vector<1x1x16xf32> to vector<16xf32>
        %swap3A_1697 = vector.shape_cast %mul3A_1690 : vector<16xf32> to vector<1x1x16xf32>
        tpu.vector_store %arg11[%swap3A_1692, %swap3A_1693, %swap3A_1694], %swap3A_1697 {strides = array<i32>} : memref<1x400x128xf32, #tpu.memory_space<vmem>>, vector<1x1x16xf32>,
        %get3A_1698 = arith.constant 0 : i32
        %get3A_1699 = arith.index_cast %get3A_1698 : i32 to index
        %get3A_1700 = arith.index_cast %add3A_1610 : i32 to index
        %get3A_1701 = arith.constant 96 : index
        %get3A_1702 = tpu.vector_load %arg11[%get3A_1699, %get3A_1700, %get3A_1701] {strides = array<i32>} : memref<1x400x128xf32, #tpu.memory_space<vmem>>, vector<1x1x16xf32>,
        %get3A_1703 = vector.shape_cast %get3A_1702 : vector<1x1x16xf32> to vector<16xf32>
        %mul3A_1704 = arith.mulf %get3A_1703, %broadcast_in_dim3A_1613 : vector<16xf32>
        %swap3A_1705 = arith.constant 0 : i32
        %swap3A_1706 = arith.index_cast %swap3A_1705 : i32 to index
        %swap3A_1707 = arith.index_cast %add3A_1610 : i32 to index
        %swap3A_1708 = arith.constant 96 : index
        %swap3A_1709 = tpu.vector_load %arg11[%swap3A_1706, %swap3A_1707, %swap3A_1708] {strides = array<i32>} : memref<1x400x128xf32, #tpu.memory_space<vmem>>, vector<1x1x16xf32>,
        %swap3A_1710 = vector.shape_cast %swap3A_1709 : vector<1x1x16xf32> to vector<16xf32>
        %swap3A_1711 = vector.shape_cast %mul3A_1704 : vector<16xf32> to vector<1x1x16xf32>
        tpu.vector_store %arg11[%swap3A_1706, %swap3A_1707, %swap3A_1708], %swap3A_1711 {strides = array<i32>} : memref<1x400x128xf32, #tpu.memory_space<vmem>>, vector<1x1x16xf32>,
        %get3A_1712 = arith.constant 0 : i32
        %get3A_1713 = arith.index_cast %get3A_1712 : i32 to index
        %get3A_1714 = arith.index_cast %add3A_1610 : i32 to index
        %get3A_1715 = arith.constant 112 : index
        %get3A_1716 = tpu.vector_load %arg11[%get3A_1713, %get3A_1714, %get3A_1715] {strides = array<i32>} : memref<1x400x128xf32, #tpu.memory_space<vmem>>, vector<1x1x16xf32>,
        %get3A_1717 = vector.shape_cast %get3A_1716 : vector<1x1x16xf32> to vector<16xf32>
        %mul3A_1718 = arith.mulf %get3A_1717, %broadcast_in_dim3A_1613 : vector<16xf32>
        %swap3A_1719 = arith.constant 0 : i32
        %swap3A_1720 = arith.index_cast %swap3A_1719 : i32 to index
        %swap3A_1721 = arith.index_cast %add3A_1610 : i32 to index
        %swap3A_1722 = arith.constant 112 : index
        %swap3A_1723 = tpu.vector_load %arg11[%swap3A_1720, %swap3A_1721, %swap3A_1722] {strides = array<i32>} : memref<1x400x128xf32, #tpu.memory_space<vmem>>, vector<1x1x16xf32>,
        %swap3A_1724 = vector.shape_cast %swap3A_1723 : vector<1x1x16xf32> to vector<16xf32>
        %swap3A_1725 = vector.shape_cast %mul3A_1718 : vector<16xf32> to vector<1x1x16xf32>
        tpu.vector_store %arg11[%swap3A_1720, %swap3A_1721, %swap3A_1722], %swap3A_1725 {strides = array<i32>} : memref<1x400x128xf32, #tpu.memory_space<vmem>>, vector<1x1x16xf32>,
        %mul3A_1726 = arith.constant 16 : i32
        %mul3A_1727 = arith.muli %add3A_59, %mul3A_1726 : i32
        %add3A_1728 = arith.constant 14 : i32
        %add3A_1729 = arith.addi %mul3A_1727, %add3A_1728 : i32
        %slice3A_1730 = vector.extract_strided_slice %get3A_63 {offsets = [14], sizes = [1], strides = [1]} : vector<16xf32> to vector<1xf32>
        %squeeze3A_1731 = vector.extract %slice3A_1730[0] : f32 from vector<1xf32>
        %broadcast_in_dim3A_1732 = vector.broadcast %squeeze3A_1731 : f32 to vector<16xf32>
        %get3A_1733 = arith.constant 0 : i32
        %get3A_1734 = arith.index_cast %get3A_1733 : i32 to index
        %get3A_1735 = arith.index_cast %add3A_1729 : i32 to index
        %get3A_1736 = arith.constant 0 : index
        %get3A_1737 = tpu.vector_load %arg11[%get3A_1734, %get3A_1735, %get3A_1736] {strides = array<i32>} : memref<1x400x128xf32, #tpu.memory_space<vmem>>, vector<1x1x16xf32>,
        %get3A_1738 = vector.shape_cast %get3A_1737 : vector<1x1x16xf32> to vector<16xf32>
        %mul3A_1739 = arith.mulf %get3A_1738, %broadcast_in_dim3A_1732 : vector<16xf32>
        %swap3A_1740 = arith.constant 0 : i32
        %swap3A_1741 = arith.index_cast %swap3A_1740 : i32 to index
        %swap3A_1742 = arith.index_cast %add3A_1729 : i32 to index
        %swap3A_1743 = arith.constant 0 : index
        %swap3A_1744 = tpu.vector_load %arg11[%swap3A_1741, %swap3A_1742, %swap3A_1743] {strides = array<i32>} : memref<1x400x128xf32, #tpu.memory_space<vmem>>, vector<1x1x16xf32>,
        %swap3A_1745 = vector.shape_cast %swap3A_1744 : vector<1x1x16xf32> to vector<16xf32>
        %swap3A_1746 = vector.shape_cast %mul3A_1739 : vector<16xf32> to vector<1x1x16xf32>
        tpu.vector_store %arg11[%swap3A_1741, %swap3A_1742, %swap3A_1743], %swap3A_1746 {strides = array<i32>} : memref<1x400x128xf32, #tpu.memory_space<vmem>>, vector<1x1x16xf32>,
        %get3A_1747 = arith.constant 0 : i32
        %get3A_1748 = arith.index_cast %get3A_1747 : i32 to index
        %get3A_1749 = arith.index_cast %add3A_1729 : i32 to index
        %get3A_1750 = arith.constant 16 : index
        %get3A_1751 = tpu.vector_load %arg11[%get3A_1748, %get3A_1749, %get3A_1750] {strides = array<i32>} : memref<1x400x128xf32, #tpu.memory_space<vmem>>, vector<1x1x16xf32>,
        %get3A_1752 = vector.shape_cast %get3A_1751 : vector<1x1x16xf32> to vector<16xf32>
        %mul3A_1753 = arith.mulf %get3A_1752, %broadcast_in_dim3A_1732 : vector<16xf32>
        %swap3A_1754 = arith.constant 0 : i32
        %swap3A_1755 = arith.index_cast %swap3A_1754 : i32 to index
        %swap3A_1756 = arith.index_cast %add3A_1729 : i32 to index
        %swap3A_1757 = arith.constant 16 : index
        %swap3A_1758 = tpu.vector_load %arg11[%swap3A_1755, %swap3A_1756, %swap3A_1757] {strides = array<i32>} : memref<1x400x128xf32, #tpu.memory_space<vmem>>, vector<1x1x16xf32>,
        %swap3A_1759 = vector.shape_cast %swap3A_1758 : vector<1x1x16xf32> to vector<16xf32>
        %swap3A_1760 = vector.shape_cast %mul3A_1753 : vector<16xf32> to vector<1x1x16xf32>
        tpu.vector_store %arg11[%swap3A_1755, %swap3A_1756, %swap3A_1757], %swap3A_1760 {strides = array<i32>} : memref<1x400x128xf32, #tpu.memory_space<vmem>>, vector<1x1x16xf32>,
        %get3A_1761 = arith.constant 0 : i32
        %get3A_1762 = arith.index_cast %get3A_1761 : i32 to index
        %get3A_1763 = arith.index_cast %add3A_1729 : i32 to index
        %get3A_1764 = arith.constant 32 : index
        %get3A_1765 = tpu.vector_load %arg11[%get3A_1762, %get3A_1763, %get3A_1764] {strides = array<i32>} : memref<1x400x128xf32, #tpu.memory_space<vmem>>, vector<1x1x16xf32>,
        %get3A_1766 = vector.shape_cast %get3A_1765 : vector<1x1x16xf32> to vector<16xf32>
        %mul3A_1767 = arith.mulf %get3A_1766, %broadcast_in_dim3A_1732 : vector<16xf32>
        %swap3A_1768 = arith.constant 0 : i32
        %swap3A_1769 = arith.index_cast %swap3A_1768 : i32 to index
        %swap3A_1770 = arith.index_cast %add3A_1729 : i32 to index
        %swap3A_1771 = arith.constant 32 : index
        %swap3A_1772 = tpu.vector_load %arg11[%swap3A_1769, %swap3A_1770, %swap3A_1771] {strides = array<i32>} : memref<1x400x128xf32, #tpu.memory_space<vmem>>, vector<1x1x16xf32>,
        %swap3A_1773 = vector.shape_cast %swap3A_1772 : vector<1x1x16xf32> to vector<16xf32>
        %swap3A_1774 = vector.shape_cast %mul3A_1767 : vector<16xf32> to vector<1x1x16xf32>
        tpu.vector_store %arg11[%swap3A_1769, %swap3A_1770, %swap3A_1771], %swap3A_1774 {strides = array<i32>} : memref<1x400x128xf32, #tpu.memory_space<vmem>>, vector<1x1x16xf32>,
        %get3A_1775 = arith.constant 0 : i32
        %get3A_1776 = arith.index_cast %get3A_1775 : i32 to index
        %get3A_1777 = arith.index_cast %add3A_1729 : i32 to index
        %get3A_1778 = arith.constant 48 : index
        %get3A_1779 = tpu.vector_load %arg11[%get3A_1776, %get3A_1777, %get3A_1778] {strides = array<i32>} : memref<1x400x128xf32, #tpu.memory_space<vmem>>, vector<1x1x16xf32>,
        %get3A_1780 = vector.shape_cast %get3A_1779 : vector<1x1x16xf32> to vector<16xf32>
        %mul3A_1781 = arith.mulf %get3A_1780, %broadcast_in_dim3A_1732 : vector<16xf32>
        %swap3A_1782 = arith.constant 0 : i32
        %swap3A_1783 = arith.index_cast %swap3A_1782 : i32 to index
        %swap3A_1784 = arith.index_cast %add3A_1729 : i32 to index
        %swap3A_1785 = arith.constant 48 : index
        %swap3A_1786 = tpu.vector_load %arg11[%swap3A_1783, %swap3A_1784, %swap3A_1785] {strides = array<i32>} : memref<1x400x128xf32, #tpu.memory_space<vmem>>, vector<1x1x16xf32>,
        %swap3A_1787 = vector.shape_cast %swap3A_1786 : vector<1x1x16xf32> to vector<16xf32>
        %swap3A_1788 = vector.shape_cast %mul3A_1781 : vector<16xf32> to vector<1x1x16xf32>
        tpu.vector_store %arg11[%swap3A_1783, %swap3A_1784, %swap3A_1785], %swap3A_1788 {strides = array<i32>} : memref<1x400x128xf32, #tpu.memory_space<vmem>>, vector<1x1x16xf32>,
        %get3A_1789 = arith.constant 0 : i32
        %get3A_1790 = arith.index_cast %get3A_1789 : i32 to index
        %get3A_1791 = arith.index_cast %add3A_1729 : i32 to index
        %get3A_1792 = arith.constant 64 : index
        %get3A_1793 = tpu.vector_load %arg11[%get3A_1790, %get3A_1791, %get3A_1792] {strides = array<i32>} : memref<1x400x128xf32, #tpu.memory_space<vmem>>, vector<1x1x16xf32>,
        %get3A_1794 = vector.shape_cast %get3A_1793 : vector<1x1x16xf32> to vector<16xf32>
        %mul3A_1795 = arith.mulf %get3A_1794, %broadcast_in_dim3A_1732 : vector<16xf32>
        %swap3A_1796 = arith.constant 0 : i32
        %swap3A_1797 = arith.index_cast %swap3A_1796 : i32 to index
        %swap3A_1798 = arith.index_cast %add3A_1729 : i32 to index
        %swap3A_1799 = arith.constant 64 : index
        %swap3A_1800 = tpu.vector_load %arg11[%swap3A_1797, %swap3A_1798, %swap3A_1799] {strides = array<i32>} : memref<1x400x128xf32, #tpu.memory_space<vmem>>, vector<1x1x16xf32>,
        %swap3A_1801 = vector.shape_cast %swap3A_1800 : vector<1x1x16xf32> to vector<16xf32>
        %swap3A_1802 = vector.shape_cast %mul3A_1795 : vector<16xf32> to vector<1x1x16xf32>
        tpu.vector_store %arg11[%swap3A_1797, %swap3A_1798, %swap3A_1799], %swap3A_1802 {strides = array<i32>} : memref<1x400x128xf32, #tpu.memory_space<vmem>>, vector<1x1x16xf32>,
        %get3A_1803 = arith.constant 0 : i32
        %get3A_1804 = arith.index_cast %get3A_1803 : i32 to index
        %get3A_1805 = arith.index_cast %add3A_1729 : i32 to index
        %get3A_1806 = arith.constant 80 : index
        %get3A_1807 = tpu.vector_load %arg11[%get3A_1804, %get3A_1805, %get3A_1806] {strides = array<i32>} : memref<1x400x128xf32, #tpu.memory_space<vmem>>, vector<1x1x16xf32>,
        %get3A_1808 = vector.shape_cast %get3A_1807 : vector<1x1x16xf32> to vector<16xf32>
        %mul3A_1809 = arith.mulf %get3A_1808, %broadcast_in_dim3A_1732 : vector<16xf32>
        %swap3A_1810 = arith.constant 0 : i32
        %swap3A_1811 = arith.index_cast %swap3A_1810 : i32 to index
        %swap3A_1812 = arith.index_cast %add3A_1729 : i32 to index
        %swap3A_1813 = arith.constant 80 : index
        %swap3A_1814 = tpu.vector_load %arg11[%swap3A_1811, %swap3A_1812, %swap3A_1813] {strides = array<i32>} : memref<1x400x128xf32, #tpu.memory_space<vmem>>, vector<1x1x16xf32>,
        %swap3A_1815 = vector.shape_cast %swap3A_1814 : vector<1x1x16xf32> to vector<16xf32>
        %swap3A_1816 = vector.shape_cast %mul3A_1809 : vector<16xf32> to vector<1x1x16xf32>
        tpu.vector_store %arg11[%swap3A_1811, %swap3A_1812, %swap3A_1813], %swap3A_1816 {strides = array<i32>} : memref<1x400x128xf32, #tpu.memory_space<vmem>>, vector<1x1x16xf32>,
        %get3A_1817 = arith.constant 0 : i32
        %get3A_1818 = arith.index_cast %get3A_1817 : i32 to index
        %get3A_1819 = arith.index_cast %add3A_1729 : i32 to index
        %get3A_1820 = arith.constant 96 : index
        %get3A_1821 = tpu.vector_load %arg11[%get3A_1818, %get3A_1819, %get3A_1820] {strides = array<i32>} : memref<1x400x128xf32, #tpu.memory_space<vmem>>, vector<1x1x16xf32>,
        %get3A_1822 = vector.shape_cast %get3A_1821 : vector<1x1x16xf32> to vector<16xf32>
        %mul3A_1823 = arith.mulf %get3A_1822, %broadcast_in_dim3A_1732 : vector<16xf32>
        %swap3A_1824 = arith.constant 0 : i32
        %swap3A_1825 = arith.index_cast %swap3A_1824 : i32 to index
        %swap3A_1826 = arith.index_cast %add3A_1729 : i32 to index
        %swap3A_1827 = arith.constant 96 : index
        %swap3A_1828 = tpu.vector_load %arg11[%swap3A_1825, %swap3A_1826, %swap3A_1827] {strides = array<i32>} : memref<1x400x128xf32, #tpu.memory_space<vmem>>, vector<1x1x16xf32>,
        %swap3A_1829 = vector.shape_cast %swap3A_1828 : vector<1x1x16xf32> to vector<16xf32>
        %swap3A_1830 = vector.shape_cast %mul3A_1823 : vector<16xf32> to vector<1x1x16xf32>
        tpu.vector_store %arg11[%swap3A_1825, %swap3A_1826, %swap3A_1827], %swap3A_1830 {strides = array<i32>} : memref<1x400x128xf32, #tpu.memory_space<vmem>>, vector<1x1x16xf32>,
        %get3A_1831 = arith.constant 0 : i32
        %get3A_1832 = arith.index_cast %get3A_1831 : i32 to index
        %get3A_1833 = arith.index_cast %add3A_1729 : i32 to index
        %get3A_1834 = arith.constant 112 : index
        %get3A_1835 = tpu.vector_load %arg11[%get3A_1832, %get3A_1833, %get3A_1834] {strides = array<i32>} : memref<1x400x128xf32, #tpu.memory_space<vmem>>, vector<1x1x16xf32>,
        %get3A_1836 = vector.shape_cast %get3A_1835 : vector<1x1x16xf32> to vector<16xf32>
        %mul3A_1837 = arith.mulf %get3A_1836, %broadcast_in_dim3A_1732 : vector<16xf32>
        %swap3A_1838 = arith.constant 0 : i32
        %swap3A_1839 = arith.index_cast %swap3A_1838 : i32 to index
        %swap3A_1840 = arith.index_cast %add3A_1729 : i32 to index
        %swap3A_1841 = arith.constant 112 : index
        %swap3A_1842 = tpu.vector_load %arg11[%swap3A_1839, %swap3A_1840, %swap3A_1841] {strides = array<i32>} : memref<1x400x128xf32, #tpu.memory_space<vmem>>, vector<1x1x16xf32>,
        %swap3A_1843 = vector.shape_cast %swap3A_1842 : vector<1x1x16xf32> to vector<16xf32>
        %swap3A_1844 = vector.shape_cast %mul3A_1837 : vector<16xf32> to vector<1x1x16xf32>
        tpu.vector_store %arg11[%swap3A_1839, %swap3A_1840, %swap3A_1841], %swap3A_1844 {strides = array<i32>} : memref<1x400x128xf32, #tpu.memory_space<vmem>>, vector<1x1x16xf32>,
        %mul3A_1845 = arith.constant 16 : i32
        %mul3A_1846 = arith.muli %add3A_59, %mul3A_1845 : i32
        %add3A_1847 = arith.constant 15 : i32
        %add3A_1848 = arith.addi %mul3A_1846, %add3A_1847 : i32
        %slice3A_1849 = vector.extract_strided_slice %get3A_63 {offsets = [15], sizes = [1], strides = [1]} : vector<16xf32> to vector<1xf32>
        %squeeze3A_1850 = vector.extract %slice3A_1849[0] : f32 from vector<1xf32>
        %broadcast_in_dim3A_1851 = vector.broadcast %squeeze3A_1850 : f32 to vector<16xf32>
        %get3A_1852 = arith.constant 0 : i32
        %get3A_1853 = arith.index_cast %get3A_1852 : i32 to index
        %get3A_1854 = arith.index_cast %add3A_1848 : i32 to index
        %get3A_1855 = arith.constant 0 : index
        %get3A_1856 = tpu.vector_load %arg11[%get3A_1853, %get3A_1854, %get3A_1855] {strides = array<i32>} : memref<1x400x128xf32, #tpu.memory_space<vmem>>, vector<1x1x16xf32>,
        %get3A_1857 = vector.shape_cast %get3A_1856 : vector<1x1x16xf32> to vector<16xf32>
        %mul3A_1858 = arith.mulf %get3A_1857, %broadcast_in_dim3A_1851 : vector<16xf32>
        %swap3A_1859 = arith.constant 0 : i32
        %swap3A_1860 = arith.index_cast %swap3A_1859 : i32 to index
        %swap3A_1861 = arith.index_cast %add3A_1848 : i32 to index
        %swap3A_1862 = arith.constant 0 : index
        %swap3A_1863 = tpu.vector_load %arg11[%swap3A_1860, %swap3A_1861, %swap3A_1862] {strides = array<i32>} : memref<1x400x128xf32, #tpu.memory_space<vmem>>, vector<1x1x16xf32>,
        %swap3A_1864 = vector.shape_cast %swap3A_1863 : vector<1x1x16xf32> to vector<16xf32>
        %swap3A_1865 = vector.shape_cast %mul3A_1858 : vector<16xf32> to vector<1x1x16xf32>
        tpu.vector_store %arg11[%swap3A_1860, %swap3A_1861, %swap3A_1862], %swap3A_1865 {strides = array<i32>} : memref<1x400x128xf32, #tpu.memory_space<vmem>>, vector<1x1x16xf32>,
        %get3A_1866 = arith.constant 0 : i32
        %get3A_1867 = arith.index_cast %get3A_1866 : i32 to index
        %get3A_1868 = arith.index_cast %add3A_1848 : i32 to index
        %get3A_1869 = arith.constant 16 : index
        %get3A_1870 = tpu.vector_load %arg11[%get3A_1867, %get3A_1868, %get3A_1869] {strides = array<i32>} : memref<1x400x128xf32, #tpu.memory_space<vmem>>, vector<1x1x16xf32>,
        %get3A_1871 = vector.shape_cast %get3A_1870 : vector<1x1x16xf32> to vector<16xf32>
        %mul3A_1872 = arith.mulf %get3A_1871, %broadcast_in_dim3A_1851 : vector<16xf32>
        %swap3A_1873 = arith.constant 0 : i32
        %swap3A_1874 = arith.index_cast %swap3A_1873 : i32 to index
        %swap3A_1875 = arith.index_cast %add3A_1848 : i32 to index
        %swap3A_1876 = arith.constant 16 : index
        %swap3A_1877 = tpu.vector_load %arg11[%swap3A_1874, %swap3A_1875, %swap3A_1876] {strides = array<i32>} : memref<1x400x128xf32, #tpu.memory_space<vmem>>, vector<1x1x16xf32>,
        %swap3A_1878 = vector.shape_cast %swap3A_1877 : vector<1x1x16xf32> to vector<16xf32>
        %swap3A_1879 = vector.shape_cast %mul3A_1872 : vector<16xf32> to vector<1x1x16xf32>
        tpu.vector_store %arg11[%swap3A_1874, %swap3A_1875, %swap3A_1876], %swap3A_1879 {strides = array<i32>} : memref<1x400x128xf32, #tpu.memory_space<vmem>>, vector<1x1x16xf32>,
        %get3A_1880 = arith.constant 0 : i32
        %get3A_1881 = arith.index_cast %get3A_1880 : i32 to index
        %get3A_1882 = arith.index_cast %add3A_1848 : i32 to index
        %get3A_1883 = arith.constant 32 : index
        %get3A_1884 = tpu.vector_load %arg11[%get3A_1881, %get3A_1882, %get3A_1883] {strides = array<i32>} : memref<1x400x128xf32, #tpu.memory_space<vmem>>, vector<1x1x16xf32>,
        %get3A_1885 = vector.shape_cast %get3A_1884 : vector<1x1x16xf32> to vector<16xf32>
        %mul3A_1886 = arith.mulf %get3A_1885, %broadcast_in_dim3A_1851 : vector<16xf32>
        %swap3A_1887 = arith.constant 0 : i32
        %swap3A_1888 = arith.index_cast %swap3A_1887 : i32 to index
        %swap3A_1889 = arith.index_cast %add3A_1848 : i32 to index
        %swap3A_1890 = arith.constant 32 : index
        %swap3A_1891 = tpu.vector_load %arg11[%swap3A_1888, %swap3A_1889, %swap3A_1890] {strides = array<i32>} : memref<1x400x128xf32, #tpu.memory_space<vmem>>, vector<1x1x16xf32>,
        %swap3A_1892 = vector.shape_cast %swap3A_1891 : vector<1x1x16xf32> to vector<16xf32>
        %swap3A_1893 = vector.shape_cast %mul3A_1886 : vector<16xf32> to vector<1x1x16xf32>
        tpu.vector_store %arg11[%swap3A_1888, %swap3A_1889, %swap3A_1890], %swap3A_1893 {strides = array<i32>} : memref<1x400x128xf32, #tpu.memory_space<vmem>>, vector<1x1x16xf32>,
        %get3A_1894 = arith.constant 0 : i32
        %get3A_1895 = arith.index_cast %get3A_1894 : i32 to index
        %get3A_1896 = arith.index_cast %add3A_1848 : i32 to index
        %get3A_1897 = arith.constant 48 : index
        %get3A_1898 = tpu.vector_load %arg11[%get3A_1895, %get3A_1896, %get3A_1897] {strides = array<i32>} : memref<1x400x128xf32, #tpu.memory_space<vmem>>, vector<1x1x16xf32>,
        %get3A_1899 = vector.shape_cast %get3A_1898 : vector<1x1x16xf32> to vector<16xf32>
        %mul3A_1900 = arith.mulf %get3A_1899, %broadcast_in_dim3A_1851 : vector<16xf32>
        %swap3A_1901 = arith.constant 0 : i32
        %swap3A_1902 = arith.index_cast %swap3A_1901 : i32 to index
        %swap3A_1903 = arith.index_cast %add3A_1848 : i32 to index
        %swap3A_1904 = arith.constant 48 : index
        %swap3A_1905 = tpu.vector_load %arg11[%swap3A_1902, %swap3A_1903, %swap3A_1904] {strides = array<i32>} : memref<1x400x128xf32, #tpu.memory_space<vmem>>, vector<1x1x16xf32>,
        %swap3A_1906 = vector.shape_cast %swap3A_1905 : vector<1x1x16xf32> to vector<16xf32>
        %swap3A_1907 = vector.shape_cast %mul3A_1900 : vector<16xf32> to vector<1x1x16xf32>
        tpu.vector_store %arg11[%swap3A_1902, %swap3A_1903, %swap3A_1904], %swap3A_1907 {strides = array<i32>} : memref<1x400x128xf32, #tpu.memory_space<vmem>>, vector<1x1x16xf32>,
        %get3A_1908 = arith.constant 0 : i32
        %get3A_1909 = arith.index_cast %get3A_1908 : i32 to index
        %get3A_1910 = arith.index_cast %add3A_1848 : i32 to index
        %get3A_1911 = arith.constant 64 : index
        %get3A_1912 = tpu.vector_load %arg11[%get3A_1909, %get3A_1910, %get3A_1911] {strides = array<i32>} : memref<1x400x128xf32, #tpu.memory_space<vmem>>, vector<1x1x16xf32>,
        %get3A_1913 = vector.shape_cast %get3A_1912 : vector<1x1x16xf32> to vector<16xf32>
        %mul3A_1914 = arith.mulf %get3A_1913, %broadcast_in_dim3A_1851 : vector<16xf32>
        %swap3A_1915 = arith.constant 0 : i32
        %swap3A_1916 = arith.index_cast %swap3A_1915 : i32 to index
        %swap3A_1917 = arith.index_cast %add3A_1848 : i32 to index
        %swap3A_1918 = arith.constant 64 : index
        %swap3A_1919 = tpu.vector_load %arg11[%swap3A_1916, %swap3A_1917, %swap3A_1918] {strides = array<i32>} : memref<1x400x128xf32, #tpu.memory_space<vmem>>, vector<1x1x16xf32>,
        %swap3A_1920 = vector.shape_cast %swap3A_1919 : vector<1x1x16xf32> to vector<16xf32>
        %swap3A_1921 = vector.shape_cast %mul3A_1914 : vector<16xf32> to vector<1x1x16xf32>
        tpu.vector_store %arg11[%swap3A_1916, %swap3A_1917, %swap3A_1918], %swap3A_1921 {strides = array<i32>} : memref<1x400x128xf32, #tpu.memory_space<vmem>>, vector<1x1x16xf32>,
        %get3A_1922 = arith.constant 0 : i32
        %get3A_1923 = arith.index_cast %get3A_1922 : i32 to index
        %get3A_1924 = arith.index_cast %add3A_1848 : i32 to index
        %get3A_1925 = arith.constant 80 : index
        %get3A_1926 = tpu.vector_load %arg11[%get3A_1923, %get3A_1924, %get3A_1925] {strides = array<i32>} : memref<1x400x128xf32, #tpu.memory_space<vmem>>, vector<1x1x16xf32>,
        %get3A_1927 = vector.shape_cast %get3A_1926 : vector<1x1x16xf32> to vector<16xf32>
        %mul3A_1928 = arith.mulf %get3A_1927, %broadcast_in_dim3A_1851 : vector<16xf32>
        %swap3A_1929 = arith.constant 0 : i32
        %swap3A_1930 = arith.index_cast %swap3A_1929 : i32 to index
        %swap3A_1931 = arith.index_cast %add3A_1848 : i32 to index
        %swap3A_1932 = arith.constant 80 : index
        %swap3A_1933 = tpu.vector_load %arg11[%swap3A_1930, %swap3A_1931, %swap3A_1932] {strides = array<i32>} : memref<1x400x128xf32, #tpu.memory_space<vmem>>, vector<1x1x16xf32>,
        %swap3A_1934 = vector.shape_cast %swap3A_1933 : vector<1x1x16xf32> to vector<16xf32>
        %swap3A_1935 = vector.shape_cast %mul3A_1928 : vector<16xf32> to vector<1x1x16xf32>
        tpu.vector_store %arg11[%swap3A_1930, %swap3A_1931, %swap3A_1932], %swap3A_1935 {strides = array<i32>} : memref<1x400x128xf32, #tpu.memory_space<vmem>>, vector<1x1x16xf32>,
        %get3A_1936 = arith.constant 0 : i32
        %get3A_1937 = arith.index_cast %get3A_1936 : i32 to index
        %get3A_1938 = arith.index_cast %add3A_1848 : i32 to index
        %get3A_1939 = arith.constant 96 : index
        %get3A_1940 = tpu.vector_load %arg11[%get3A_1937, %get3A_1938, %get3A_1939] {strides = array<i32>} : memref<1x400x128xf32, #tpu.memory_space<vmem>>, vector<1x1x16xf32>,
        %get3A_1941 = vector.shape_cast %get3A_1940 : vector<1x1x16xf32> to vector<16xf32>
        %mul3A_1942 = arith.mulf %get3A_1941, %broadcast_in_dim3A_1851 : vector<16xf32>
        %swap3A_1943 = arith.constant 0 : i32
        %swap3A_1944 = arith.index_cast %swap3A_1943 : i32 to index
        %swap3A_1945 = arith.index_cast %add3A_1848 : i32 to index
        %swap3A_1946 = arith.constant 96 : index
        %swap3A_1947 = tpu.vector_load %arg11[%swap3A_1944, %swap3A_1945, %swap3A_1946] {strides = array<i32>} : memref<1x400x128xf32, #tpu.memory_space<vmem>>, vector<1x1x16xf32>,
        %swap3A_1948 = vector.shape_cast %swap3A_1947 : vector<1x1x16xf32> to vector<16xf32>
        %swap3A_1949 = vector.shape_cast %mul3A_1942 : vector<16xf32> to vector<1x1x16xf32>
        tpu.vector_store %arg11[%swap3A_1944, %swap3A_1945, %swap3A_1946], %swap3A_1949 {strides = array<i32>} : memref<1x400x128xf32, #tpu.memory_space<vmem>>, vector<1x1x16xf32>,
        %get3A_1950 = arith.constant 0 : i32
        %get3A_1951 = arith.index_cast %get3A_1950 : i32 to index
        %get3A_1952 = arith.index_cast %add3A_1848 : i32 to index
        %get3A_1953 = arith.constant 112 : index
        %get3A_1954 = tpu.vector_load %arg11[%get3A_1951, %get3A_1952, %get3A_1953] {strides = array<i32>} : memref<1x400x128xf32, #tpu.memory_space<vmem>>, vector<1x1x16xf32>,
        %get3A_1955 = vector.shape_cast %get3A_1954 : vector<1x1x16xf32> to vector<16xf32>
        %mul3A_1956 = arith.mulf %get3A_1955, %broadcast_in_dim3A_1851 : vector<16xf32>
        %swap3A_1957 = arith.constant 0 : i32
        %swap3A_1958 = arith.index_cast %swap3A_1957 : i32 to index
        %swap3A_1959 = arith.index_cast %add3A_1848 : i32 to index
        %swap3A_1960 = arith.constant 112 : index
        %swap3A_1961 = tpu.vector_load %arg11[%swap3A_1958, %swap3A_1959, %swap3A_1960] {strides = array<i32>} : memref<1x400x128xf32, #tpu.memory_space<vmem>>, vector<1x1x16xf32>,
        %swap3A_1962 = vector.shape_cast %swap3A_1961 : vector<1x1x16xf32> to vector<16xf32>
        %swap3A_1963 = vector.shape_cast %mul3A_1956 : vector<16xf32> to vector<1x1x16xf32>
        tpu.vector_store %arg11[%swap3A_1958, %swap3A_1959, %swap3A_1960], %swap3A_1963 {strides = array<i32>} : memref<1x400x128xf32, #tpu.memory_space<vmem>>, vector<1x1x16xf32>,
      }
      %scan3A_53 = arith.constant 25 : i32
      %run_scoped3A_54 = arith.constant 0 : i32
      "tpu.region"() ({
        %run_scoped3A_55 = tpu.sem_alloc : memref<!tpu.dma_semaphore, #tpu.memory_space<semaphore_mem>>
        %dma_start3A_56 = arith.constant 0 : i32
        %dma_start3A_57 = arith.constant 0 : i32
        %dma_start3A_58 = tpu.memref_slice %arg11[%run_scoped3A_54, %dma_start3A_56, %dma_start3A_57] : memref<1x400x128xf32, #tpu.memory_space<vmem>> -> memref<1x400x128xf32, #tpu.memory_space<vmem>>
        %dma_start3A_59 = tpu.memref_squeeze %dma_start3A_58 : memref<1x400x128xf32, #tpu.memory_space<vmem>> -> memref<400x128xf32, #tpu.memory_space<vmem>>
        %dma_start3A_60 = arith.constant 0 : i32
        %dma_start3A_61 = arith.constant 0 : i32
        %dma_start3A_62 = tpu.memref_slice %arg12[%dma_start3A_60, %dma_start3A_61] : memref<5008x128xf32, #tpu.memory_space<vmem_shared>> -> memref<5008x128xf32, #tpu.memory_space<vmem_shared>>
        tpu.enqueue_indirect_dma source(%dma_start3A_59 : memref<400x128xf32, #tpu.memory_space<vmem>>) target(%dma_start3A_62 : memref<5008x128xf32, #tpu.memory_space<vmem_shared>>) offsets(%arg10 : memref<400xi32, #tpu.memory_space<vmem>>) semaphore(%run_scoped3A_55 : memref<!tpu.dma_semaphore, #tpu.memory_space<semaphore_mem>>) {add = true}
        %dma_wait3A_63 = arith.constant 0 : i32
        %dma_wait3A_64 = arith.constant 0 : i32
        %dma_wait3A_65 = tpu.memref_slice %arg11[%run_scoped3A_54, %dma_wait3A_63, %dma_wait3A_64] : memref<1x400x128xf32, #tpu.memory_space<vmem>> -> memref<1x400x128xf32, #tpu.memory_space<vmem>>
        %dma_wait3A_66 = tpu.memref_squeeze %dma_wait3A_65 : memref<1x400x128xf32, #tpu.memory_space<vmem>> -> memref<400x128xf32, #tpu.memory_space<vmem>>
        %dma_wait3A_67 = arith.constant 0 : i32
        %dma_wait3A_68 = arith.constant 0 : i32
        %dma_wait3A_69 = tpu.memref_slice %arg12[%dma_wait3A_67, %dma_wait3A_68] : memref<5008x128xf32, #tpu.memory_space<vmem_shared>> -> memref<5008x128xf32, #tpu.memory_space<vmem_shared>>
        tpu.wait_indirect_dma semaphore(%run_scoped3A_55 : memref<!tpu.dma_semaphore, #tpu.memory_space<semaphore_mem>>) src(%dma_wait3A_66 : memref<400x128xf32, #tpu.memory_space<vmem>>) dst(%dma_wait3A_69 : memref<5008x128xf32, #tpu.memory_space<vmem_shared>>)
        tpu.yield
      }) : () -> ()
    }
    %scan3A_15 = arith.constant 100 : i32
    %barrier3A_16 = arith.constant 0 : index
    tpu.barrier barrier_id(%barrier3A_16)
    %lt3A = arith.constant 15 : i32
    %lt3A_17 = arith.cmpi slt, %arg1, %lt3A : i32
    %convert_element_type3A = arith.extui %lt3A_17 : i1 to i32
    %cond3A = arith.constant 0 : i32
    %cond3A_18 = arith.cmpi ne, %convert_element_type3A, %cond3A : i32
    scf.if %cond3A_18 {
      %mul3A_23 = arith.constant 312 : i32
      %mul3A_24 = arith.muli %arg1, %mul3A_23 : i32
      %mul3A_25 = arith.constant 312 : i32
      %mul3A_26 = arith.muli %arg1, %mul3A_25 : i32
      "tpu.region"() ({
        %run_scoped3A_27 = tpu.sem_alloc : memref<!tpu.dma_semaphore, #tpu.memory_space<semaphore_mem>>
        %dma_start3A = arith.constant 0 : i32
        %dma_start3A_28 = tpu.memref_slice %arg6[%arg0, %mul3A_26, %dma_start3A] : memref<2x5000x128xf32, #tpu.memory_space<hbm>> -> memref<1x312x128xf32, #tpu.memory_space<hbm>>
        %dma_start3A_29 = tpu.memref_squeeze %dma_start3A_28 : memref<1x312x128xf32, #tpu.memory_space<hbm>> -> memref<312x128xf32, #tpu.memory_space<hbm>>
        %dma_start3A_30 = arith.constant 0 : i32
        %dma_start3A_31 = tpu.memref_slice %arg12[%mul3A_24, %dma_start3A_30] : memref<5008x128xf32, #tpu.memory_space<vmem_shared>> -> memref<312x128xf32, #tpu.memory_space<vmem_shared>>
        tpu.enqueue_dma source(%dma_start3A_31 : memref<312x128xf32, #tpu.memory_space<vmem_shared>>) target(%dma_start3A_29 : memref<312x128xf32, #tpu.memory_space<hbm>>) target_semaphore(%run_scoped3A_27 : memref<!tpu.dma_semaphore, #tpu.memory_space<semaphore_mem>>)
        %dma_wait3A = arith.constant 0 : i32
        %dma_wait3A_32 = tpu.memref_slice %arg6[%arg0, %mul3A_26, %dma_wait3A] : memref<2x5000x128xf32, #tpu.memory_space<hbm>> -> memref<1x312x128xf32, #tpu.memory_space<hbm>>
        %dma_wait3A_33 = tpu.memref_squeeze %dma_wait3A_32 : memref<1x312x128xf32, #tpu.memory_space<hbm>> -> memref<312x128xf32, #tpu.memory_space<hbm>>
        %dma_wait3A_34 = arith.constant 0 : i32
        %dma_wait3A_35 = tpu.memref_slice %arg12[%mul3A_24, %dma_wait3A_34] : memref<5008x128xf32, #tpu.memory_space<vmem_shared>> -> memref<312x128xf32, #tpu.memory_space<vmem_shared>>
        tpu.wait_dma2 semaphore(%run_scoped3A_27 : memref<!tpu.dma_semaphore, #tpu.memory_space<semaphore_mem>>) src(%dma_wait3A_35 : memref<312x128xf32, #tpu.memory_space<vmem_shared>>) dst(%dma_wait3A_33 : memref<312x128xf32, #tpu.memory_space<hbm>>)
        tpu.yield
      }) : () -> ()
    } else {
    }
    %eq3A = arith.constant 15 : i32
    %eq3A_19 = arith.cmpi eq, %arg1, %eq3A : i32
    %convert_element_type3A_20 = arith.extui %eq3A_19 : i1 to i32
    %cond3A_21 = arith.constant 0 : i32
    %cond3A_22 = arith.cmpi ne, %convert_element_type3A_20, %cond3A_21 : i32
    scf.if %cond3A_22 {
      "tpu.region"() ({
        %run_scoped3A_23 = tpu.sem_alloc : memref<!tpu.dma_semaphore, #tpu.memory_space<semaphore_mem>>
        %dma_start3A = arith.constant 4680 : i32
        %dma_start3A_24 = arith.constant 0 : i32
        %dma_start3A_25 = tpu.memref_slice %arg6[%arg0, %dma_start3A, %dma_start3A_24] : memref<2x5000x128xf32, #tpu.memory_space<hbm>> -> memref<1x320x128xf32, #tpu.memory_space<hbm>>
        %dma_start3A_26 = tpu.memref_squeeze %dma_start3A_25 : memref<1x320x128xf32, #tpu.memory_space<hbm>> -> memref<320x128xf32, #tpu.memory_space<hbm>>
        %dma_start3A_27 = arith.constant 4680 : i32
        %dma_start3A_28 = arith.constant 0 : i32
        %dma_start3A_29 = tpu.memref_slice %arg12[%dma_start3A_27, %dma_start3A_28] : memref<5008x128xf32, #tpu.memory_space<vmem_shared>> -> memref<320x128xf32, #tpu.memory_space<vmem_shared>>
        tpu.enqueue_dma source(%dma_start3A_29 : memref<320x128xf32, #tpu.memory_space<vmem_shared>>) target(%dma_start3A_26 : memref<320x128xf32, #tpu.memory_space<hbm>>) target_semaphore(%run_scoped3A_23 : memref<!tpu.dma_semaphore, #tpu.memory_space<semaphore_mem>>)
        %dma_wait3A = arith.constant 4680 : i32
        %dma_wait3A_30 = arith.constant 0 : i32
        %dma_wait3A_31 = tpu.memref_slice %arg6[%arg0, %dma_wait3A, %dma_wait3A_30] : memref<2x5000x128xf32, #tpu.memory_space<hbm>> -> memref<1x320x128xf32, #tpu.memory_space<hbm>>
        %dma_wait3A_32 = tpu.memref_squeeze %dma_wait3A_31 : memref<1x320x128xf32, #tpu.memory_space<hbm>> -> memref<320x128xf32, #tpu.memory_space<hbm>>
        %dma_wait3A_33 = arith.constant 4680 : i32
        %dma_wait3A_34 = arith.constant 0 : i32
        %dma_wait3A_35 = tpu.memref_slice %arg12[%dma_wait3A_33, %dma_wait3A_34] : memref<5008x128xf32, #tpu.memory_space<vmem_shared>> -> memref<320x128xf32, #tpu.memory_space<vmem_shared>>
        tpu.wait_dma2 semaphore(%run_scoped3A_23 : memref<!tpu.dma_semaphore, #tpu.memory_space<semaphore_mem>>) src(%dma_wait3A_35 : memref<320x128xf32, #tpu.memory_space<vmem_shared>>) dst(%dma_wait3A_32 : memref<320x128xf32, #tpu.memory_space<hbm>>)
        tpu.yield
      }) : () -> ()
    } else {
    }
    return
  }
}

module attributes {stable_mosaic.version = 14 : i64} {
  func.func @_mm_body(%arg0: i32, %arg1: memref<1000x128xf32, #tpu.memory_space<vmem>>, %arg2: memref<2x128x128xf32, #tpu.memory_space<vmem>>, %arg3: memref<2x1000x128xf32, #tpu.memory_space<vmem>>) attributes {dimension_semantics = [#tpu.dimension_semantics<arbitrary>], iteration_bounds = array<i64: 10>, scalar_prefetch = 0 : i64, scratch_operands = 0 : i64, tpu.core_type = #tpu.core_type<tc>, window_params = [{transform_indices = @transform_0, window_bounds = array<i64: 1000, 128>}, {pipeline_mode = #tpu.pipeline_mode<synchronous>, transform_indices = @transform_1, window_bounds = array<i64: 2, 128, 128>}, {transform_indices = @transform_2, window_bounds = array<i64: 2, 1000, 128>}]} {
    %get3A = arith.constant 0 : index
    %get3A_0 = arith.constant 0 : index
    %get3A_1 = vector.load %arg1[%get3A, %get3A_0] : memref<1000x128xf32, #tpu.memory_space<vmem>>, vector<1000x128xf32>
    %get3A_2 = arith.constant 0 : index
    %get3A_3 = arith.constant 0 : index
    %get3A_4 = arith.constant 0 : index
    %get3A_5 = vector.load %arg2[%get3A_2, %get3A_3, %get3A_4] : memref<2x128x128xf32, #tpu.memory_space<vmem>>, vector<1x128x128xf32>
    %get3A_6 = vector.shape_cast %get3A_5 : vector<1x128x128xf32> to vector<128x128xf32>
    %dot_general3A = arith.constant dense<0.000000e+00> : vector<1000x128xf32>
    %dot_general3A_7 = tpu.matmul %get3A_1, %get3A_6, %dot_general3A {dimension_numbers = #tpu.dot_dimension_numbers<[1], [0], [0], [1], [0, 0, 1, 1], [], []>, transpose_lhs_hint = false} : vector<1000x128xf32>, vector<128x128xf32>, vector<1000x128xf32> -> vector<1000x128xf32>
    %swap3A = arith.constant 0 : index
    %swap3A_8 = arith.constant 0 : index
    %swap3A_9 = arith.constant 0 : index
    %swap3A_10 = vector.load %arg3[%swap3A, %swap3A_8, %swap3A_9] : memref<2x1000x128xf32, #tpu.memory_space<vmem>>, vector<1x1000x128xf32>
    %swap3A_11 = vector.shape_cast %swap3A_10 : vector<1x1000x128xf32> to vector<1000x128xf32>
    %swap3A_12 = vector.shape_cast %dot_general3A_7 : vector<1000x128xf32> to vector<1x1000x128xf32>
    tpu.vector_store %arg3[%swap3A, %swap3A_8, %swap3A_9], %swap3A_12 {strides = array<i32>} : memref<2x1000x128xf32, #tpu.memory_space<vmem>>, vector<1x1000x128xf32>,
    %get3A_13 = arith.constant 1 : index
    %get3A_14 = arith.constant 0 : index
    %get3A_15 = arith.constant 0 : index
    %get3A_16 = vector.load %arg2[%get3A_13, %get3A_14, %get3A_15] : memref<2x128x128xf32, #tpu.memory_space<vmem>>, vector<1x128x128xf32>
    %get3A_17 = vector.shape_cast %get3A_16 : vector<1x128x128xf32> to vector<128x128xf32>
    %dot_general3A_18 = arith.constant dense<0.000000e+00> : vector<1000x128xf32>
    %dot_general3A_19 = tpu.matmul %get3A_1, %get3A_17, %dot_general3A_18 {dimension_numbers = #tpu.dot_dimension_numbers<[1], [0], [0], [1], [0, 0, 1, 1], [], []>, transpose_lhs_hint = false} : vector<1000x128xf32>, vector<128x128xf32>, vector<1000x128xf32> -> vector<1000x128xf32>
    %swap3A_20 = arith.constant 1 : index
    %swap3A_21 = arith.constant 0 : index
    %swap3A_22 = arith.constant 0 : index
    %swap3A_23 = vector.load %arg3[%swap3A_20, %swap3A_21, %swap3A_22] : memref<2x1000x128xf32, #tpu.memory_space<vmem>>, vector<1x1000x128xf32>
    %swap3A_24 = vector.shape_cast %swap3A_23 : vector<1x1000x128xf32> to vector<1000x128xf32>
    %swap3A_25 = vector.shape_cast %dot_general3A_19 : vector<1000x128xf32> to vector<1x1000x128xf32>
    tpu.vector_store %arg3[%swap3A_20, %swap3A_21, %swap3A_22], %swap3A_25 {strides = array<i32>} : memref<2x1000x128xf32, #tpu.memory_space<vmem>>, vector<1x1000x128xf32>,
    return
  }
  func.func @transform_0(%arg0: i32) -> (i32, i32) {
    %c0_i32 = arith.constant 0 : i32
    %c0_i32_0 = arith.constant 0 : i32
    return %arg0, %c0_i32 : i32, i32
  }
  func.func @transform_1(%arg0: i32) -> (i32, i32, i32) {
    %c0_i32 = arith.constant 0 : i32
    %c0_i32_0 = arith.constant 0 : i32
    %c0_i32_1 = arith.constant 0 : i32
    %c0_i32_2 = arith.constant 0 : i32
    return %c0_i32, %c0_i32_0, %c0_i32_1 : i32, i32, i32
  }
  func.func @transform_2(%arg0: i32) -> (i32, i32, i32) {
    %c0_i32 = arith.constant 0 : i32
    %c0_i32_0 = arith.constant 0 : i32
    %c0_i32_1 = arith.constant 0 : i32
    return %c0_i32, %arg0, %c0_i32_0 : i32, i32, i32
  }
}

module attributes {stable_mosaic.version = 14 : i64} {
  func.func @_combine_body(%arg0: i32, %arg1: memref<1x1000x128xf32, #tpu.memory_space<vmem>>, %arg2: memref<1000x128xf32, #tpu.memory_space<vmem>>) attributes {dimension_semantics = [#tpu.dimension_semantics<arbitrary>], iteration_bounds = array<i64: 10>, scalar_prefetch = 0 : i64, scratch_operands = 0 : i64, tpu.core_type = #tpu.core_type<tc>, window_params = [{transform_indices = @transform_0, window_bounds = array<i64: 1, 1000, 128>}, {transform_indices = @transform_1, window_bounds = array<i64: 1000, 128>}]} {
    %get3A = arith.constant 0 : index
    %get3A_0 = arith.constant 0 : index
    %get3A_1 = arith.constant 0 : index
    %get3A_2 = vector.load %arg1[%get3A, %get3A_0, %get3A_1] : memref<1x1000x128xf32, #tpu.memory_space<vmem>>, vector<1x1000x128xf32>
    %get3A_3 = vector.shape_cast %get3A_2 : vector<1x1000x128xf32> to vector<1000x128xf32>
    %max3A = arith.constant 0.000000e+00 : f32
    %max3A_4 = vector.broadcast %max3A : f32 to vector<1000x128xf32>
    %max3A_5 = arith.maximumf %get3A_3, %max3A_4 : vector<1000x128xf32>
    %swap3A = arith.constant 0 : index
    %swap3A_6 = arith.constant 0 : index
    %swap3A_7 = vector.load %arg2[%swap3A, %swap3A_6] : memref<1000x128xf32, #tpu.memory_space<vmem>>, vector<1000x128xf32>
    tpu.vector_store %arg2[%swap3A, %swap3A_6], %max3A_5 {strides = array<i32>} : memref<1000x128xf32, #tpu.memory_space<vmem>>, vector<1000x128xf32>,
    return
  }
  func.func @transform_0(%arg0: i32) -> (i32, i32, i32) {
    %jit3A = arith.constant 5 : i32
    %div3A = arith.divsi %arg0, %jit3A : i32
    %sign3A = arith.constant 0 : i32
    %sign3A_0 = arith.cmpi sgt, %arg0, %sign3A : i32
    %sign3A_1 = arith.extui %sign3A_0 : i1 to i32
    %sign3A_2 = arith.constant 0 : i32
    %sign3A_3 = arith.cmpi slt, %arg0, %sign3A_2 : i32
    %sign3A_4 = arith.extui %sign3A_3 : i1 to i32
    %sign3A_5 = arith.subi %sign3A_1, %sign3A_4 : i32
    %sign3A_6 = arith.constant 0 : i32
    %sign3A_7 = arith.cmpi sgt, %jit3A, %sign3A_6 : i32
    %sign3A_8 = arith.extui %sign3A_7 : i1 to i32
    %sign3A_9 = arith.constant 0 : i32
    %sign3A_10 = arith.cmpi slt, %jit3A, %sign3A_9 : i32
    %sign3A_11 = arith.extui %sign3A_10 : i1 to i32
    %sign3A_12 = arith.subi %sign3A_8, %sign3A_11 : i32
    %ne3A = arith.cmpi ne, %sign3A_5, %sign3A_12 : i32
    %rem3A = arith.remsi %arg0, %jit3A : i32
    %ne3A_13 = arith.constant 0 : i32
    %ne3A_14 = arith.cmpi ne, %rem3A, %ne3A_13 : i32
    %and3A = arith.andi %ne3A, %ne3A_14 : i1
    %sub3A = arith.constant 1 : i32
    %sub3A_15 = arith.subi %div3A, %sub3A : i32
    %select_n3A = arith.select %and3A, %sub3A_15, %div3A : i32
    %jit3A_16 = arith.constant 5 : i32
    %eq3A = arith.constant 0 : i32
    %eq3A_17 = arith.cmpi eq, %jit3A_16, %eq3A : i32
    %jit3A_18 = arith.constant 1 : i32
    %select_n3A_19 = arith.select %eq3A_17, %jit3A_18, %jit3A_16 : i32
    %rem3A_20 = arith.remsi %arg0, %select_n3A_19 : i32
    %ne3A_21 = arith.constant 0 : i32
    %ne3A_22 = arith.cmpi ne, %rem3A_20, %ne3A_21 : i32
    %lt3A = arith.constant 0 : i32
    %lt3A_23 = arith.cmpi slt, %rem3A_20, %lt3A : i32
    %lt3A_24 = arith.constant 0 : i32
    %lt3A_25 = arith.cmpi slt, %select_n3A_19, %lt3A_24 : i32
    %ne3A_26 = arith.xori %lt3A_23, %lt3A_25 : i1
    %and3A_27 = arith.andi %ne3A_26, %ne3A_22 : i1
    %add3A = arith.addi %rem3A_20, %select_n3A_19 : i32
    %select_n3A_28 = arith.select %and3A_27, %add3A, %rem3A_20 : i32
    %c0_i32 = arith.constant 0 : i32
    %c0_i32_29 = arith.constant 0 : i32
    return %select_n3A, %select_n3A_28, %c0_i32 : i32, i32, i32
  }
  func.func @transform_1(%arg0: i32) -> (i32, i32) {
    %c0_i32 = arith.constant 0 : i32
    %c0_i32_0 = arith.constant 0 : i32
    return %arg0, %c0_i32 : i32, i32
  }
}

</mosaic_0001>

<sc_bundles>
// kernel: kernel.5.cloned.1.call-start
scs
__scs_entry_jumppad:
0x0: {  	(pc) =	sbr.rel $0x88, $3  }
0x1: {  	(tag) =	ssettag $0x0;
	lr =	simm.s32 $0x1  }
0x2: {  	[smem:$0x3F9B] =	sst lr;
	_ =	strace $0xD0000000  }
0x3: {  	_ = 	snop  }
0x4: {  	_ = 	snop  }
0x5: {  	_ = 	snop  }
0x6: {  	_ = 	snop  }
0x7: {  	_ = 	snop  }
__scs_overlays_trampoline_lowered:
0x8: {  	[smem:$0x3FAA] =	sst s0  }
0x9: {  	[smem:$0x3FAB] =	sst s1  }
0xa: {  	[smem:$0x3FAC] =	sst s2  }
0xb: {  	[smem:$0x3FAD] =	sst s3  }
0xc: {  	[smem:$0x3FAE] =	sst s4  }
0xd: {  	[smem:$0x3FAF] =	sst s5  }
0xe: {  	[smem:$0x3FB0] =	sst s6  }
0xf: {  	[smem:$0x3FB1] =	sst s7  }
0x10: {  	[smem:$0x3FB2] =	sst s8  }
0x11: {  	[smem:$0x3FB3] =	sst s9;
	s0 =	simm.s32 @!p0 $0x0  }
0x12: {  	s1 =	sld [smem:$0x3F99];
	s0 =	simm.s32 @p0 $0x1  }
0x13: {  	[smem:$0x3FB4] =	sst s0;
	s0 =	simm.s32 @!p1 $0x0  }
0x14: {  	s2 =	sld [smem:$0x3F98];
	s0 =	simm.s32 @p1 $0x1  }
0x15: {  	[smem:$0x3FB5] =	sst s0;
	s0 =	simm.s32 @!p2 $0x0  }
0x16: {  	s3 =	sld [smem:$0x3FDB];
	s0 =	simm.s32 @p2 $0x1  }
0x17: {  	s4 =	simm.s32 $0x1BF5;
	[smem:$0x3FB7] =	sst s0  }
0x18: {  	s0 =	sld [smem:$0x3F9A];
	_ =	swait.ge [sflag:s4], $0x0  }
0x19: {  	s7 =	sld [smem:$0x3F9B]  }
0x1a: {  	s8 =	sadd.s32 $0xFFFFE003, lr  }
0x1b: {  	s9 =	sadd.s32 $0xFFFFFEF7, lr;
	s5 =	simm.s32 $0xFFFFFFFF;
	p2 =	slt.u32 s8, $0xFFFFF086  }
0x1c: {  	p1 =	slt.u32 s9, $0xF7A;
	s5 =	simm.s32 @!p2 $0x0  }
0x1d: {  	s5 =	simm.s32 @p1 $0x1;
	p0 =	seq.s32 s7, s2  }
0x1e: {  	s7 =	smul.u32 @!p0 $0xF7A, s2;
	p2 =	seq.s32 @!p0 s5, $0x0  }
0x1f: {  	s9 =	smul.u32 $0xF7A, s1;
	s8 =	simm.s32 @!p0 $0x1BF5;
	p2 =	por !p2, p0  }
0x20: {  	[sflag:s8] =	ssyncset.s32 @!p0 $0xFFFFF086;
	s6 =	sadd.s32 @!p0 s3, s7;
	s7 =	simm.s32 @!p0 $0x108  }
0x21: {  	s3 =	sadd.s32 s3, s9;
	s6 =	sadd.s32 @!p0 $0x88, s6;
	s7 =	simm.s32 @p2 $0x1082  }
0x22: {  	[simem:s7], [sflag:s8] =	dma.local @!p0 [hbm:s6], $0xF7A  }
0x23: {  	s9 =	sor.u32 $0xD0000000, s2;
	s6 =	simm.s32 $0x108;
	_ =	swait.ge @!p0 [sflag:s8], $0x0  }
0x24: {  	s3 =	sadd.s32 $0x88, s3;
	s6 =	simm.s32 @!p1 $0x1082;
	[sflag:s4] =	ssyncset.s32 $0xFFFFF086  }
0x25: {  	[simem:s6], [sflag:s4] =	dma.local [hbm:s3], $0xF7A  }
0x26: {  	[smem:$0x3F9B] =	sst s1;
	(tag) =	ssettag s2;
	_ =	strace s9  }
0x27: {  	s1 =	sld [smem:$0x3FAB]  }
0x28: {  	s2 =	sld [smem:$0x3FAC]  }
0x29: {  	s4 =	sld [smem:$0x3FAE]  }
0x2a: {  	p0 =	seq.s32 s5, $0x0;
	s5 =	sld [smem:$0x3FAF]  }
0x2b: {  	s6 =	sld [smem:$0x3FB0]  }
0x2c: {  	s7 =	sld [smem:$0x3FB1]  }
0x2d: {  	s3 =	simm.s32 $0x108;
	s8 =	sld [smem:$0x3FB2]  }
0x2e: {  	s3 =	simm.s32 @!p0 $0x1082;
	s9 =	sld [smem:$0x3FB3]  }
0x2f: {  	lr =	sadd.s32 s0, s3;
	s0 =	sld [smem:$0x3FAA]  }
0x30: {  	s3 =	sld [smem:$0x3FAD]  }
0x31: {  	[smem:$0x3FB6] =	sst s10  }
0x32: {  	s10 =	sld [smem:$0x3FB4];
	_ =	sdelay $0x3  }
0x33: {  	p0 =	seq.s32 s10, $0x1;
	s10 =	sld [smem:$0x3FB6];
	_ =	sdelay $0x3  }
0x34: {  	[smem:$0x3FB6] =	sst s10  }
0x35: {  	s10 =	sld [smem:$0x3FB5];
	_ =	sdelay $0x3  }
0x36: {  	p1 =	seq.s32 s10, $0x1;
	s10 =	sld [smem:$0x3FB6];
	_ =	sdelay $0x3  }
0x37: {  	[smem:$0x3FB6] =	sst s10  }
0x38: {  	s10 =	sld [smem:$0x3FB7]  }
0x39: {  	_ = 	snop;
	(pc) =	sbr.ind lr, $3  }
0x3a: {  	_ = 	snop  }
0x3b: {  	_ = 	snop  }
0x3c: {  	p2 =	seq.s32 s10, $0x1;
	s10 =	sld [smem:$0x3FB6]  }
0x3d: {  	_ =	shalt  }
0x3e: {  	_ =	shalt  }
0x3f: {  	_ =	shalt  }
0x40: {  	_ =	shalt  }
0x41: {  	_ =	shalt  }
0x42: {  	_ =	shalt  }
0x43: {  	_ =	shalt  }
0x44: {  	_ =	shalt  }
0x45: {  	_ =	shalt  }
0x46: {  	_ =	shalt  }
0x47: {  	_ =	shalt  }
0x48: {  	_ =	shalt  }
0x49: {  	_ =	shalt  }
0x4a: {  	_ =	shalt  }
0x4b: {  	_ =	shalt  }
0x4c: {  	_ =	shalt  }
0x4d: {  	_ =	shalt  }
0x4e: {  	_ =	shalt  }
0x4f: {  	_ =	shalt  }
0x50: {  	_ =	shalt  }
0x51: {  	_ =	shalt  }
0x52: {  	_ =	shalt  }
0x53: {  	_ =	shalt  }
0x54: {  	_ =	shalt  }
0x55: {  	_ =	shalt  }
0x56: {  	_ =	shalt  }
0x57: {  	_ =	shalt  }
0x58: {  	_ =	shalt  }
0x59: {  	_ =	shalt  }
0x5a: {  	_ =	shalt  }
0x5b: {  	_ =	shalt  }
0x5c: {  	_ =	shalt  }
0x5d: {  	_ =	shalt  }
0x5e: {  	_ =	shalt  }
0x5f: {  	_ =	shalt  }
0x60: {  	_ =	shalt  }
0x61: {  	_ =	shalt  }
0x62: {  	_ =	shalt  }
0x63: {  	_ =	shalt  }
0x64: {  	_ =	shalt  }
0x65: {  	_ =	shalt  }
0x66: {  	_ =	shalt  }
0x67: {  	_ =	shalt  }
0x68: {  	_ =	shalt  }
0x69: {  	_ =	shalt  }
0x6a: {  	_ =	shalt  }
0x6b: {  	_ =	shalt  }
0x6c: {  	_ =	shalt  }
0x6d: {  	_ =	shalt  }
0x6e: {  	_ =	shalt  }
0x6f: {  	_ =	shalt  }
0x70: {  	_ =	shalt  }
0x71: {  	_ =	shalt  }
0x72: {  	_ =	shalt  }
0x73: {  	_ =	shalt  }
0x74: {  	_ =	shalt  }
0x75: {  	_ =	shalt  }
0x76: {  	_ =	shalt  }
0x77: {  	_ =	shalt  }
0x78: {  	_ =	shalt  }
0x79: {  	_ =	shalt  }
0x7a: {  	_ =	shalt  }
0x7b: {  	_ =	shalt  }
0x7c: {  	_ =	shalt  }
0x7d: {  	_ =	shalt  }
0x7e: {  	_ =	shalt  }
0x7f: {  	_ =	shalt  }
0x80: {  	_ =	shalt  }
0x81: {  	_ =	shalt  }
0x82: {  	_ =	shalt  }
0x83: {  	_ =	shalt  }
0x84: {  	_ =	shalt  }
0x85: {  	_ =	shalt  }
0x86: {  	_ =	shalt  }
0x87: {  	_ =	shalt  }
.Lfunc_end0:
.L_simem_size_0:
called_computation_lowered:
.L_overlay_start_0:
0x88: {  	s2 =	sld [smem:$0x3FD9]  }
0x89: {  	s3 =	sld [smem:$0x3FFE];
	_ =	sdelay $0x1  }
0x8a: {  	s1 =	srdreg.scid  }
0x8b: {  	s0 =	sand.u32 $0x1, s1  }
0x8c: {  	s17 =	sshll.u32 s0, $0xA;
	s2 =	sadd.s32 s3, s2  }
0x8d: {  	s2 =	sadd.s32 s2, s17  }
0x8e: {  	[smem:$0x3FC2] =	sst s2  }
0x8f: {  	_ = 	snop  }
0x90: {  	s2 =	sld [smem:$0x3FD0];
	(tm) =	ssettm $0x1  }
0x91: {  	s18 =	sld [smem:$0x3FFB];
	_ =	sdelay $0x3  }
0x92: {  	_ =	strace s18  }
0x93: {  	s3 =	sld [smem:$0x3FFC];
	_ =	sdelay $0x3  }
0x94: {  	_ =	strace s3  }
0x95: {  	s3 =	sld [smem:$0x3FFD];
	_ =	sdelay $0x3  }
0x96: {  	_ =	strace s3  }
0x97: {  	_ =	strace $0x8FFFFFFF  }
0x98: {  	s19 =	sld [smem:$0x3FDB];
	_ =	sdelay $0x1  }
0x99: {  	s4 =	simm.s32 $_scs_section_size  }
0x9a: {  	s5 =	simm.s32 $_size__tile_overlayer_lowered;
	s6 =	simm.s32 $_tile_overlayer_lowered  }
0x9b: {  	s22 =	simm.s32 $0x1BFF;
	s21 =	sshll.u32 s6, $0x1;
	s3 =	sadd.s32 s4, s19  }
0x9c: {  	s7 =	simm.s32 $0x0;
	s20 =	sshll.u32 s5, $0x1;
	s5 =	sadd.s32 s21, s3  }
0x9d: {  	[timem:s7], [sflag:s22] =	dma.local [hbm:s5], s20  }
0x9e: {  	_ =	swait.ge [sflag:s22], s20  }
0x9f: {  	s4 =	ssub.s32 $0x0, s20;
	[sflag:s22] =	ssyncset.done $0x0  }
0xa0: {  	[sflag:s22] =	ssyncadd.s32 s4;
	_ =	sdelay $0x1  }
0xa1: {  	s23 =	simm.s32 $0x1B8B  }
0xa2: {  	_ =	swait.ge [sflag:s23], $0x1  }
0xa3: {  	[sflag:s23] =	ssyncset.done $0x0  }
0xa4: {  	s25 =	simm.s32 $0x1B8E;
	s24 =	sld [smem:$0x3FFE];
	[sflag:s23] =	ssyncadd.s32 $0xFFFFFFFF  }
0xa5: {  	s26 =	simm.s32 $execute0_lowered;
	[smem:$0x3FD2] =	sst s25  }
0xa6: {  	s5 =	sshll.u32 s26, $0x1;
	_ =	strace $0x80000046;
	[dreg:$0x1] =	wrdreg $0xFFFFFFFF  }
0xa7: {  	s28 =	simm.s32 $_size_execute0_lowered;
	s3 =	sadd.s32 s3, s5;
	[dreg:$0x0] =	wrdreg $0x0  }
0xa8: {  	s5 =	sshll.u32 s28, $0x1;
	[dreg:$0x2] =	wrdreg s3  }
0xa9: {  	[dreg:$0x3] =	wrdreg s5  }
0xaa: {  	[dreg:$0x4] =	wrdreg $0xC0  }
0xab: {  	_ =	task [dreg:s7], $0x5FFFF  }
0xac: {  	[dreg:$0x1] =	wrdreg $0xFFFFFFFF  }
0xad: {  	[dreg:$0x0] =	wrdreg $0x60  }
0xae: {  	[dreg:$0x2] =	wrdreg s24  }
0xaf: {  	[dreg:$0x3] =	wrdreg s2  }
0xb0: {  	[dreg:$0x4] =	wrdreg $0xD0000  }
0xb1: {  	[dreg:$0x5] =	wrdreg $0x9  }
0xb2: {  	_ =	task.clear_ibuf [dreg:s7], $0x6FFFF;
	_ =	strace $0x90000046  }
0xb3: {  	s29 =	simm.s32 $0x9;
	_ =	strace $0x80000048  }
0xb4: {  	_ =	swait.ge [sflag:s29], $0x1  }
0xb5: {  	[sflag:s29] =	ssyncadd.s32 $0xFFFFFFFF  }
0xb6: {  	_ =	strace $0x90000048  }
0xb7: {  	_ =	sfence  }
0xb8: {  	s30 =	sld [smem:$0x0];
	_ =	sdelay $0x2  }
0xb9: {  	s31 =	sshll.u32 s1, $0xD;
	s1 =	sshrl.u32 s1, $0x2  }
0xba: {  	s3 =	sand.u32 $0x4000, s31;
	s1 =	sadd.s32 s1, s30  }
0xbb: {  	s0 =	sor.u32 s3, s0;
	s1 =	sshll.u32 s1, $0x11  }
0xbc: {  	s0 =	sor.u32 s1, s0  }
0xbd: {  	s0 =	sadd.s32 $0x8F2B, s0  }
0xbe: {  	[sflag:s0] =	ssyncadd.remote.s32 $0x1  }
0xbf: {  	_ =	sfence.sel $0xFFFF  }
0xc0: {  	[dreg:$0x0] =	wrdreg $0xFFFFFFFF;
	(pc) =	sbr.abs _section_cstart, $3  }
0xc1: {  	[dreg:$0x1] =	wrdreg $0xFFFFFFFF  }
0xc2: {  	_ =	task.clear_ibuf [dreg:s7], $0x2FFFF;
	_ =	strace $0x9FFFFFFF  }
0xc3: {  	(tm) =	ssettm $0x7FFFFFFF  }
tec
execute0_lowered:
.L_overlay_start_1:
0x0: {  	(tag) =	ssettag $0x1  }
0x1: {  	s7 =	rddreg [dreg:$0x0]  }
0x2: {  	s10 =	rddreg [dreg:$0x1]  }
0x3: {  	s1 =	rddreg [dreg:$0x2]  }
0x4: {  	s0 =	rddreg [dreg:$0x3];
	s2 =	simm.s32 $0x0;
	s6 =	srdreg.scid  }
0x5: {  	s3 =	stileid.u32;
	s17 =	simm.s32 $0x2710;
	s15 =	simm.s32 $0x200  }
0x6: {  	s16 =	simm.s32 $0x400;
	s18 =	simm.s32 $0x1;
	[smem:$0x7FF] =	sst s2  }
0x7: {  	s4 =	sadd.s32 $0x14000, s7;
	s5 =	sadd.s32 $0x62200, s7;
	s11 =	smul.u32 $0x27200, s3  }
0x8: {  	s8 =	sand.u32 $0x1, s6;
	s6 =	sadd.s32 $0x75C00, s7;
	s13 =	smul.u32 $0x9C00, s3  }
0x9: {  	s7 =	sadd.s32 $0x600, s7;
	p0 =	sgt.u32 s3, $0x7;
	s14 =	smul.u32 $0x27000, s3  }
0xa: {  	s20 =	sadd.s32 $0x92400, s1;
	_ =	strace $0x80000047;
	s19 =	smul.u32 $0xFFFFEC78, s8  }
0xb: {  	s9 =	ssub.s32 $0x2, s8;
	s31 =	smul.u32 $0x9C400, s8;
	s17 =	simm.s32 @!p0 $0x0  }
0xc: {  	p0 =	seq.s32 s3, $0xF;
	s12 =	sshrl.u32 s9, $0x1;
	s30 =	sshrl.u32 s11, $0x2  }
0xd: {  	s14 =	sshrl.u32 s14, $0x2;
	v0 =	vmov s17;
	s17 =	simm.s32 $0x190;
	s20 =	sshrl.u32 @p0 s20, $0x3  }
0xe: {  	s12 =	ssub.s32 s9, s12;
	s8 =	sadd.s32 s30, s1;
	s9 =	smul.u32 $0x9C40, s3  }
0xf: {  	s13 =	sadd.s32 s13, s31;
	s11 =	sshrl.u32 s31, $0x3;
	s21 =	sadd.s32 s14, s1  }
0x10: {  	s14 =	simm.s32 $0x2;
	v1 =	vmov s19;
	s19 =	simm.s32 $0x600;
	s13 =	sshrl.u32 s13, $0x3  }
0x11: {  	v3 =	vlaneseq.u32;
	s11 =	sadd.s32 s10, s11;
	s12 =	smax.u32 s12, $0x1;
	s21 =	sshrl.u32 @!p0 s21, $0x3  }
0x12: {  	v2 =	vimm.f32 $0.0e+00;
	v3 =	vor.u32 $0x1388, v3;
	s10 =	sadd.s32 s10, s13;
	s11 =	sadd.s32 $0x12480, s11;
	s13 =	simm.s32 $0x800  }
.LBB2_1:
0x13: {  	s22 =	simm.s32 $0x0;
	s23 =	simm.s32 $0x200  }
.LBB2_2:
0x14: {  	p1 =	sne.s32 s23, $0x27000;
	[tilespmem:s22+$0x870] =	vst v2  }
0x15: {  	[tilespmem:s22+$0x800] =	vst v2  }
0x16: {  	[tilespmem:s22+$0x810] =	vst v2  }
.Ltmp0:
0x17: {  	[tilespmem:s22+$0x820] =	vst v2;
	(pc) =	sbr.rel @p1 .LBB2_2-.Ltmp0, $4  }
0x18: {  	[tilespmem:s22+$0x830] =	vst v2  }
0x19: {  	[tilespmem:s22+$0x840] =	vst v2  }
0x1a: {  	[tilespmem:s22+$0x850] =	vst v2  }
0x1b: {  	[tilespmem:s22+$0x860] =	vst v2;
	s22 =	sshra.s32 s23, $0x2;
	s23 =	sadd.s32 $0x200, s23  }
0x1c: {  	[tilespmem:s22+$0x870] =	vst v2  }
0x1d: {  	[tilespmem:s22+$0x800] =	vst v2  }
0x1e: {  	[tilespmem:s22+$0x810] =	vst v2  }
0x1f: {  	[tilespmem:s22+$0x820] =	vst v2  }
0x20: {  	[tilespmem:s22+$0x830] =	vst v2  }
0x21: {  	[tilespmem:s22+$0x840] =	vst v2  }
0x22: {  	[tilespmem:s22+$0x850] =	vst v2  }
0x23: {  	[tilespmem:s22+$0x860] =	vst v2  }
0x24: {  	[spmem:s8] =	stream.linear.scatter [tilespmem:s13], [sflag:$0x2], $0x9C80, $0x38;
	[tilespmem:$0x16C80] =	vst v63  }
0x25: {  	_ =	swait.ge [sflag:s14], $0x9C80  }
0x26: {  	[sflag:s14] =	ssyncset.done $0x0  }
0x27: {  	[sflag:s14] =	ssyncadd.s32 $0xFFFF6380  }
0x28: {  	s22 =	simm.s32 $0x0;
	s23 =	simm.s32 $0x0;
	[bflag:$0x0] =	sbarrier.arrive $0xFFFF  }
.LBB2_4:
0x29: {  	s24 =	smul.u32 $0x190, s23;
	_ =	sdelay $0x1  }
0x2a: {  	s24 =	sadd.s32 s9, s24  }
0x2b: {  	s24 =	sshrl.u32 s24, $0x3  }
0x2c: {  	s25 =	sadd.s32 s5, s24  }
0x2d: {  	[tilespmem:s22], [sflag:$0x2] =	stream.linear.gather [hbm4b:s25+s22], $0x190, $0x38;
	[tilespmem:$0x16C80] =	vst v63  }
0x2e: {  	_ =	swait.ge [sflag:s14], $0x190  }
0x2f: {  	[sflag:s14] =	ssyncset.done $0x0  }
0x30: {  	s31 =	sadd.s32 s6, s24;
	[sflag:s14] =	ssyncadd.s32 $0xFFFFFE70  }
0x31: {  	[tilespmem:s15], [sflag:$0x2] =	stream.linear.gather [hbm4b:s31+s22], $0x190, $0x38;
	[tilespmem:$0x16C80] =	vst v63  }
0x32: {  	_ =	swait.ge [sflag:s14], $0x190  }
0x33: {  	[sflag:s14] =	ssyncset.done $0x0  }
0x34: {  	s24 =	sadd.s32 s7, s24;
	[sflag:s14] =	ssyncadd.s32 $0xFFFFFE70  }
0x35: {  	[tilespmem:s16], [sflag:$0x2] =	stream.linear.gather [hbm4b:s24+s22], $0x190, $0x38;
	[tilespmem:$0x16C80] =	vst v63  }
0x36: {  	_ =	swait.ge [sflag:s14], $0x190  }
0x37: {  	[sflag:s14] =	ssyncset.done $0x0  }
0x38: {  	s24 =	simm.s32 $0x0;
	[sflag:s14] =	ssyncadd.s32 $0xFFFFFE70  }
0x39: {  	v5 =	vld [tilespmem:s24+$0x200]  }
0x3a: {  	v4 =	vld [tilespmem:s24+$0x0];
	_ =	sdelay $0x2  }
0x3b: {  	s26 =	simm.s32 $0x80;
	s25 =	simm.s32 $0x40  }
.LBB2_5:
0x3c: {  	p1 =	sne.s32 s26, $0x600;
	v5 =	vadd.s32 v0, v5  }
0x3d: {  	s28 =	sshra.s32 s25, $0x2;
	s25 =	smov.u32 s26;
	[tilespmem:s24+$0x200] =	vst v5;
	v6 =	vadd.s32 v1, v4  }
.Ltmp1:
0x3e: {  	v5 =	vld [tilespmem:s28+$0x200];
	vm0 =	vlt.u32 v6, $0x1388;
	(pc) =	sbr.rel @p1 .LBB2_5-.Ltmp1, $3  }
0x3f: {  	v4 =	vld [tilespmem:s28+$0x0];
	v6 =	vsel vm0, v6, v3  }
0x40: {  	[tilespmem:s24+$0x600] =	vst v6;
	s24 =	smov.u32 s28;
	_ =	sdelay $0x1  }
0x41: {  	s26 =	sadd.s32 $0x40, s26  }
0x42: {  	v5 =	vadd.s32 v0, v5  }
0x43: {  	s25 =	sshra.s32 s25, $0x2;
	[tilespmem:s24+$0x200] =	vst v5  }
0x44: {  	v5 =	vld [tilespmem:s25+$0x0]  }
0x45: {  	v6 =	vld [tilespmem:s25+$0x200];
	_ =	sdelay $0x1  }
0x46: {  	v4 =	vadd.s32 v1, v4  }
0x47: {  	vm0 =	vlt.u32 v4, $0x1388  }
0x48: {  	v4 =	vsel vm0, v4, v3;
	v5 =	vadd.s32 v1, v5  }
0x49: {  	[tilespmem:s24+$0x600] =	vst v4;
	v4 =	vadd.s32 v0, v6;
	vm15 =	vlt.u32 v5, $0x1388  }
0x4a: {  	[tilespmem:s25+$0x200] =	vst v4;
	v4 =	vsel vm15, v5, v3  }
0x4b: {  	[tilespmem:s25+$0x600] =	vst v4  }
0x4c: {  	[tilespmem:s13], [sflag:$0x1] =	stream.indirect.gather [hbm4b:s4+s17], $0x80, s15, s17, $0xb8;
	[tilespmem:$0x16C80] =	vst v63  }
0x4d: {  	_ =	swait.ge [sflag:s18], $0xC800  }
0x4e: {  	[sflag:s18] =	ssyncset.done $0x0  }
0x4f: {  	s24 =	simm.s32 $0x0;
	[sflag:s18] =	ssyncadd.s32 $0xFFFF3800  }
.LBB2_7:
0x50: {  	s25 =	sshll.u32 s24, $0x4  }
0x51: {  	s25 =	sand.u32 $0x3FFFFFF0, s25  }
0x52: {  	s31 =	sshll.u32 s24, $0xB;
	v4 =	vld [tilespmem:s25+$0x400]  }
0x53: {  	s25 =	sand.u32 $0x3FFFF800, s31  }
0x54: {  	v5 =	vld [tilespmem:s25+$0x800]  }
0x55: {  	v6 =	vld [tilespmem:s25+$0x810]  }
0x56: {  	v7 =	vld [tilespmem:s25+$0x820]  }
0x57: {  	v9 =	vld [tilespmem:s25+$0x830];
	v8 =	vbroadcast v4, $0x0  }
0x58: {  	v10 =	vld [tilespmem:s25+$0x840]  }
0x59: {  	v11 =	vld [tilespmem:s25+$0x850];
	v5 =	vmul.f32 v8, v5  }
0x5a: {  	v12 =	vld [tilespmem:s25+$0x860];
	v6 =	vmul.f32 v6, v8  }
0x5b: {  	v60 =	vld [tilespmem:s25+$0x870];
	[tilespmem:s25+$0x800] =	vst v5;
	v5 =	vmul.f32 v7, v8  }
0x5c: {  	v62 =	vld [tilespmem:s25+$0x880];
	v61 =	vmul.f32 v9, v8;
	[tilespmem:s25+$0x810] =	vst v6  }
0x5d: {  	v63 =	vld [tilespmem:s25+$0x890];
	[tilespmem:s25+$0x820] =	vst v5;
	v5 =	vmul.f32 v10, v8  }
0x5e: {  	v17 =	vld [tilespmem:s25+$0x8A0];
	v16 =	vmul.f32 v11, v8;
	[tilespmem:s25+$0x830] =	vst v61  }
0x5f: {  	v13 =	vld [tilespmem:s25+$0x8B0];
	v18 =	vbroadcast v4, $0x1;
	[tilespmem:s25+$0x840] =	vst v5;
	v5 =	vmul.f32 v12, v8  }
0x60: {  	v20 =	vld [tilespmem:s25+$0x8C0];
	v19 =	vmul.f32 v60, v8;
	[tilespmem:s25+$0x850] =	vst v16  }
0x61: {  	v21 =	vld [tilespmem:s25+$0x8D0];
	[tilespmem:s25+$0x860] =	vst v5;
	v5 =	vmul.f32 v62, v18  }
0x62: {  	v23 =	vld [tilespmem:s25+$0x8E0];
	v22 =	vmul.f32 v63, v18;
	[tilespmem:s25+$0x870] =	vst v19  }
0x63: {  	v24 =	vld [tilespmem:s25+$0x8F0];
	[tilespmem:s25+$0x880] =	vst v5;
	v5 =	vmul.f32 v17, v18  }
0x64: {  	v26 =	vld [tilespmem:s25+$0x900];
	v25 =	vmul.f32 v13, v18;
	[tilespmem:s25+$0x890] =	vst v22  }
0x65: {  	v27 =	vld [tilespmem:s25+$0x910];
	[tilespmem:s25+$0x8A0] =	vst v5;
	v5 =	vmul.f32 v20, v18  }
0x66: {  	v29 =	vld [tilespmem:s25+$0x920];
	v28 =	vmul.f32 v21, v18;
	[tilespmem:s25+$0x8B0] =	vst v25  }
0x67: {  	v31 =	vld [tilespmem:s25+$0x930];
	v30 =	vbroadcast v4, $0x2;
	[tilespmem:s25+$0x8C0] =	vst v5;
	v5 =	vmul.f32 v23, v18  }
0x68: {  	v33 =	vld [tilespmem:s25+$0x940];
	v32 =	vmul.f32 v24, v18;
	[tilespmem:s25+$0x8D0] =	vst v28  }
0x69: {  	v34 =	vld [tilespmem:s25+$0x950];
	[tilespmem:s25+$0x8E0] =	vst v5;
	v5 =	vmul.f32 v26, v30  }
0x6a: {  	v36 =	vld [tilespmem:s25+$0x960];
	v35 =	vmul.f32 v27, v30;
	[tilespmem:s25+$0x8F0] =	vst v32  }
0x6b: {  	v37 =	vld [tilespmem:s25+$0x970];
	[tilespmem:s25+$0x900] =	vst v5;
	v5 =	vmul.f32 v29, v30  }
0x6c: {  	v39 =	vld [tilespmem:s25+$0x980];
	v38 =	vmul.f32 v31, v30;
	[tilespmem:s25+$0x910] =	vst v35  }
0x6d: {  	v40 =	vld [tilespmem:s25+$0x990];
	[tilespmem:s25+$0x920] =	vst v5;
	v5 =	vmul.f32 v33, v30  }
0x6e: {  	v42 =	vld [tilespmem:s25+$0x9A0];
	v41 =	vmul.f32 v34, v30;
	[tilespmem:s25+$0x930] =	vst v38  }
0x6f: {  	v44 =	vld [tilespmem:s25+$0x9B0];
	v43 =	vbroadcast v4, $0x3;
	[tilespmem:s25+$0x940] =	vst v5;
	v5 =	vmul.f32 v36, v30  }
0x70: {  	v46 =	vld [tilespmem:s25+$0x9C0];
	v45 =	vmul.f32 v37, v30;
	[tilespmem:s25+$0x950] =	vst v41  }
0x71: {  	v47 =	vld [tilespmem:s25+$0x9D0];
	[tilespmem:s25+$0x960] =	vst v5;
	v5 =	vmul.f32 v39, v43  }
0x72: {  	v49 =	vld [tilespmem:s25+$0x9E0];
	v48 =	vmul.f32 v40, v43;
	[tilespmem:s25+$0x970] =	vst v45  }
0x73: {  	v50 =	vld [tilespmem:s25+$0x9F0];
	[tilespmem:s25+$0x980] =	vst v5;
	v5 =	vmul.f32 v42, v43  }
0x74: {  	v52 =	vld [tilespmem:s25+$0xA00];
	v51 =	vmul.f32 v44, v43;
	[tilespmem:s25+$0x990] =	vst v48  }
0x75: {  	v53 =	vld [tilespmem:s25+$0xA10];
	[tilespmem:s25+$0x9A0] =	vst v5;
	v5 =	vmul.f32 v46, v43  }
0x76: {  	v55 =	vld [tilespmem:s25+$0xA20];
	v54 =	vmul.f32 v47, v43;
	[tilespmem:s25+$0x9B0] =	vst v51  }
0x77: {  	v57 =	vld [tilespmem:s25+$0xA30];
	v56 =	vbroadcast v4, $0x4;
	[tilespmem:s25+$0x9C0] =	vst v5;
	v5 =	vmul.f32 v49, v43  }
0x78: {  	v59 =	vld [tilespmem:s25+$0xA40];
	v58 =	vmul.f32 v50, v43;
	[tilespmem:s25+$0x9D0] =	vst v54  }
0x79: {  	v60 =	vld [tilespmem:s25+$0xA50];
	[tilespmem:s25+$0x9E0] =	vst v5;
	v5 =	vmul.f32 v52, v56  }
0x7a: {  	[tilespmem:s25+$0x9F0] =	vst v58;
	v61 =	vmul.f32 v53, v56;
	v62 =	vld [tilespmem:s25+$0xA60]  }
0x7b: {  	v25 =	vld [tilespmem:s25+$0xAD0];
	[tilespmem:s25+$0xA00] =	vst v5;
	v5 =	vmul.f32 v55, v56  }
0x7c: {  	v16 =	vmul.f32 v57, v56;
	[tilespmem:s25+$0xA10] =	vst v61;
	v17 =	vld [tilespmem:s25+$0xA80]  }
0x7d: {  	v38 =	vld [tilespmem:s25+$0xB50];
	[tilespmem:s25+$0xA20] =	vst v5;
	v5 =	vmul.f32 v59, v56  }
0x7e: {  	v21 =	vbroadcast v4, $0x5;
	[tilespmem:s25+$0xA30] =	vst v16;
	v19 =	vmul.f32 v60, v56;
	v20 =	vld [tilespmem:s25+$0xAA0]  }
0x7f: {  	v51 =	vld [tilespmem:s25+$0xBD0];
	[tilespmem:s25+$0xA40] =	vst v5;
	v5 =	vmul.f32 v62, v56  }
0x80: {  	v24 =	vld [tilespmem:s25+$0xAC0];
	v34 =	vbroadcast v4, $0x6;
	[tilespmem:s25+$0xA50] =	vst v19;
	v32 =	vmul.f32 v25, v21  }
0x81: {  	v63 =	vld [tilespmem:s25+$0xA70];
	[tilespmem:s25+$0xA60] =	vst v5;
	v5 =	vmul.f32 v17, v21  }
0x82: {  	v27 =	vld [tilespmem:s25+$0xAE0];
	v47 =	vbroadcast v4, $0x7;
	v45 =	vmul.f32 v38, v34;
	[tilespmem:s25+$0xAD0] =	vst v32  }
0x83: {  	v16 =	vld [tilespmem:s25+$0xC50];
	[tilespmem:s25+$0xA80] =	vst v5;
	v5 =	vmul.f32 v20, v21  }
0x84: {  	v58 =	vmul.f32 v51, v47;
	[tilespmem:s25+$0xB50] =	vst v45;
	v30 =	vld [tilespmem:s25+$0xB00]  }
0x85: {  	v22 =	vld [tilespmem:s25+$0xAB0];
	[tilespmem:s25+$0xAA0] =	vst v5;
	v5 =	vmul.f32 v24, v21  }
0x86: {  	v60 =	vbroadcast v4, $0x8;
	[tilespmem:s25+$0xBD0] =	vst v58;
	v23 =	vmul.f32 v63, v56;
	v33 =	vld [tilespmem:s25+$0xB20]  }
0x87: {  	v18 =	vld [tilespmem:s25+$0xA90];
	[tilespmem:s25+$0xAC0] =	vst v5;
	v5 =	vmul.f32 v27, v21  }
0x88: {  	v37 =	vld [tilespmem:s25+$0xB40];
	[tilespmem:s25+$0xA70] =	vst v23;
	v23 =	vmul.f32 v16, v60  }
0x89: {  	v28 =	vld [tilespmem:s25+$0xAF0];
	[tilespmem:s25+$0xAE0] =	vst v5;
	v5 =	vmul.f32 v30, v34  }
0x8a: {  	v40 =	vld [tilespmem:s25+$0xB60];
	v29 =	vmul.f32 v22, v21;
	[tilespmem:s25+$0xC50] =	vst v23  }
0x8b: {  	v31 =	vld [tilespmem:s25+$0xB10];
	[tilespmem:s25+$0xB00] =	vst v5;
	v5 =	vmul.f32 v33, v34  }
0x8c: {  	v26 =	vmul.f32 v18, v21;
	[tilespmem:s25+$0xAB0] =	vst v29;
	v43 =	vld [tilespmem:s25+$0xB80]  }
0x8d: {  	v29 =	vld [tilespmem:s25+$0xCD0];
	[tilespmem:s25+$0xB20] =	vst v5;
	v5 =	vmul.f32 v37, v34  }
0x8e: {  	[tilespmem:s25+$0xA90] =	vst v26;
	v36 =	vmul.f32 v28, v21;
	v46 =	vld [tilespmem:s25+$0xBA0]  }
0x8f: {  	v35 =	vld [tilespmem:s25+$0xB30];
	[tilespmem:s25+$0xB40] =	vst v5;
	v5 =	vmul.f32 v40, v34  }
0x90: {  	v50 =	vld [tilespmem:s25+$0xBC0];
	v25 =	vbroadcast v4, $0x9;
	[tilespmem:s25+$0xAF0] =	vst v36;
	v39 =	vmul.f32 v31, v34  }
0x91: {  	v41 =	vld [tilespmem:s25+$0xB70];
	[tilespmem:s25+$0xB60] =	vst v5;
	v5 =	vmul.f32 v43, v47  }
0x92: {  	v53 =	vld [tilespmem:s25+$0xBE0];
	v36 =	vmul.f32 v29, v25;
	[tilespmem:s25+$0xB10] =	vst v39  }
0x93: {  	v44 =	vld [tilespmem:s25+$0xB90];
	[tilespmem:s25+$0xB80] =	vst v5;
	v5 =	vmul.f32 v46, v47  }
0x94: {  	v42 =	vmul.f32 v35, v34;
	[tilespmem:s25+$0xCD0] =	vst v36;
	v56 =	vld [tilespmem:s25+$0xC00]  }
0x95: {  	v48 =	vld [tilespmem:s25+$0xBB0];
	[tilespmem:s25+$0xBA0] =	vst v5;
	v5 =	vmul.f32 v50, v47  }
0x96: {  	[tilespmem:s25+$0xB30] =	vst v42;
	v49 =	vmul.f32 v41, v34;
	v59 =	vld [tilespmem:s25+$0xC20]  }
0x97: {  	v42 =	vld [tilespmem:s25+$0xD50];
	[tilespmem:s25+$0xBC0] =	vst v5;
	v5 =	vmul.f32 v53, v47  }
0x98: {  	v63 =	vld [tilespmem:s25+$0xC40];
	[tilespmem:s25+$0xB70] =	vst v49;
	v52 =	vmul.f32 v44, v47  }
0x99: {  	v54 =	vld [tilespmem:s25+$0xBF0];
	[tilespmem:s25+$0xBE0] =	vst v5;
	v5 =	vmul.f32 v56, v60  }
0x9a: {  	v38 =	vbroadcast v4, $0xA;
	v18 =	vld [tilespmem:s25+$0xC60];
	[tilespmem:s25+$0xB90] =	vst v52;
	v55 =	vmul.f32 v48, v47  }
0x9b: {  	v57 =	vld [tilespmem:s25+$0xC10];
	[tilespmem:s25+$0xC00] =	vst v5;
	v5 =	vmul.f32 v59, v60  }
0x9c: {  	v49 =	vmul.f32 v42, v38;
	[tilespmem:s25+$0xBB0] =	vst v55;
	v21 =	vld [tilespmem:s25+$0xC80]  }
0x9d: {  	v55 =	vld [tilespmem:s25+$0xDD0];
	[tilespmem:s25+$0xC20] =	vst v5;
	v5 =	vmul.f32 v63, v60  }
0x9e: {  	[tilespmem:s25+$0xD50] =	vst v49;
	v62 =	vmul.f32 v54, v47;
	v24 =	vld [tilespmem:s25+$0xCA0]  }
0x9f: {  	v61 =	vld [tilespmem:s25+$0xC30];
	[tilespmem:s25+$0xC40] =	vst v5;
	v5 =	vmul.f32 v18, v60  }
0xa0: {  	v51 =	vbroadcast v4, $0xB;
	v28 =	vld [tilespmem:s25+$0xCC0];
	[tilespmem:s25+$0xBF0] =	vst v62;
	v17 =	vmul.f32 v57, v60  }
0xa1: {  	v19 =	vld [tilespmem:s25+$0xC70];
	[tilespmem:s25+$0xC60] =	vst v5;
	v5 =	vmul.f32 v21, v25  }
0xa2: {  	v31 =	vld [tilespmem:s25+$0xCE0];
	v62 =	vmul.f32 v55, v51;
	[tilespmem:s25+$0xC10] =	vst v17  }
0xa3: {  	v16 =	vbroadcast v4, $0xC;
	v55 =	vld [tilespmem:s25+$0xFB0];
	[tilespmem:s25+$0xC80] =	vst v5;
	v5 =	vmul.f32 v24, v25  }
0xa4: {  	v29 =	vbroadcast v4, $0xD;
	v20 =	vmul.f32 v61, v60;
	[tilespmem:s25+$0xDD0] =	vst v62;
	v34 =	vld [tilespmem:s25+$0xD00]  }
0xa5: {  	v22 =	vld [tilespmem:s25+$0xC90];
	v42 =	vbroadcast v4, $0xE;
	[tilespmem:s25+$0xCA0] =	vst v5;
	v5 =	vmul.f32 v28, v25  }
0xa6: {  	v4 =	vbroadcast v4, $0xF;
	[tilespmem:s25+$0xC30] =	vst v20;
	v27 =	vmul.f32 v19, v60;
	v37 =	vld [tilespmem:s25+$0xD20]  }
0xa7: {  	v20 =	vld [tilespmem:s25+$0xE50];
	[tilespmem:s25+$0xCC0] =	vst v5;
	v5 =	vmul.f32 v31, v25  }
0xa8: {  	v41 =	vld [tilespmem:s25+$0xD40];
	v62 =	vmul.f32 v55, v4;
	[tilespmem:s25+$0xC70] =	vst v27  }
0xa9: {  	v26 =	vld [tilespmem:s25+$0xCB0];
	[tilespmem:s25+$0xCE0] =	vst v5;
	v5 =	vmul.f32 v34, v38  }
0xaa: {  	v44 =	vld [tilespmem:s25+$0xD60];
	v30 =	vmul.f32 v22, v25;
	[tilespmem:s25+$0xFB0] =	vst v62  }
0xab: {  	v32 =	vld [tilespmem:s25+$0xCF0];
	[tilespmem:s25+$0xD00] =	vst v5;
	v5 =	vmul.f32 v37, v38  }
0xac: {  	v27 =	vmul.f32 v20, v16;
	[tilespmem:s25+$0xC90] =	vst v30;
	v47 =	vld [tilespmem:s25+$0xD80]  }
0xad: {  	v35 =	vld [tilespmem:s25+$0xD10];
	[tilespmem:s25+$0xD20] =	vst v5;
	v5 =	vmul.f32 v41, v38  }
0xae: {  	v33 =	vmul.f32 v26, v25;
	[tilespmem:s25+$0xE50] =	vst v27;
	v50 =	vld [tilespmem:s25+$0xDA0]  }
0xaf: {  	v39 =	vld [tilespmem:s25+$0xD30];
	[tilespmem:s25+$0xD40] =	vst v5;
	v5 =	vmul.f32 v44, v38  }
0xb0: {  	v54 =	vld [tilespmem:s25+$0xDC0];
	[tilespmem:s25+$0xCB0] =	vst v33;
	v40 =	vmul.f32 v32, v25  }
0xb1: {  	v33 =	vld [tilespmem:s25+$0xED0];
	[tilespmem:s25+$0xD60] =	vst v5;
	v5 =	vmul.f32 v47, v51  }
0xb2: {  	v57 =	vld [tilespmem:s25+$0xDE0];
	[tilespmem:s25+$0xCF0] =	vst v40;
	v43 =	vmul.f32 v35, v38  }
0xb3: {  	v45 =	vld [tilespmem:s25+$0xD70];
	[tilespmem:s25+$0xD80] =	vst v5;
	v5 =	vmul.f32 v50, v51  }
0xb4: {  	[tilespmem:s25+$0xD10] =	vst v43;
	v46 =	vmul.f32 v39, v38;
	v60 =	vld [tilespmem:s25+$0xE00]  }
0xb5: {  	v48 =	vld [tilespmem:s25+$0xD90];
	[tilespmem:s25+$0xDA0] =	vst v5;
	v5 =	vmul.f32 v54, v51  }
0xb6: {  	v40 =	vmul.f32 v33, v29;
	[tilespmem:s25+$0xD30] =	vst v46;
	v63 =	vld [tilespmem:s25+$0xE20]  }
0xb7: {  	v46 =	vld [tilespmem:s25+$0xF50];
	[tilespmem:s25+$0xDC0] =	vst v5;
	v5 =	vmul.f32 v57, v51  }
0xb8: {  	v19 =	vld [tilespmem:s25+$0xE40];
	[tilespmem:s25+$0xED0] =	vst v40;
	v53 =	vmul.f32 v45, v38  }
0xb9: {  	v52 =	vld [tilespmem:s25+$0xDB0];
	[tilespmem:s25+$0xDE0] =	vst v5;
	v5 =	vmul.f32 v60, v16  }
0xba: {  	v22 =	vld [tilespmem:s25+$0xE60];
	[tilespmem:s25+$0xD70] =	vst v53;
	v56 =	vmul.f32 v48, v51  }
0xbb: {  	v49 =	vld [tilespmem:s25+$0xF70];
	[tilespmem:s25+$0xE00] =	vst v5;
	v5 =	vmul.f32 v63, v16  }
0xbc: {  	v53 =	vmul.f32 v46, v42;
	[tilespmem:s25+$0xD90] =	vst v56;
	v25 =	vld [tilespmem:s25+$0xE80]  }
0xbd: {  	v58 =	vld [tilespmem:s25+$0xDF0];
	[tilespmem:s25+$0xE20] =	vst v5;
	v5 =	vmul.f32 v19, v16  }
0xbe: {  	v59 =	vmul.f32 v52, v51;
	[tilespmem:s25+$0xF50] =	vst v53;
	v28 =	vld [tilespmem:s25+$0xEA0]  }
0xbf: {  	v52 =	vld [tilespmem:s25+$0xF90];
	[tilespmem:s25+$0xE40] =	vst v5;
	v5 =	vmul.f32 v22, v16  }
0xc0: {  	v32 =	vld [tilespmem:s25+$0xEC0];
	v56 =	vmul.f32 v49, v42;
	[tilespmem:s25+$0xDB0] =	vst v59  }
0xc1: {  	v61 =	vld [tilespmem:s25+$0xE10];
	[tilespmem:s25+$0xE60] =	vst v5;
	v5 =	vmul.f32 v25, v29  }
0xc2: {  	v35 =	vld [tilespmem:s25+$0xEE0];
	[tilespmem:s25+$0xF70] =	vst v56;
	v18 =	vmul.f32 v58, v51  }
0xc3: {  	v17 =	vld [tilespmem:s25+$0xE30];
	[tilespmem:s25+$0xE80] =	vst v5;
	v5 =	vmul.f32 v28, v29  }
0xc4: {  	v59 =	vmul.f32 v52, v4;
	[tilespmem:s25+$0xDF0] =	vst v18;
	v38 =	vld [tilespmem:s25+$0xF00]  }
0xc5: {  	v23 =	vld [tilespmem:s25+$0xE70];
	[tilespmem:s25+$0xEA0] =	vst v5;
	v5 =	vmul.f32 v32, v29  }
0xc6: {  	v21 =	vmul.f32 v61, v16;
	[tilespmem:s25+$0xF90] =	vst v59;
	v41 =	vld [tilespmem:s25+$0xF20]  }
0xc7: {  	v26 =	vld [tilespmem:s25+$0xE90];
	[tilespmem:s25+$0xEC0] =	vst v5;
	v5 =	vmul.f32 v35, v29  }
0xc8: {  	v45 =	vld [tilespmem:s25+$0xF40];
	[tilespmem:s25+$0xE10] =	vst v21;
	v24 =	vmul.f32 v17, v16  }
0xc9: {  	v30 =	vld [tilespmem:s25+$0xEB0];
	[tilespmem:s25+$0xEE0] =	vst v5;
	v5 =	vmul.f32 v38, v42  }
0xca: {  	v48 =	vld [tilespmem:s25+$0xF60];
	[tilespmem:s25+$0xE30] =	vst v24;
	v31 =	vmul.f32 v23, v16  }
0xcb: {  	v36 =	vld [tilespmem:s25+$0xEF0];
	[tilespmem:s25+$0xF00] =	vst v5;
	v5 =	vmul.f32 v41, v42  }
0xcc: {  	[tilespmem:s25+$0xE70] =	vst v31;
	v34 =	vmul.f32 v26, v29;
	v51 =	vld [tilespmem:s25+$0xF80]  }
0xcd: {  	v39 =	vld [tilespmem:s25+$0xF10];
	[tilespmem:s25+$0xF20] =	vst v5;
	v5 =	vmul.f32 v45, v42  }
0xce: {  	[tilespmem:s25+$0xE90] =	vst v34;
	v37 =	vmul.f32 v30, v29;
	v54 =	vld [tilespmem:s25+$0xFA0]  }
0xcf: {  	v43 =	vld [tilespmem:s25+$0xF30];
	[tilespmem:s25+$0xF40] =	vst v5;
	v5 =	vmul.f32 v48, v42  }
0xd0: {  	[tilespmem:s25+$0xEB0] =	vst v37;
	v44 =	vmul.f32 v36, v29;
	v57 =	vld [tilespmem:s25+$0xFC0]  }
0xd1: {  	v58 =	vld [tilespmem:s25+$0xFD0];
	[tilespmem:s25+$0xF60] =	vst v5;
	v5 =	vmul.f32 v51, v4  }
0xd2: {  	[tilespmem:s25+$0xEF0] =	vst v44;
	v47 =	vmul.f32 v39, v42;
	v60 =	vld [tilespmem:s25+$0xFE0]  }
0xd3: {  	v61 =	vld [tilespmem:s25+$0xFF0];
	[tilespmem:s25+$0xF80] =	vst v5;
	v5 =	vmul.f32 v54, v4  }
0xd4: {  	[tilespmem:s25+$0xF10] =	vst v47;
	v50 =	vmul.f32 v43, v42  }
0xd5: {  	p1 =	sne.s32 s24, $0x18;
	[tilespmem:s25+$0xFA0] =	vst v5;
	v5 =	vmul.f32 v57, v4  }
.Ltmp2:
0xd6: {  	[tilespmem:s25+$0xF30] =	vst v50;
	v63 =	vmul.f32 v58, v4;
	(pc) =	sbr.rel @p1 .LBB2_7-.Ltmp2, $4  }
0xd7: {  	[tilespmem:s25+$0xFC0] =	vst v5;
	v5 =	vmul.f32 v60, v4  }
0xd8: {  	[tilespmem:s25+$0xFD0] =	vst v63;
	v4 =	vmul.f32 v61, v4  }
0xd9: {  	[tilespmem:s25+$0xFE0] =	vst v5  }
0xda: {  	s24 =	sadd.s32 $0x1, s24;
	[tilespmem:s25+$0xFF0] =	vst v4  }
0xdb: {  	s23 =	sadd.s32 $0x1, s23  }
0xdc: {  	p1 =	sne.s32 s23, $0x64  }
.Ltmp3:
0xdd: {  	_ = 	snop;
	(pc) =	sbr.rel @p1 .LBB2_4-.Ltmp3, $4  }
0xde: {  	[spmem:s1] =	stream.indirect.scatter.add.f32 [tilespmem:s13], [sflag:$0x2], $0x80, s19, s17, $0xb8;
	[tilespmem:$0x16C80] =	vst v63  }
0xdf: {  	_ =	swait.ge [sflag:s14], $0xC800  }
0xe0: {  	[sflag:s14] =	ssyncset.done $0x0  }
0xe1: {  	[sflag:s14] =	ssyncadd.s32 $0xFFFF3800  }
0xe2: {  	[bflag:$0x0] =	sbarrier.arrive $0xFFFF;
	s22 =	simm.s32 @p0 $0x1FC2  }
0xe3: {  	[hbm:s11], [sflag:s22] =	dma.local @p0 [spmem:s20], $0x1400  }
0xe4: {  	s22 =	simm.s32 @p0 $0x2  }
0xe5: {  	_ =	swait.ge @p0 [sflag:s22], $0x1400  }
0xe6: {  	s23 =	sshll.u32 @!p0 s3, $0x6;
	s2 =	sadd.s32 $0x1, s2;
	[sflag:s22] =	ssyncset.done @p0 $0x0  }
0xe7: {  	p1 =	sne.s32 s2, s12;
	[sflag:s22] =	ssyncadd.s32 @p0 $0xFFFFEC00;
	s22 =	sor.u32 @!p0 $0x1C02, s23  }
0xe8: {  	[hbm:s10], [sflag:s22] =	dma.local @!p0 [spmem:s21], $0x1380  }
.Ltmp4:
0xe9: {  	_ = 	snop;
	(pc) =	sbr.rel @p1 .LBB2_1-.Ltmp4, $4  }
0xea: {  	s22 =	simm.s32 @!p0 $0x2  }
0xeb: {  	_ =	swait.ge @!p0 [sflag:s22], $0x1380  }
0xec: {  	[sflag:s22] =	ssyncset.done @!p0 $0x0  }
0xed: {  	[sflag:s22] =	ssyncadd.s32 @!p0 $0xFFFFEC80  }
0xee: {  	_ =	sfence.sel $0x180000  }
0xef: {  	[bflag:$0x0] =	sbarrier.arrive $0xFFFF  }
0xf0: {  	p0 =	sne.s32 s3, $0x0;
	_ =	strace $0x90000047  }
0xf1: {  	s0 =	sadd.s32 @!p0 $0x100000, s0;
	[bflag:$0x2] =	sbarrier.arrive $0xFFFF  }
0xf2: {  	[sflag:s0] =	ssyncadd.tile.s32 @!p0 $0x1;
	_ =	shalt  }
.Lfunc_end2:
_tile_overlayer_lowered:
.L_overlay_start_2:
0xf3: {  	(tag) =	ssettag $0x2  }
0xf4: {  	s0 =	rddreg [dreg:$0x0];
	s2 =	stileid.u32  }
0xf5: {  	s1 =	rddreg [dreg:$0x1];
	p0 =	sne.s32 s2, $0x0  }
0xf6: {  	s3 =	rddreg [dreg:$0x2];
	[bflag:$0x3] =	sbarrier.arrive $0xFFFF;
	s2 =	simm.s32 @!p0 $0x1C02  }
0xf7: {  	[timem:s3], [sflag:s2] =	dma.local @!p0 [hbm:s0], s1  }
0xf8: {  	s0 =	simm.s32 @!p0 $0x2  }
0xf9: {  	_ =	swait.ge @!p0 [sflag:s0], s1  }
0xfa: {  	s1 =	ssub.s32 @!p0 $0x0, s1;
	[sflag:s0] =	ssyncset.done @!p0 $0x0  }
0xfb: {  	[sflag:s0] =	ssyncadd.s32 @!p0 s1  }
0xfc: {  	[bflag:$0x3] =	sbarrier.arrive $0xFFFF  }
0xfd: {  	_ =	shalt  }

</sc_bundles>
